<compile_context>
chip_gen: v7x
topology: tpu7x:2x2x1
jax: 0.10.2.dev20260603
libtpu: 0.0.44.dev20260713+nightly
codegen_flags: <defaults>
</compile_context>

<pallas_src>
import jax
import jax.numpy as jnp
from jax import lax
from jax.experimental import pallas as pl
from jax.experimental.pallas import tpu as pltpu
from jax.experimental.pallas import tpu_sc as plsc

N = 10000
E = 160000
D = 256
H = 128
NC = 2
NS = 16
G = 128
K = 80
KH = K // 2
SH = KH // 2
EP = NS * K * G
KC = EP // (NC * NS * G)
NP = 10112
RPT = NP // NS
TRASH = N
BN = 632

_mesh = plsc.VectorSubcoreMesh(
    core_axis_name="c", subcore_axis_name="s", num_cores=NC, num_subcores=NS
)

_f32 = jnp.float32


def _make_agg():

    out_type = jax.ShapeDtypeStruct((NC, NP, H), _f32)
    scratch = [
        pltpu.VMEM_SHARED((NP, H), _f32),
        pltpu.VMEM((KH, G), jnp.int32),
        pltpu.VMEM((KH, G), jnp.int32),
        pltpu.VMEM((G, H), _f32),
        pltpu.VMEM((G, H), _f32),
        pltpu.SemaphoreType.DMA,
        pltpu.SemaphoreType.DMA,
    ]

    def body(x2, srcI2, dstI, zrows, agg2,
             acc, s_idx, d_idx, buf0, buf1, semA, semB):
        c = lax.axis_index("c")
        s = lax.axis_index("s")
        row0 = s * RPT

        pltpu.sync_copy(zrows, acc.at[pl.ds(row0, RPT)])
        plsc.subcore_barrier()

        def start(j, buf, sem):
            pltpu.async_copy(x2.at[s_idx.at[j]], buf, sem)

        def drain(buf, sem):
            pltpu.make_async_copy(x2.at[s_idx.at[0]], buf, sem).wait()

        for h in range(2):
            pltpu.sync_copy(srcI2.at[c, s, pl.ds(h * KH, KH)], s_idx)
            pltpu.sync_copy(dstI.at[s, pl.ds(h * KH, KH)], d_idx)
            start(0, buf0, semA)

            def step(t, carry):
                start(2 * t + 1, buf1, semB)
                drain(buf0, semA)
                pltpu.sync_copy(buf0, acc.at[d_idx.at[2 * t]], add=True)

                @pl.when(t < SH - 1)
                def _():
                    start(2 * t + 2, buf0, semA)

                drain(buf1, semB)
                pltpu.sync_copy(buf1, acc.at[d_idx.at[2 * t + 1]], add=True)
                return carry

            lax.fori_loop(0, SH, step, 0)

        plsc.subcore_barrier()
        pltpu.sync_copy(acc.at[pl.ds(row0, RPT)],
                        agg2.at[c, pl.ds(row0, RPT)])

    return pl.kernel(body, out_type=out_type, mesh=_mesh, scratch_types=scratch)


def _make_cnt():

    out_type = jax.ShapeDtypeStruct((NC, NP, H), _f32)
    scratch = [
        pltpu.VMEM_SHARED((NP, H), _f32),
        pltpu.VMEM((KC, G), jnp.int32),
        pltpu.VMEM((G, H), _f32),
    ]

    def body(dstI32, zrows, ones, cnt2, cacc, d_idx, ones_v):
        c = lax.axis_index("c")
        s = lax.axis_index("s")
        row0 = s * RPT
        w = 2 * s + c

        pltpu.sync_copy(zrows, cacc.at[pl.ds(row0, RPT)])
        pltpu.sync_copy(dstI32.at[w], d_idx)
        pltpu.sync_copy(ones, ones_v)
        plsc.subcore_barrier()

        def chunk(j, carry):
            pltpu.sync_copy(ones_v, cacc.at[d_idx.at[j]], add=True)
            return carry

        lax.fori_loop(0, KC, chunk, 0)
        plsc.subcore_barrier()

        pltpu.sync_copy(cacc.at[pl.ds(row0, RPT)],
                        cnt2.at[c, pl.ds(row0, RPT)])

    return pl.kernel(body, out_type=out_type, mesh=_mesh, scratch_types=scratch)


_agg = _make_agg()
_cnt = _make_cnt()


def _dot_t(a, w):
    return lax.dot_general(a.astype(jnp.bfloat16), w.astype(jnp.bfloat16),
                           (((1,), (1,)), ((), ())),
                           preferred_element_type=_f32)


def _make_tc_layer(final: bool):

    def body(agg2, cnt, h2, Wl, Wr, bl, out):
        inv = 1.0 / jnp.maximum(cnt[0][:, :1] + cnt[1][:, :1], 1.0)
        acc = _dot_t(agg2[0] * inv, Wl[:, :H])
        acc += _dot_t(agg2[1] * inv, Wl[:, H:])
        acc += _dot_t(h2[0], Wr[:, :H])
        acc += _dot_t(h2[1], Wr[:, H:])
        acc += bl[0, :][None, :]
        if final:
            out[:, :] = acc
        else:
            acc = jnp.maximum(acc, 0.0)
            out[0] = acc[:, :H]
            out[1] = acc[:, H:]

    grid = (NP // BN,)
    half2_blk = pl.BlockSpec((NC, BN, H), lambda i: (0, i, 0))
    in_specs = [
        half2_blk,
        half2_blk,
        half2_blk,
        pl.BlockSpec((D, D), lambda i: (0, 0)),
        pl.BlockSpec((D, D), lambda i: (0, 0)),
        pl.BlockSpec((1, D), lambda i: (0, 0)),
    ]
    if final:
        out_specs = pl.BlockSpec((BN, D), lambda i: (i, 0))
        out_shape = jax.ShapeDtypeStruct((NP, D), _f32)
    else:
        out_specs = half2_blk
        out_shape = jax.ShapeDtypeStruct((NC, NP, H), _f32)
    return pl.pallas_call(
        body, grid=grid, in_specs=in_specs, out_specs=out_specs,
        out_shape=out_shape,
    )


_tc_mid = _make_tc_layer(final=False)
_tc_final = _make_tc_layer(final=True)


def kernel(x, edge_index, Wl0, bl0, Wr0, Wl1, bl1, Wr1,
           Wl2, bl2, Wr2, Wl3, bl3, Wr3):
    src = edge_index[0]
    dst = edge_index[1]
    pad_e = EP - E
    src_p = jnp.concatenate([src, jnp.zeros((pad_e,), jnp.int32)])
    dst_p = jnp.concatenate([dst, jnp.full((pad_e,), TRASH, jnp.int32)])
    srcI = src_p.reshape(NS, K, G)
    srcI2 = jnp.stack([srcI, srcI + NP])
    dstI = dst_p.reshape(NS, K, G)
    dstI32 = dst_p.reshape(NC * NS, KC, G)
    xp = jnp.pad(x, ((0, NP - N), (0, 0)))
    h2 = jnp.stack([xp[:, :H], xp[:, H:]])
    zrows = jnp.zeros((RPT, H), _f32)
    ones = jnp.ones((G, H), _f32)

    cnt2 = _cnt(dstI32, zrows, ones)
    weights = ((Wl0, bl0, Wr0), (Wl1, bl1, Wr1), (Wl2, bl2, Wr2))
    for Wl, bl, Wr in weights:
        agg2 = _agg(h2.reshape(NC * NP, H), srcI2, dstI, zrows)
        h2 = _tc_mid(agg2, cnt2, h2, Wl, Wr, bl.reshape(1, D))
    agg2 = _agg(h2.reshape(NC * NP, H), srcI2, dstI, zrows)
    out = _tc_final(agg2, cnt2, h2, Wl3, Wr3, bl3.reshape(1, D))
    return out[:N]

# --- scband reference (transcript-rebuilt; emitter-appended) ---
"""Pipeline reference for scband-expert-block-72267119722660 (READ-ONLY COPY).

The authoritative reference and input builder live on the scoring server;
editing this copy changes nothing except your own understanding.
"""

import jax, jax.numpy as jnp
import numpy as np

N = 10000
E = 160000
D = 256
N_LAYERS = 4


def setup_inputs(seed: int = 0) -> dict:
    key = jax.random.key(seed)
    ks = jax.random.split(key, 2 + 3 * N_LAYERS)
    inp = {}
    inp["x"] = jax.random.normal(ks[0], (N, D), dtype=jnp.float32)
    inp["edge_index"] = jax.random.randint(ks[1], (2, E), 0, N, dtype=jnp.int32)
    scale = 1.0 / np.sqrt(D)
    for i in range(N_LAYERS):
        inp[f"Wl{i}"] = jax.random.normal(ks[2 + 3 * i], (D, D), dtype=jnp.float32) * scale
        inp[f"bl{i}"] = jnp.zeros((D,), dtype=jnp.float32)
        inp[f"Wr{i}"] = jax.random.normal(ks[3 + 3 * i], (D, D), dtype=jnp.float32) * scale
    return inp


def _sage_conv(x, src, dst, Wl, bl, Wr):
    # SAGEConv: out = lin_l(mean_{j in N(i)} x_j) + lin_r(x_i)
    msgs = jnp.take(x, src, axis=0)
    s = jax.ops.segment_sum(msgs, dst, num_segments=N)
    cnt = jax.ops.segment_sum(jnp.ones((src.shape[0],), dtype=x.dtype), dst, num_segments=N)
    mean = s / jnp.maximum(cnt, 1.0)[:, None]
    return mean @ Wl.T + bl + x @ Wr.T


def reference(x, edge_index, Wl0, bl0, Wr0, Wl1, bl1, Wr1, Wl2, bl2, Wr2, Wl3, bl3, Wr3):
    src = edge_index[0]
    dst = edge_index[1]
    h = jax.nn.relu(_sage_conv(x, src, dst, Wl0, bl0, Wr0))
    h = jax.nn.relu(_sage_conv(h, src, dst, Wl1, bl1, Wr1))
    h = jax.nn.relu(_sage_conv(h, src, dst, Wl2, bl2, Wr2))
    return _sage_conv(h, src, dst, Wl3, bl3, Wr3)

if __name__ == "__main__":
    import jax
    _d = setup_inputs()
    print(jax.jit(kernel)(*tuple(_d.values())))

</pallas_src>

<mosaic_0001>
#map = affine_map<(d0, d1) -> (0, 0)>
#map1 = affine_map<(d0, d1) -> (0, 0, 0, 0)>
#map2 = affine_map<(d0, d1) -> (0, 0, 0)>
module attributes {stable_mosaic.version = 14 : i64} {
  func.func @body(%arg0: i32, %arg1: i32, %arg2: memref<20224x128xf32, #tpu.memory_space<hbm>>, %arg3: memref<2x16x80x128xi32, #tpu.memory_space<hbm>>, %arg4: memref<16x80x128xi32, #tpu.memory_space<hbm>>, %arg5: memref<632x128xf32, #tpu.memory_space<hbm>>, %arg6: memref<2x10112x128xf32, #tpu.memory_space<hbm>>, %arg7: memref<10112x128xf32, #tpu.memory_space<vmem_shared>>, %arg8: memref<40x128xi32, #tpu.memory_space<vmem>>, %arg9: memref<40x128xi32, #tpu.memory_space<vmem>>, %arg10: memref<128x128xf32, #tpu.memory_space<vmem>>, %arg11: memref<128x128xf32, #tpu.memory_space<vmem>>, %arg12: memref<!tpu.dma_semaphore, #tpu.memory_space<semaphore_mem>>, %arg13: memref<!tpu.dma_semaphore, #tpu.memory_space<semaphore_mem>>) attributes {dimension_semantics = [#tpu.dimension_semantics<core_parallel>, #tpu.dimension_semantics<subcore_parallel>], iteration_bounds = array<i64: 2, 16>, scalar_prefetch = 0 : i64, scratch_operands = 7 : i64, tpu.core_type = #tpu.core_type<sc_vector_subcore>, window_params = [{transform_indices = #map}, {transform_indices = #map1}, {transform_indices = #map2}, {transform_indices = #map}, {transform_indices = #map2}]} {
    %mul3A = arith.constant 632 : i32
    %mul3A_0 = arith.muli %arg1, %mul3A : i32
    "tpu.region"() ({
      %run_scoped3A = tpu.sem_alloc : memref<!tpu.dma_semaphore, #tpu.memory_space<semaphore_mem>>
      %dma_start3A_26 = arith.constant 0 : i32
      %dma_start3A_27 = tpu.memref_slice %arg7[%mul3A_0, %dma_start3A_26] : memref<10112x128xf32, #tpu.memory_space<vmem_shared>> -> memref<632x128xf32, #tpu.memory_space<vmem_shared>>
      tpu.enqueue_dma source(%arg5 : memref<632x128xf32, #tpu.memory_space<hbm>>) target(%dma_start3A_27 : memref<632x128xf32, #tpu.memory_space<vmem_shared>>) target_semaphore(%run_scoped3A : memref<!tpu.dma_semaphore, #tpu.memory_space<semaphore_mem>>)
      %dma_wait3A = arith.constant 0 : i32
      %dma_wait3A_28 = tpu.memref_slice %arg7[%mul3A_0, %dma_wait3A] : memref<10112x128xf32, #tpu.memory_space<vmem_shared>> -> memref<632x128xf32, #tpu.memory_space<vmem_shared>>
      tpu.wait_dma2 semaphore(%run_scoped3A : memref<!tpu.dma_semaphore, #tpu.memory_space<semaphore_mem>>) src(%arg5 : memref<632x128xf32, #tpu.memory_space<hbm>>) dst(%dma_wait3A_28 : memref<632x128xf32, #tpu.memory_space<vmem_shared>>)
      tpu.yield
    }) : () -> ()
    %barrier3A = arith.constant 0 : index
    tpu.barrier barrier_id(%barrier3A)
    "tpu.region"() ({
      %run_scoped3A = tpu.sem_alloc : memref<!tpu.dma_semaphore, #tpu.memory_space<semaphore_mem>>
      %dma_start3A_26 = arith.constant 0 : i32
      %dma_start3A_27 = arith.constant 0 : i32
      %dma_start3A_28 = tpu.memref_slice %arg3[%arg0, %arg1, %dma_start3A_26, %dma_start3A_27] : memref<2x16x80x128xi32, #tpu.memory_space<hbm>> -> memref<1x1x40x128xi32, #tpu.memory_space<hbm>>
      %dma_start3A_29 = tpu.memref_squeeze %dma_start3A_28 : memref<1x1x40x128xi32, #tpu.memory_space<hbm>> -> memref<40x128xi32, #tpu.memory_space<hbm>>
      %dma_start3A_30 = arith.constant 0 : i32
      %dma_start3A_31 = arith.constant 0 : i32
      %dma_start3A_32 = tpu.memref_slice %arg3[%arg0, %arg1, %dma_start3A_30, %dma_start3A_31] : memref<2x16x80x128xi32, #tpu.memory_space<hbm>> -> memref<1x1x40x128xi32, #tpu.memory_space<hbm>>
      %dma_start3A_33 = tpu.memref_squeeze %dma_start3A_32 : memref<1x1x40x128xi32, #tpu.memory_space<hbm>> -> memref<40x128xi32, #tpu.memory_space<hbm>>
      tpu.enqueue_dma source(%dma_start3A_33 : memref<40x128xi32, #tpu.memory_space<hbm>>) target(%arg8 : memref<40x128xi32, #tpu.memory_space<vmem>>) target_semaphore(%run_scoped3A : memref<!tpu.dma_semaphore, #tpu.memory_space<semaphore_mem>>)
      %dma_wait3A = arith.constant 0 : i32
      %dma_wait3A_34 = arith.constant 0 : i32
      %dma_wait3A_35 = tpu.memref_slice %arg3[%arg0, %arg1, %dma_wait3A, %dma_wait3A_34] : memref<2x16x80x128xi32, #tpu.memory_space<hbm>> -> memref<1x1x40x128xi32, #tpu.memory_space<hbm>>
      %dma_wait3A_36 = tpu.memref_squeeze %dma_wait3A_35 : memref<1x1x40x128xi32, #tpu.memory_space<hbm>> -> memref<40x128xi32, #tpu.memory_space<hbm>>
      %dma_wait3A_37 = arith.constant 0 : i32
      %dma_wait3A_38 = arith.constant 0 : i32
      %dma_wait3A_39 = tpu.memref_slice %arg3[%arg0, %arg1, %dma_wait3A_37, %dma_wait3A_38] : memref<2x16x80x128xi32, #tpu.memory_space<hbm>> -> memref<1x1x40x128xi32, #tpu.memory_space<hbm>>
      %dma_wait3A_40 = tpu.memref_squeeze %dma_wait3A_39 : memref<1x1x40x128xi32, #tpu.memory_space<hbm>> -> memref<40x128xi32, #tpu.memory_space<hbm>>
      tpu.wait_dma2 semaphore(%run_scoped3A : memref<!tpu.dma_semaphore, #tpu.memory_space<semaphore_mem>>) src(%dma_wait3A_40 : memref<40x128xi32, #tpu.memory_space<hbm>>) dst(%arg8 : memref<40x128xi32, #tpu.memory_space<vmem>>)
      tpu.yield
    }) : () -> ()
    "tpu.region"() ({
      %run_scoped3A = tpu.sem_alloc : memref<!tpu.dma_semaphore, #tpu.memory_space<semaphore_mem>>
      %dma_start3A_26 = arith.constant 0 : i32
      %dma_start3A_27 = arith.constant 0 : i32
      %dma_start3A_28 = tpu.memref_slice %arg4[%arg1, %dma_start3A_26, %dma_start3A_27] : memref<16x80x128xi32, #tpu.memory_space<hbm>> -> memref<1x40x128xi32, #tpu.memory_space<hbm>>
      %dma_start3A_29 = tpu.memref_squeeze %dma_start3A_28 : memref<1x40x128xi32, #tpu.memory_space<hbm>> -> memref<40x128xi32, #tpu.memory_space<hbm>>
      %dma_start3A_30 = arith.constant 0 : i32
      %dma_start3A_31 = arith.constant 0 : i32
      %dma_start3A_32 = tpu.memref_slice %arg4[%arg1, %dma_start3A_30, %dma_start3A_31] : memref<16x80x128xi32, #tpu.memory_space<hbm>> -> memref<1x40x128xi32, #tpu.memory_space<hbm>>
      %dma_start3A_33 = tpu.memref_squeeze %dma_start3A_32 : memref<1x40x128xi32, #tpu.memory_space<hbm>> -> memref<40x128xi32, #tpu.memory_space<hbm>>
      tpu.enqueue_dma source(%dma_start3A_33 : memref<40x128xi32, #tpu.memory_space<hbm>>) target(%arg9 : memref<40x128xi32, #tpu.memory_space<vmem>>) target_semaphore(%run_scoped3A : memref<!tpu.dma_semaphore, #tpu.memory_space<semaphore_mem>>)
      %dma_wait3A = arith.constant 0 : i32
      %dma_wait3A_34 = arith.constant 0 : i32
      %dma_wait3A_35 = tpu.memref_slice %arg4[%arg1, %dma_wait3A, %dma_wait3A_34] : memref<16x80x128xi32, #tpu.memory_space<hbm>> -> memref<1x40x128xi32, #tpu.memory_space<hbm>>
      %dma_wait3A_36 = tpu.memref_squeeze %dma_wait3A_35 : memref<1x40x128xi32, #tpu.memory_space<hbm>> -> memref<40x128xi32, #tpu.memory_space<hbm>>
      %dma_wait3A_37 = arith.constant 0 : i32
      %dma_wait3A_38 = arith.constant 0 : i32
      %dma_wait3A_39 = tpu.memref_slice %arg4[%arg1, %dma_wait3A_37, %dma_wait3A_38] : memref<16x80x128xi32, #tpu.memory_space<hbm>> -> memref<1x40x128xi32, #tpu.memory_space<hbm>>
      %dma_wait3A_40 = tpu.memref_squeeze %dma_wait3A_39 : memref<1x40x128xi32, #tpu.memory_space<hbm>> -> memref<40x128xi32, #tpu.memory_space<hbm>>
      tpu.wait_dma2 semaphore(%run_scoped3A : memref<!tpu.dma_semaphore, #tpu.memory_space<semaphore_mem>>) src(%dma_wait3A_40 : memref<40x128xi32, #tpu.memory_space<hbm>>) dst(%arg9 : memref<40x128xi32, #tpu.memory_space<vmem>>)
      tpu.yield
    }) : () -> ()
    %dma_start3A = arith.constant 0 : i32
    %dma_start3A_1 = arith.constant 0 : i32
    %dma_start3A_2 = tpu.memref_slice %arg8[%dma_start3A, %dma_start3A_1] : memref<40x128xi32, #tpu.memory_space<vmem>> -> memref<1x128xi32, #tpu.memory_space<vmem>>
    %dma_start3A_3 = tpu.memref_squeeze %dma_start3A_2 : memref<1x128xi32, #tpu.memory_space<vmem>> -> memref<128xi32, #tpu.memory_space<vmem>>
    %dma_start3A_4 = arith.constant 0 : i32
    %dma_start3A_5 = arith.constant 0 : i32
    %dma_start3A_6 = tpu.memref_slice %arg2[%dma_start3A_4, %dma_start3A_5] : memref<20224x128xf32, #tpu.memory_space<hbm>> -> memref<20224x128xf32, #tpu.memory_space<hbm>>
    tpu.enqueue_indirect_dma source(%dma_start3A_6 : memref<20224x128xf32, #tpu.memory_space<hbm>>) target(%arg10 : memref<128x128xf32, #tpu.memory_space<vmem>>) offsets(%dma_start3A_3 : memref<128xi32, #tpu.memory_space<vmem>>) semaphore(%arg12 : memref<!tpu.dma_semaphore, #tpu.memory_space<semaphore_mem>>)
    %scan3A = arith.constant 0 : i32
    %scan3A_7 = arith.constant 0 : i32
    %scan3A_8 = arith.constant 20 : i32
    %scan3A_9 = arith.addi %scan3A_7, %scan3A_8 : i32
    %scan3A_10 = arith.constant 1 : i32
    scf.for %scan3A_26 = %scan3A_7 to %scan3A_9 step %scan3A_10  : i32 {
      %mul3A_27 = arith.constant 2 : i32
      %mul3A_28 = arith.muli %mul3A_27, %scan3A_26 : i32
      %add3A = arith.constant 1 : i32
      %add3A_29 = arith.addi %mul3A_28, %add3A : i32
      %dma_start3A_30 = arith.constant 0 : i32
      %dma_start3A_31 = tpu.memref_slice %arg8[%add3A_29, %dma_start3A_30] : memref<40x128xi32, #tpu.memory_space<vmem>> -> memref<1x128xi32, #tpu.memory_space<vmem>>
      %dma_start3A_32 = tpu.memref_squeeze %dma_start3A_31 : memref<1x128xi32, #tpu.memory_space<vmem>> -> memref<128xi32, #tpu.memory_space<vmem>>
      %dma_start3A_33 = arith.constant 0 : i32
      %dma_start3A_34 = arith.constant 0 : i32
      %dma_start3A_35 = tpu.memref_slice %arg2[%dma_start3A_33, %dma_start3A_34] : memref<20224x128xf32, #tpu.memory_space<hbm>> -> memref<20224x128xf32, #tpu.memory_space<hbm>>
      tpu.enqueue_indirect_dma source(%dma_start3A_35 : memref<20224x128xf32, #tpu.memory_space<hbm>>) target(%arg11 : memref<128x128xf32, #tpu.memory_space<vmem>>) offsets(%dma_start3A_32 : memref<128xi32, #tpu.memory_space<vmem>>) semaphore(%arg13 : memref<!tpu.dma_semaphore, #tpu.memory_space<semaphore_mem>>)
      %dma_wait3A = arith.constant 0 : i32
      %dma_wait3A_36 = arith.constant 0 : i32
      %dma_wait3A_37 = tpu.memref_slice %arg8[%dma_wait3A, %dma_wait3A_36] : memref<40x128xi32, #tpu.memory_space<vmem>> -> memref<1x128xi32, #tpu.memory_space<vmem>>
      %dma_wait3A_38 = tpu.memref_squeeze %dma_wait3A_37 : memref<1x128xi32, #tpu.memory_space<vmem>> -> memref<128xi32, #tpu.memory_space<vmem>>
      %dma_wait3A_39 = arith.constant 0 : i32
      %dma_wait3A_40 = arith.constant 0 : i32
      %dma_wait3A_41 = tpu.memref_slice %arg2[%dma_wait3A_39, %dma_wait3A_40] : memref<20224x128xf32, #tpu.memory_space<hbm>> -> memref<20224x128xf32, #tpu.memory_space<hbm>>
      tpu.wait_indirect_dma semaphore(%arg12 : memref<!tpu.dma_semaphore, #tpu.memory_space<semaphore_mem>>) src(%dma_wait3A_41 : memref<20224x128xf32, #tpu.memory_space<hbm>>) dst(%arg10 : memref<128x128xf32, #tpu.memory_space<vmem>>)
      %mul3A_42 = arith.constant 2 : i32
      %mul3A_43 = arith.muli %mul3A_42, %scan3A_26 : i32
      "tpu.region"() ({
        %run_scoped3A = tpu.sem_alloc : memref<!tpu.dma_semaphore, #tpu.memory_space<semaphore_mem>>
        %dma_start3A_57 = arith.constant 0 : i32
        %dma_start3A_58 = tpu.memref_slice %arg9[%mul3A_43, %dma_start3A_57] : memref<40x128xi32, #tpu.memory_space<vmem>> -> memref<1x128xi32, #tpu.memory_space<vmem>>
        %dma_start3A_59 = tpu.memref_squeeze %dma_start3A_58 : memref<1x128xi32, #tpu.memory_space<vmem>> -> memref<128xi32, #tpu.memory_space<vmem>>
        %dma_start3A_60 = arith.constant 0 : i32
        %dma_start3A_61 = arith.constant 0 : i32
        %dma_start3A_62 = tpu.memref_slice %arg7[%dma_start3A_60, %dma_start3A_61] : memref<10112x128xf32, #tpu.memory_space<vmem_shared>> -> memref<10112x128xf32, #tpu.memory_space<vmem_shared>>
        tpu.enqueue_indirect_dma source(%arg10 : memref<128x128xf32, #tpu.memory_space<vmem>>) target(%dma_start3A_62 : memref<10112x128xf32, #tpu.memory_space<vmem_shared>>) offsets(%dma_start3A_59 : memref<128xi32, #tpu.memory_space<vmem>>) semaphore(%run_scoped3A : memref<!tpu.dma_semaphore, #tpu.memory_space<semaphore_mem>>) {add = true}
        %dma_wait3A_63 = arith.constant 0 : i32
        %dma_wait3A_64 = tpu.memref_slice %arg9[%mul3A_43, %dma_wait3A_63] : memref<40x128xi32, #tpu.memory_space<vmem>> -> memref<1x128xi32, #tpu.memory_space<vmem>>
        %dma_wait3A_65 = tpu.memref_squeeze %dma_wait3A_64 : memref<1x128xi32, #tpu.memory_space<vmem>> -> memref<128xi32, #tpu.memory_space<vmem>>
        %dma_wait3A_66 = arith.constant 0 : i32
        %dma_wait3A_67 = arith.constant 0 : i32
        %dma_wait3A_68 = tpu.memref_slice %arg7[%dma_wait3A_66, %dma_wait3A_67] : memref<10112x128xf32, #tpu.memory_space<vmem_shared>> -> memref<10112x128xf32, #tpu.memory_space<vmem_shared>>
        tpu.wait_indirect_dma semaphore(%run_scoped3A : memref<!tpu.dma_semaphore, #tpu.memory_space<semaphore_mem>>) src(%arg10 : memref<128x128xf32, #tpu.memory_space<vmem>>) dst(%dma_wait3A_68 : memref<10112x128xf32, #tpu.memory_space<vmem_shared>>)
        tpu.yield
      }) : () -> ()
      %lt3A = arith.constant 19 : i32
      %lt3A_44 = arith.cmpi slt, %scan3A_26, %lt3A : i32
      %convert_element_type3A = arith.extui %lt3A_44 : i1 to i32
      %cond3A = arith.constant 0 : i32
      %cond3A_45 = arith.cmpi ne, %convert_element_type3A, %cond3A : i32
      scf.if %cond3A_45 {
        %mul3A_57 = arith.constant 2 : i32
        %mul3A_58 = arith.muli %mul3A_57, %scan3A_26 : i32
        %add3A_59 = arith.constant 2 : i32
        %add3A_60 = arith.addi %mul3A_58, %add3A_59 : i32
        %dma_start3A_61 = arith.constant 0 : i32
        %dma_start3A_62 = tpu.memref_slice %arg8[%add3A_60, %dma_start3A_61] : memref<40x128xi32, #tpu.memory_space<vmem>> -> memref<1x128xi32, #tpu.memory_space<vmem>>
        %dma_start3A_63 = tpu.memref_squeeze %dma_start3A_62 : memref<1x128xi32, #tpu.memory_space<vmem>> -> memref<128xi32, #tpu.memory_space<vmem>>
        %dma_start3A_64 = arith.constant 0 : i32
        %dma_start3A_65 = arith.constant 0 : i32
        %dma_start3A_66 = tpu.memref_slice %arg2[%dma_start3A_64, %dma_start3A_65] : memref<20224x128xf32, #tpu.memory_space<hbm>> -> memref<20224x128xf32, #tpu.memory_space<hbm>>
        tpu.enqueue_indirect_dma source(%dma_start3A_66 : memref<20224x128xf32, #tpu.memory_space<hbm>>) target(%arg10 : memref<128x128xf32, #tpu.memory_space<vmem>>) offsets(%dma_start3A_63 : memref<128xi32, #tpu.memory_space<vmem>>) semaphore(%arg12 : memref<!tpu.dma_semaphore, #tpu.memory_space<semaphore_mem>>)
      } else {
      }
      %dma_wait3A_46 = arith.constant 0 : i32
      %dma_wait3A_47 = arith.constant 0 : i32
      %dma_wait3A_48 = tpu.memref_slice %arg8[%dma_wait3A_46, %dma_wait3A_47] : memref<40x128xi32, #tpu.memory_space<vmem>> -> memref<1x128xi32, #tpu.memory_space<vmem>>
      %dma_wait3A_49 = tpu.memref_squeeze %dma_wait3A_48 : memref<1x128xi32, #tpu.memory_space<vmem>> -> memref<128xi32, #tpu.memory_space<vmem>>
      %dma_wait3A_50 = arith.constant 0 : i32
      %dma_wait3A_51 = arith.constant 0 : i32
      %dma_wait3A_52 = tpu.memref_slice %arg2[%dma_wait3A_50, %dma_wait3A_51] : memref<20224x128xf32, #tpu.memory_space<hbm>> -> memref<20224x128xf32, #tpu.memory_space<hbm>>
      tpu.wait_indirect_dma semaphore(%arg13 : memref<!tpu.dma_semaphore, #tpu.memory_space<semaphore_mem>>) src(%dma_wait3A_52 : memref<20224x128xf32, #tpu.memory_space<hbm>>) dst(%arg11 : memref<128x128xf32, #tpu.memory_space<vmem>>)
      %mul3A_53 = arith.constant 2 : i32
      %mul3A_54 = arith.muli %mul3A_53, %scan3A_26 : i32
      %add3A_55 = arith.constant 1 : i32
      %add3A_56 = arith.addi %mul3A_54, %add3A_55 : i32
      "tpu.region"() ({
        %run_scoped3A = tpu.sem_alloc : memref<!tpu.dma_semaphore, #tpu.memory_space<semaphore_mem>>
        %dma_start3A_57 = arith.constant 0 : i32
        %dma_start3A_58 = tpu.memref_slice %arg9[%add3A_56, %dma_start3A_57] : memref<40x128xi32, #tpu.memory_space<vmem>> -> memref<1x128xi32, #tpu.memory_space<vmem>>
        %dma_start3A_59 = tpu.memref_squeeze %dma_start3A_58 : memref<1x128xi32, #tpu.memory_space<vmem>> -> memref<128xi32, #tpu.memory_space<vmem>>
        %dma_start3A_60 = arith.constant 0 : i32
        %dma_start3A_61 = arith.constant 0 : i32
        %dma_start3A_62 = tpu.memref_slice %arg7[%dma_start3A_60, %dma_start3A_61] : memref<10112x128xf32, #tpu.memory_space<vmem_shared>> -> memref<10112x128xf32, #tpu.memory_space<vmem_shared>>
        tpu.enqueue_indirect_dma source(%arg11 : memref<128x128xf32, #tpu.memory_space<vmem>>) target(%dma_start3A_62 : memref<10112x128xf32, #tpu.memory_space<vmem_shared>>) offsets(%dma_start3A_59 : memref<128xi32, #tpu.memory_space<vmem>>) semaphore(%run_scoped3A : memref<!tpu.dma_semaphore, #tpu.memory_space<semaphore_mem>>) {add = true}
        %dma_wait3A_63 = arith.constant 0 : i32
        %dma_wait3A_64 = tpu.memref_slice %arg9[%add3A_56, %dma_wait3A_63] : memref<40x128xi32, #tpu.memory_space<vmem>> -> memref<1x128xi32, #tpu.memory_space<vmem>>
        %dma_wait3A_65 = tpu.memref_squeeze %dma_wait3A_64 : memref<1x128xi32, #tpu.memory_space<vmem>> -> memref<128xi32, #tpu.memory_space<vmem>>
        %dma_wait3A_66 = arith.constant 0 : i32
        %dma_wait3A_67 = arith.constant 0 : i32
        %dma_wait3A_68 = tpu.memref_slice %arg7[%dma_wait3A_66, %dma_wait3A_67] : memref<10112x128xf32, #tpu.memory_space<vmem_shared>> -> memref<10112x128xf32, #tpu.memory_space<vmem_shared>>
        tpu.wait_indirect_dma semaphore(%run_scoped3A : memref<!tpu.dma_semaphore, #tpu.memory_space<semaphore_mem>>) src(%arg11 : memref<128x128xf32, #tpu.memory_space<vmem>>) dst(%dma_wait3A_68 : memref<10112x128xf32, #tpu.memory_space<vmem_shared>>)
        tpu.yield
      }) : () -> ()
    }
    %scan3A_11 = arith.constant 20 : i32
    "tpu.region"() ({
      %run_scoped3A = tpu.sem_alloc : memref<!tpu.dma_semaphore, #tpu.memory_space<semaphore_mem>>
      %dma_start3A_26 = arith.constant 40 : i32
      %dma_start3A_27 = arith.constant 0 : i32
      %dma_start3A_28 = tpu.memref_slice %arg3[%arg0, %arg1, %dma_start3A_26, %dma_start3A_27] : memref<2x16x80x128xi32, #tpu.memory_space<hbm>> -> memref<1x1x40x128xi32, #tpu.memory_space<hbm>>
      %dma_start3A_29 = tpu.memref_squeeze %dma_start3A_28 : memref<1x1x40x128xi32, #tpu.memory_space<hbm>> -> memref<40x128xi32, #tpu.memory_space<hbm>>
      %dma_start3A_30 = arith.constant 40 : i32
      %dma_start3A_31 = arith.constant 0 : i32
      %dma_start3A_32 = tpu.memref_slice %arg3[%arg0, %arg1, %dma_start3A_30, %dma_start3A_31] : memref<2x16x80x128xi32, #tpu.memory_space<hbm>> -> memref<1x1x40x128xi32, #tpu.memory_space<hbm>>
      %dma_start3A_33 = tpu.memref_squeeze %dma_start3A_32 : memref<1x1x40x128xi32, #tpu.memory_space<hbm>> -> memref<40x128xi32, #tpu.memory_space<hbm>>
      tpu.enqueue_dma source(%dma_start3A_33 : memref<40x128xi32, #tpu.memory_space<hbm>>) target(%arg8 : memref<40x128xi32, #tpu.memory_space<vmem>>) target_semaphore(%run_scoped3A : memref<!tpu.dma_semaphore, #tpu.memory_space<semaphore_mem>>)
      %dma_wait3A = arith.constant 40 : i32
      %dma_wait3A_34 = arith.constant 0 : i32
      %dma_wait3A_35 = tpu.memref_slice %arg3[%arg0, %arg1, %dma_wait3A, %dma_wait3A_34] : memref<2x16x80x128xi32, #tpu.memory_space<hbm>> -> memref<1x1x40x128xi32, #tpu.memory_space<hbm>>
      %dma_wait3A_36 = tpu.memref_squeeze %dma_wait3A_35 : memref<1x1x40x128xi32, #tpu.memory_space<hbm>> -> memref<40x128xi32, #tpu.memory_space<hbm>>
      %dma_wait3A_37 = arith.constant 40 : i32
      %dma_wait3A_38 = arith.constant 0 : i32
      %dma_wait3A_39 = tpu.memref_slice %arg3[%arg0, %arg1, %dma_wait3A_37, %dma_wait3A_38] : memref<2x16x80x128xi32, #tpu.memory_space<hbm>> -> memref<1x1x40x128xi32, #tpu.memory_space<hbm>>
      %dma_wait3A_40 = tpu.memref_squeeze %dma_wait3A_39 : memref<1x1x40x128xi32, #tpu.memory_space<hbm>> -> memref<40x128xi32, #tpu.memory_space<hbm>>
      tpu.wait_dma2 semaphore(%run_scoped3A : memref<!tpu.dma_semaphore, #tpu.memory_space<semaphore_mem>>) src(%dma_wait3A_40 : memref<40x128xi32, #tpu.memory_space<hbm>>) dst(%arg8 : memref<40x128xi32, #tpu.memory_space<vmem>>)
      tpu.yield
    }) : () -> ()
    "tpu.region"() ({
      %run_scoped3A = tpu.sem_alloc : memref<!tpu.dma_semaphore, #tpu.memory_space<semaphore_mem>>
      %dma_start3A_26 = arith.constant 40 : i32
      %dma_start3A_27 = arith.constant 0 : i32
      %dma_start3A_28 = tpu.memref_slice %arg4[%arg1, %dma_start3A_26, %dma_start3A_27] : memref<16x80x128xi32, #tpu.memory_space<hbm>> -> memref<1x40x128xi32, #tpu.memory_space<hbm>>
      %dma_start3A_29 = tpu.memref_squeeze %dma_start3A_28 : memref<1x40x128xi32, #tpu.memory_space<hbm>> -> memref<40x128xi32, #tpu.memory_space<hbm>>
      %dma_start3A_30 = arith.constant 40 : i32
      %dma_start3A_31 = arith.constant 0 : i32
      %dma_start3A_32 = tpu.memref_slice %arg4[%arg1, %dma_start3A_30, %dma_start3A_31] : memref<16x80x128xi32, #tpu.memory_space<hbm>> -> memref<1x40x128xi32, #tpu.memory_space<hbm>>
      %dma_start3A_33 = tpu.memref_squeeze %dma_start3A_32 : memref<1x40x128xi32, #tpu.memory_space<hbm>> -> memref<40x128xi32, #tpu.memory_space<hbm>>
      tpu.enqueue_dma source(%dma_start3A_33 : memref<40x128xi32, #tpu.memory_space<hbm>>) target(%arg9 : memref<40x128xi32, #tpu.memory_space<vmem>>) target_semaphore(%run_scoped3A : memref<!tpu.dma_semaphore, #tpu.memory_space<semaphore_mem>>)
      %dma_wait3A = arith.constant 40 : i32
      %dma_wait3A_34 = arith.constant 0 : i32
      %dma_wait3A_35 = tpu.memref_slice %arg4[%arg1, %dma_wait3A, %dma_wait3A_34] : memref<16x80x128xi32, #tpu.memory_space<hbm>> -> memref<1x40x128xi32, #tpu.memory_space<hbm>>
      %dma_wait3A_36 = tpu.memref_squeeze %dma_wait3A_35 : memref<1x40x128xi32, #tpu.memory_space<hbm>> -> memref<40x128xi32, #tpu.memory_space<hbm>>
      %dma_wait3A_37 = arith.constant 40 : i32
      %dma_wait3A_38 = arith.constant 0 : i32
      %dma_wait3A_39 = tpu.memref_slice %arg4[%arg1, %dma_wait3A_37, %dma_wait3A_38] : memref<16x80x128xi32, #tpu.memory_space<hbm>> -> memref<1x40x128xi32, #tpu.memory_space<hbm>>
      %dma_wait3A_40 = tpu.memref_squeeze %dma_wait3A_39 : memref<1x40x128xi32, #tpu.memory_space<hbm>> -> memref<40x128xi32, #tpu.memory_space<hbm>>
      tpu.wait_dma2 semaphore(%run_scoped3A : memref<!tpu.dma_semaphore, #tpu.memory_space<semaphore_mem>>) src(%dma_wait3A_40 : memref<40x128xi32, #tpu.memory_space<hbm>>) dst(%arg9 : memref<40x128xi32, #tpu.memory_space<vmem>>)
      tpu.yield
    }) : () -> ()
    %dma_start3A_12 = arith.constant 0 : i32
    %dma_start3A_13 = arith.constant 0 : i32
    %dma_start3A_14 = tpu.memref_slice %arg8[%dma_start3A_12, %dma_start3A_13] : memref<40x128xi32, #tpu.memory_space<vmem>> -> memref<1x128xi32, #tpu.memory_space<vmem>>
    %dma_start3A_15 = tpu.memref_squeeze %dma_start3A_14 : memref<1x128xi32, #tpu.memory_space<vmem>> -> memref<128xi32, #tpu.memory_space<vmem>>
    %dma_start3A_16 = arith.constant 0 : i32
    %dma_start3A_17 = arith.constant 0 : i32
    %dma_start3A_18 = tpu.memref_slice %arg2[%dma_start3A_16, %dma_start3A_17] : memref<20224x128xf32, #tpu.memory_space<hbm>> -> memref<20224x128xf32, #tpu.memory_space<hbm>>
    tpu.enqueue_indirect_dma source(%dma_start3A_18 : memref<20224x128xf32, #tpu.memory_space<hbm>>) target(%arg10 : memref<128x128xf32, #tpu.memory_space<vmem>>) offsets(%dma_start3A_15 : memref<128xi32, #tpu.memory_space<vmem>>) semaphore(%arg12 : memref<!tpu.dma_semaphore, #tpu.memory_space<semaphore_mem>>)
    %scan3A_19 = arith.constant 0 : i32
    %scan3A_20 = arith.constant 0 : i32
    %scan3A_21 = arith.constant 20 : i32
    %scan3A_22 = arith.addi %scan3A_20, %scan3A_21 : i32
    %scan3A_23 = arith.constant 1 : i32
    scf.for %scan3A_26 = %scan3A_20 to %scan3A_22 step %scan3A_23  : i32 {
      %mul3A_27 = arith.constant 2 : i32
      %mul3A_28 = arith.muli %mul3A_27, %scan3A_26 : i32
      %add3A = arith.constant 1 : i32
      %add3A_29 = arith.addi %mul3A_28, %add3A : i32
      %dma_start3A_30 = arith.constant 0 : i32
      %dma_start3A_31 = tpu.memref_slice %arg8[%add3A_29, %dma_start3A_30] : memref<40x128xi32, #tpu.memory_space<vmem>> -> memref<1x128xi32, #tpu.memory_space<vmem>>
      %dma_start3A_32 = tpu.memref_squeeze %dma_start3A_31 : memref<1x128xi32, #tpu.memory_space<vmem>> -> memref<128xi32, #tpu.memory_space<vmem>>
      %dma_start3A_33 = arith.constant 0 : i32
      %dma_start3A_34 = arith.constant 0 : i32
      %dma_start3A_35 = tpu.memref_slice %arg2[%dma_start3A_33, %dma_start3A_34] : memref<20224x128xf32, #tpu.memory_space<hbm>> -> memref<20224x128xf32, #tpu.memory_space<hbm>>
      tpu.enqueue_indirect_dma source(%dma_start3A_35 : memref<20224x128xf32, #tpu.memory_space<hbm>>) target(%arg11 : memref<128x128xf32, #tpu.memory_space<vmem>>) offsets(%dma_start3A_32 : memref<128xi32, #tpu.memory_space<vmem>>) semaphore(%arg13 : memref<!tpu.dma_semaphore, #tpu.memory_space<semaphore_mem>>)
      %dma_wait3A = arith.constant 0 : i32
      %dma_wait3A_36 = arith.constant 0 : i32
      %dma_wait3A_37 = tpu.memref_slice %arg8[%dma_wait3A, %dma_wait3A_36] : memref<40x128xi32, #tpu.memory_space<vmem>> -> memref<1x128xi32, #tpu.memory_space<vmem>>
      %dma_wait3A_38 = tpu.memref_squeeze %dma_wait3A_37 : memref<1x128xi32, #tpu.memory_space<vmem>> -> memref<128xi32, #tpu.memory_space<vmem>>
      %dma_wait3A_39 = arith.constant 0 : i32
      %dma_wait3A_40 = arith.constant 0 : i32
      %dma_wait3A_41 = tpu.memref_slice %arg2[%dma_wait3A_39, %dma_wait3A_40] : memref<20224x128xf32, #tpu.memory_space<hbm>> -> memref<20224x128xf32, #tpu.memory_space<hbm>>
      tpu.wait_indirect_dma semaphore(%arg12 : memref<!tpu.dma_semaphore, #tpu.memory_space<semaphore_mem>>) src(%dma_wait3A_41 : memref<20224x128xf32, #tpu.memory_space<hbm>>) dst(%arg10 : memref<128x128xf32, #tpu.memory_space<vmem>>)
      %mul3A_42 = arith.constant 2 : i32
      %mul3A_43 = arith.muli %mul3A_42, %scan3A_26 : i32
      "tpu.region"() ({
        %run_scoped3A = tpu.sem_alloc : memref<!tpu.dma_semaphore, #tpu.memory_space<semaphore_mem>>
        %dma_start3A_57 = arith.constant 0 : i32
        %dma_start3A_58 = tpu.memref_slice %arg9[%mul3A_43, %dma_start3A_57] : memref<40x128xi32, #tpu.memory_space<vmem>> -> memref<1x128xi32, #tpu.memory_space<vmem>>
        %dma_start3A_59 = tpu.memref_squeeze %dma_start3A_58 : memref<1x128xi32, #tpu.memory_space<vmem>> -> memref<128xi32, #tpu.memory_space<vmem>>
        %dma_start3A_60 = arith.constant 0 : i32
        %dma_start3A_61 = arith.constant 0 : i32
        %dma_start3A_62 = tpu.memref_slice %arg7[%dma_start3A_60, %dma_start3A_61] : memref<10112x128xf32, #tpu.memory_space<vmem_shared>> -> memref<10112x128xf32, #tpu.memory_space<vmem_shared>>
        tpu.enqueue_indirect_dma source(%arg10 : memref<128x128xf32, #tpu.memory_space<vmem>>) target(%dma_start3A_62 : memref<10112x128xf32, #tpu.memory_space<vmem_shared>>) offsets(%dma_start3A_59 : memref<128xi32, #tpu.memory_space<vmem>>) semaphore(%run_scoped3A : memref<!tpu.dma_semaphore, #tpu.memory_space<semaphore_mem>>) {add = true}
        %dma_wait3A_63 = arith.constant 0 : i32
        %dma_wait3A_64 = tpu.memref_slice %arg9[%mul3A_43, %dma_wait3A_63] : memref<40x128xi32, #tpu.memory_space<vmem>> -> memref<1x128xi32, #tpu.memory_space<vmem>>
        %dma_wait3A_65 = tpu.memref_squeeze %dma_wait3A_64 : memref<1x128xi32, #tpu.memory_space<vmem>> -> memref<128xi32, #tpu.memory_space<vmem>>
        %dma_wait3A_66 = arith.constant 0 : i32
        %dma_wait3A_67 = arith.constant 0 : i32
        %dma_wait3A_68 = tpu.memref_slice %arg7[%dma_wait3A_66, %dma_wait3A_67] : memref<10112x128xf32, #tpu.memory_space<vmem_shared>> -> memref<10112x128xf32, #tpu.memory_space<vmem_shared>>
        tpu.wait_indirect_dma semaphore(%run_scoped3A : memref<!tpu.dma_semaphore, #tpu.memory_space<semaphore_mem>>) src(%arg10 : memref<128x128xf32, #tpu.memory_space<vmem>>) dst(%dma_wait3A_68 : memref<10112x128xf32, #tpu.memory_space<vmem_shared>>)
        tpu.yield
      }) : () -> ()
      %lt3A = arith.constant 19 : i32
      %lt3A_44 = arith.cmpi slt, %scan3A_26, %lt3A : i32
      %convert_element_type3A = arith.extui %lt3A_44 : i1 to i32
      %cond3A = arith.constant 0 : i32
      %cond3A_45 = arith.cmpi ne, %convert_element_type3A, %cond3A : i32
      scf.if %cond3A_45 {
        %mul3A_57 = arith.constant 2 : i32
        %mul3A_58 = arith.muli %mul3A_57, %scan3A_26 : i32
        %add3A_59 = arith.constant 2 : i32
        %add3A_60 = arith.addi %mul3A_58, %add3A_59 : i32
        %dma_start3A_61 = arith.constant 0 : i32
        %dma_start3A_62 = tpu.memref_slice %arg8[%add3A_60, %dma_start3A_61] : memref<40x128xi32, #tpu.memory_space<vmem>> -> memref<1x128xi32, #tpu.memory_space<vmem>>
        %dma_start3A_63 = tpu.memref_squeeze %dma_start3A_62 : memref<1x128xi32, #tpu.memory_space<vmem>> -> memref<128xi32, #tpu.memory_space<vmem>>
        %dma_start3A_64 = arith.constant 0 : i32
        %dma_start3A_65 = arith.constant 0 : i32
        %dma_start3A_66 = tpu.memref_slice %arg2[%dma_start3A_64, %dma_start3A_65] : memref<20224x128xf32, #tpu.memory_space<hbm>> -> memref<20224x128xf32, #tpu.memory_space<hbm>>
        tpu.enqueue_indirect_dma source(%dma_start3A_66 : memref<20224x128xf32, #tpu.memory_space<hbm>>) target(%arg10 : memref<128x128xf32, #tpu.memory_space<vmem>>) offsets(%dma_start3A_63 : memref<128xi32, #tpu.memory_space<vmem>>) semaphore(%arg12 : memref<!tpu.dma_semaphore, #tpu.memory_space<semaphore_mem>>)
      } else {
      }
      %dma_wait3A_46 = arith.constant 0 : i32
      %dma_wait3A_47 = arith.constant 0 : i32
      %dma_wait3A_48 = tpu.memref_slice %arg8[%dma_wait3A_46, %dma_wait3A_47] : memref<40x128xi32, #tpu.memory_space<vmem>> -> memref<1x128xi32, #tpu.memory_space<vmem>>
      %dma_wait3A_49 = tpu.memref_squeeze %dma_wait3A_48 : memref<1x128xi32, #tpu.memory_space<vmem>> -> memref<128xi32, #tpu.memory_space<vmem>>
      %dma_wait3A_50 = arith.constant 0 : i32
      %dma_wait3A_51 = arith.constant 0 : i32
      %dma_wait3A_52 = tpu.memref_slice %arg2[%dma_wait3A_50, %dma_wait3A_51] : memref<20224x128xf32, #tpu.memory_space<hbm>> -> memref<20224x128xf32, #tpu.memory_space<hbm>>
      tpu.wait_indirect_dma semaphore(%arg13 : memref<!tpu.dma_semaphore, #tpu.memory_space<semaphore_mem>>) src(%dma_wait3A_52 : memref<20224x128xf32, #tpu.memory_space<hbm>>) dst(%arg11 : memref<128x128xf32, #tpu.memory_space<vmem>>)
      %mul3A_53 = arith.constant 2 : i32
      %mul3A_54 = arith.muli %mul3A_53, %scan3A_26 : i32
      %add3A_55 = arith.constant 1 : i32
      %add3A_56 = arith.addi %mul3A_54, %add3A_55 : i32
      "tpu.region"() ({
        %run_scoped3A = tpu.sem_alloc : memref<!tpu.dma_semaphore, #tpu.memory_space<semaphore_mem>>
        %dma_start3A_57 = arith.constant 0 : i32
        %dma_start3A_58 = tpu.memref_slice %arg9[%add3A_56, %dma_start3A_57] : memref<40x128xi32, #tpu.memory_space<vmem>> -> memref<1x128xi32, #tpu.memory_space<vmem>>
        %dma_start3A_59 = tpu.memref_squeeze %dma_start3A_58 : memref<1x128xi32, #tpu.memory_space<vmem>> -> memref<128xi32, #tpu.memory_space<vmem>>
        %dma_start3A_60 = arith.constant 0 : i32
        %dma_start3A_61 = arith.constant 0 : i32
        %dma_start3A_62 = tpu.memref_slice %arg7[%dma_start3A_60, %dma_start3A_61] : memref<10112x128xf32, #tpu.memory_space<vmem_shared>> -> memref<10112x128xf32, #tpu.memory_space<vmem_shared>>
        tpu.enqueue_indirect_dma source(%arg11 : memref<128x128xf32, #tpu.memory_space<vmem>>) target(%dma_start3A_62 : memref<10112x128xf32, #tpu.memory_space<vmem_shared>>) offsets(%dma_start3A_59 : memref<128xi32, #tpu.memory_space<vmem>>) semaphore(%run_scoped3A : memref<!tpu.dma_semaphore, #tpu.memory_space<semaphore_mem>>) {add = true}
        %dma_wait3A_63 = arith.constant 0 : i32
        %dma_wait3A_64 = tpu.memref_slice %arg9[%add3A_56, %dma_wait3A_63] : memref<40x128xi32, #tpu.memory_space<vmem>> -> memref<1x128xi32, #tpu.memory_space<vmem>>
        %dma_wait3A_65 = tpu.memref_squeeze %dma_wait3A_64 : memref<1x128xi32, #tpu.memory_space<vmem>> -> memref<128xi32, #tpu.memory_space<vmem>>
        %dma_wait3A_66 = arith.constant 0 : i32
        %dma_wait3A_67 = arith.constant 0 : i32
        %dma_wait3A_68 = tpu.memref_slice %arg7[%dma_wait3A_66, %dma_wait3A_67] : memref<10112x128xf32, #tpu.memory_space<vmem_shared>> -> memref<10112x128xf32, #tpu.memory_space<vmem_shared>>
        tpu.wait_indirect_dma semaphore(%run_scoped3A : memref<!tpu.dma_semaphore, #tpu.memory_space<semaphore_mem>>) src(%arg11 : memref<128x128xf32, #tpu.memory_space<vmem>>) dst(%dma_wait3A_68 : memref<10112x128xf32, #tpu.memory_space<vmem_shared>>)
        tpu.yield
      }) : () -> ()
    }
    %scan3A_24 = arith.constant 20 : i32
    %barrier3A_25 = arith.constant 0 : index
    tpu.barrier barrier_id(%barrier3A_25)
    "tpu.region"() ({
      %run_scoped3A = tpu.sem_alloc : memref<!tpu.dma_semaphore, #tpu.memory_space<semaphore_mem>>
      %dma_start3A_26 = arith.constant 0 : i32
      %dma_start3A_27 = tpu.memref_slice %arg6[%arg0, %mul3A_0, %dma_start3A_26] : memref<2x10112x128xf32, #tpu.memory_space<hbm>> -> memref<1x632x128xf32, #tpu.memory_space<hbm>>
      %dma_start3A_28 = tpu.memref_squeeze %dma_start3A_27 : memref<1x632x128xf32, #tpu.memory_space<hbm>> -> memref<632x128xf32, #tpu.memory_space<hbm>>
      %dma_start3A_29 = arith.constant 0 : i32
      %dma_start3A_30 = tpu.memref_slice %arg7[%mul3A_0, %dma_start3A_29] : memref<10112x128xf32, #tpu.memory_space<vmem_shared>> -> memref<632x128xf32, #tpu.memory_space<vmem_shared>>
      tpu.enqueue_dma source(%dma_start3A_30 : memref<632x128xf32, #tpu.memory_space<vmem_shared>>) target(%dma_start3A_28 : memref<632x128xf32, #tpu.memory_space<hbm>>) target_semaphore(%run_scoped3A : memref<!tpu.dma_semaphore, #tpu.memory_space<semaphore_mem>>)
      %dma_wait3A = arith.constant 0 : i32
      %dma_wait3A_31 = tpu.memref_slice %arg6[%arg0, %mul3A_0, %dma_wait3A] : memref<2x10112x128xf32, #tpu.memory_space<hbm>> -> memref<1x632x128xf32, #tpu.memory_space<hbm>>
      %dma_wait3A_32 = tpu.memref_squeeze %dma_wait3A_31 : memref<1x632x128xf32, #tpu.memory_space<hbm>> -> memref<632x128xf32, #tpu.memory_space<hbm>>
      %dma_wait3A_33 = arith.constant 0 : i32
      %dma_wait3A_34 = tpu.memref_slice %arg7[%mul3A_0, %dma_wait3A_33] : memref<10112x128xf32, #tpu.memory_space<vmem_shared>> -> memref<632x128xf32, #tpu.memory_space<vmem_shared>>
      tpu.wait_dma2 semaphore(%run_scoped3A : memref<!tpu.dma_semaphore, #tpu.memory_space<semaphore_mem>>) src(%dma_wait3A_34 : memref<632x128xf32, #tpu.memory_space<vmem_shared>>) dst(%dma_wait3A_32 : memref<632x128xf32, #tpu.memory_space<hbm>>)
      tpu.yield
    }) : () -> ()
    return
  }
}

#map = affine_map<(d0, d1) -> (0, 0)>
#map1 = affine_map<(d0, d1) -> (0, 0, 0, 0)>
#map2 = affine_map<(d0, d1) -> (0, 0, 0)>
module attributes {stable_mosaic.version = 14 : i64} {
  func.func @body(%arg0: i32, %arg1: i32, %arg2: memref<20224x128xf32, #tpu.memory_space<hbm>>, %arg3: memref<2x16x80x128xi32, #tpu.memory_space<hbm>>, %arg4: memref<16x80x128xi32, #tpu.memory_space<hbm>>, %arg5: memref<632x128xf32, #tpu.memory_space<hbm>>, %arg6: memref<2x10112x128xf32, #tpu.memory_space<hbm>>, %arg7: memref<10112x128xf32, #tpu.memory_space<vmem_shared>>, %arg8: memref<40x128xi32, #tpu.memory_space<vmem>>, %arg9: memref<40x128xi32, #tpu.memory_space<vmem>>, %arg10: memref<128x128xf32, #tpu.memory_space<vmem>>, %arg11: memref<128x128xf32, #tpu.memory_space<vmem>>, %arg12: memref<!tpu.dma_semaphore, #tpu.memory_space<semaphore_mem>>, %arg13: memref<!tpu.dma_semaphore, #tpu.memory_space<semaphore_mem>>) attributes {dimension_semantics = [#tpu.dimension_semantics<core_parallel>, #tpu.dimension_semantics<subcore_parallel>], iteration_bounds = array<i64: 2, 16>, scalar_prefetch = 0 : i64, scratch_operands = 7 : i64, tpu.core_type = #tpu.core_type<sc_vector_subcore>, window_params = [{transform_indices = #map}, {transform_indices = #map1}, {transform_indices = #map2}, {transform_indices = #map}, {transform_indices = #map2}]} {
    %mul3A = arith.constant 632 : i32
    %mul3A_0 = arith.muli %arg1, %mul3A : i32
    "tpu.region"() ({
      %run_scoped3A = tpu.sem_alloc : memref<!tpu.dma_semaphore, #tpu.memory_space<semaphore_mem>>
      %dma_start3A_26 = arith.constant 0 : i32
      %dma_start3A_27 = tpu.memref_slice %arg7[%mul3A_0, %dma_start3A_26] : memref<10112x128xf32, #tpu.memory_space<vmem_shared>> -> memref<632x128xf32, #tpu.memory_space<vmem_shared>>
      tpu.enqueue_dma source(%arg5 : memref<632x128xf32, #tpu.memory_space<hbm>>) target(%dma_start3A_27 : memref<632x128xf32, #tpu.memory_space<vmem_shared>>) target_semaphore(%run_scoped3A : memref<!tpu.dma_semaphore, #tpu.memory_space<semaphore_mem>>)
      %dma_wait3A = arith.constant 0 : i32
      %dma_wait3A_28 = tpu.memref_slice %arg7[%mul3A_0, %dma_wait3A] : memref<10112x128xf32, #tpu.memory_space<vmem_shared>> -> memref<632x128xf32, #tpu.memory_space<vmem_shared>>
      tpu.wait_dma2 semaphore(%run_scoped3A : memref<!tpu.dma_semaphore, #tpu.memory_space<semaphore_mem>>) src(%arg5 : memref<632x128xf32, #tpu.memory_space<hbm>>) dst(%dma_wait3A_28 : memref<632x128xf32, #tpu.memory_space<vmem_shared>>)
      tpu.yield
    }) : () -> ()
    %barrier3A = arith.constant 0 : index
    tpu.barrier barrier_id(%barrier3A)
    "tpu.region"() ({
      %run_scoped3A = tpu.sem_alloc : memref<!tpu.dma_semaphore, #tpu.memory_space<semaphore_mem>>
      %dma_start3A_26 = arith.constant 0 : i32
      %dma_start3A_27 = arith.constant 0 : i32
      %dma_start3A_28 = tpu.memref_slice %arg3[%arg0, %arg1, %dma_start3A_26, %dma_start3A_27] : memref<2x16x80x128xi32, #tpu.memory_space<hbm>> -> memref<1x1x40x128xi32, #tpu.memory_space<hbm>>
      %dma_start3A_29 = tpu.memref_squeeze %dma_start3A_28 : memref<1x1x40x128xi32, #tpu.memory_space<hbm>> -> memref<40x128xi32, #tpu.memory_space<hbm>>
      %dma_start3A_30 = arith.constant 0 : i32
      %dma_start3A_31 = arith.constant 0 : i32
      %dma_start3A_32 = tpu.memref_slice %arg3[%arg0, %arg1, %dma_start3A_30, %dma_start3A_31] : memref<2x16x80x128xi32, #tpu.memory_space<hbm>> -> memref<1x1x40x128xi32, #tpu.memory_space<hbm>>
      %dma_start3A_33 = tpu.memref_squeeze %dma_start3A_32 : memref<1x1x40x128xi32, #tpu.memory_space<hbm>> -> memref<40x128xi32, #tpu.memory_space<hbm>>
      tpu.enqueue_dma source(%dma_start3A_33 : memref<40x128xi32, #tpu.memory_space<hbm>>) target(%arg8 : memref<40x128xi32, #tpu.memory_space<vmem>>) target_semaphore(%run_scoped3A : memref<!tpu.dma_semaphore, #tpu.memory_space<semaphore_mem>>)
      %dma_wait3A = arith.constant 0 : i32
      %dma_wait3A_34 = arith.constant 0 : i32
      %dma_wait3A_35 = tpu.memref_slice %arg3[%arg0, %arg1, %dma_wait3A, %dma_wait3A_34] : memref<2x16x80x128xi32, #tpu.memory_space<hbm>> -> memref<1x1x40x128xi32, #tpu.memory_space<hbm>>
      %dma_wait3A_36 = tpu.memref_squeeze %dma_wait3A_35 : memref<1x1x40x128xi32, #tpu.memory_space<hbm>> -> memref<40x128xi32, #tpu.memory_space<hbm>>
      %dma_wait3A_37 = arith.constant 0 : i32
      %dma_wait3A_38 = arith.constant 0 : i32
      %dma_wait3A_39 = tpu.memref_slice %arg3[%arg0, %arg1, %dma_wait3A_37, %dma_wait3A_38] : memref<2x16x80x128xi32, #tpu.memory_space<hbm>> -> memref<1x1x40x128xi32, #tpu.memory_space<hbm>>
      %dma_wait3A_40 = tpu.memref_squeeze %dma_wait3A_39 : memref<1x1x40x128xi32, #tpu.memory_space<hbm>> -> memref<40x128xi32, #tpu.memory_space<hbm>>
      tpu.wait_dma2 semaphore(%run_scoped3A : memref<!tpu.dma_semaphore, #tpu.memory_space<semaphore_mem>>) src(%dma_wait3A_40 : memref<40x128xi32, #tpu.memory_space<hbm>>) dst(%arg8 : memref<40x128xi32, #tpu.memory_space<vmem>>)
      tpu.yield
    }) : () -> ()
    "tpu.region"() ({
      %run_scoped3A = tpu.sem_alloc : memref<!tpu.dma_semaphore, #tpu.memory_space<semaphore_mem>>
      %dma_start3A_26 = arith.constant 0 : i32
      %dma_start3A_27 = arith.constant 0 : i32
      %dma_start3A_28 = tpu.memref_slice %arg4[%arg1, %dma_start3A_26, %dma_start3A_27] : memref<16x80x128xi32, #tpu.memory_space<hbm>> -> memref<1x40x128xi32, #tpu.memory_space<hbm>>
      %dma_start3A_29 = tpu.memref_squeeze %dma_start3A_28 : memref<1x40x128xi32, #tpu.memory_space<hbm>> -> memref<40x128xi32, #tpu.memory_space<hbm>>
      %dma_start3A_30 = arith.constant 0 : i32
      %dma_start3A_31 = arith.constant 0 : i32
      %dma_start3A_32 = tpu.memref_slice %arg4[%arg1, %dma_start3A_30, %dma_start3A_31] : memref<16x80x128xi32, #tpu.memory_space<hbm>> -> memref<1x40x128xi32, #tpu.memory_space<hbm>>
      %dma_start3A_33 = tpu.memref_squeeze %dma_start3A_32 : memref<1x40x128xi32, #tpu.memory_space<hbm>> -> memref<40x128xi32, #tpu.memory_space<hbm>>
      tpu.enqueue_dma source(%dma_start3A_33 : memref<40x128xi32, #tpu.memory_space<hbm>>) target(%arg9 : memref<40x128xi32, #tpu.memory_space<vmem>>) target_semaphore(%run_scoped3A : memref<!tpu.dma_semaphore, #tpu.memory_space<semaphore_mem>>)
      %dma_wait3A = arith.constant 0 : i32
      %dma_wait3A_34 = arith.constant 0 : i32
      %dma_wait3A_35 = tpu.memref_slice %arg4[%arg1, %dma_wait3A, %dma_wait3A_34] : memref<16x80x128xi32, #tpu.memory_space<hbm>> -> memref<1x40x128xi32, #tpu.memory_space<hbm>>
      %dma_wait3A_36 = tpu.memref_squeeze %dma_wait3A_35 : memref<1x40x128xi32, #tpu.memory_space<hbm>> -> memref<40x128xi32, #tpu.memory_space<hbm>>
      %dma_wait3A_37 = arith.constant 0 : i32
      %dma_wait3A_38 = arith.constant 0 : i32
      %dma_wait3A_39 = tpu.memref_slice %arg4[%arg1, %dma_wait3A_37, %dma_wait3A_38] : memref<16x80x128xi32, #tpu.memory_space<hbm>> -> memref<1x40x128xi32, #tpu.memory_space<hbm>>
      %dma_wait3A_40 = tpu.memref_squeeze %dma_wait3A_39 : memref<1x40x128xi32, #tpu.memory_space<hbm>> -> memref<40x128xi32, #tpu.memory_space<hbm>>
      tpu.wait_dma2 semaphore(%run_scoped3A : memref<!tpu.dma_semaphore, #tpu.memory_space<semaphore_mem>>) src(%dma_wait3A_40 : memref<40x128xi32, #tpu.memory_space<hbm>>) dst(%arg9 : memref<40x128xi32, #tpu.memory_space<vmem>>)
      tpu.yield
    }) : () -> ()
    %dma_start3A = arith.constant 0 : i32
    %dma_start3A_1 = arith.constant 0 : i32
    %dma_start3A_2 = tpu.memref_slice %arg8[%dma_start3A, %dma_start3A_1] : memref<40x128xi32, #tpu.memory_space<vmem>> -> memref<1x128xi32, #tpu.memory_space<vmem>>
    %dma_start3A_3 = tpu.memref_squeeze %dma_start3A_2 : memref<1x128xi32, #tpu.memory_space<vmem>> -> memref<128xi32, #tpu.memory_space<vmem>>
    %dma_start3A_4 = arith.constant 0 : i32
    %dma_start3A_5 = arith.constant 0 : i32
    %dma_start3A_6 = tpu.memref_slice %arg2[%dma_start3A_4, %dma_start3A_5] : memref<20224x128xf32, #tpu.memory_space<hbm>> -> memref<20224x128xf32, #tpu.memory_space<hbm>>
    tpu.enqueue_indirect_dma source(%dma_start3A_6 : memref<20224x128xf32, #tpu.memory_space<hbm>>) target(%arg10 : memref<128x128xf32, #tpu.memory_space<vmem>>) offsets(%dma_start3A_3 : memref<128xi32, #tpu.memory_space<vmem>>) semaphore(%arg12 : memref<!tpu.dma_semaphore, #tpu.memory_space<semaphore_mem>>)
    %scan3A = arith.constant 0 : i32
    %scan3A_7 = arith.constant 0 : i32
    %scan3A_8 = arith.constant 20 : i32
    %scan3A_9 = arith.addi %scan3A_7, %scan3A_8 : i32
    %scan3A_10 = arith.constant 1 : i32
    scf.for %scan3A_26 = %scan3A_7 to %scan3A_9 step %scan3A_10  : i32 {
      %mul3A_27 = arith.constant 2 : i32
      %mul3A_28 = arith.muli %mul3A_27, %scan3A_26 : i32
      %add3A = arith.constant 1 : i32
      %add3A_29 = arith.addi %mul3A_28, %add3A : i32
      %dma_start3A_30 = arith.constant 0 : i32
      %dma_start3A_31 = tpu.memref_slice %arg8[%add3A_29, %dma_start3A_30] : memref<40x128xi32, #tpu.memory_space<vmem>> -> memref<1x128xi32, #tpu.memory_space<vmem>>
      %dma_start3A_32 = tpu.memref_squeeze %dma_start3A_31 : memref<1x128xi32, #tpu.memory_space<vmem>> -> memref<128xi32, #tpu.memory_space<vmem>>
      %dma_start3A_33 = arith.constant 0 : i32
      %dma_start3A_34 = arith.constant 0 : i32
      %dma_start3A_35 = tpu.memref_slice %arg2[%dma_start3A_33, %dma_start3A_34] : memref<20224x128xf32, #tpu.memory_space<hbm>> -> memref<20224x128xf32, #tpu.memory_space<hbm>>
      tpu.enqueue_indirect_dma source(%dma_start3A_35 : memref<20224x128xf32, #tpu.memory_space<hbm>>) target(%arg11 : memref<128x128xf32, #tpu.memory_space<vmem>>) offsets(%dma_start3A_32 : memref<128xi32, #tpu.memory_space<vmem>>) semaphore(%arg13 : memref<!tpu.dma_semaphore, #tpu.memory_space<semaphore_mem>>)
      %dma_wait3A = arith.constant 0 : i32
      %dma_wait3A_36 = arith.constant 0 : i32
      %dma_wait3A_37 = tpu.memref_slice %arg8[%dma_wait3A, %dma_wait3A_36] : memref<40x128xi32, #tpu.memory_space<vmem>> -> memref<1x128xi32, #tpu.memory_space<vmem>>
      %dma_wait3A_38 = tpu.memref_squeeze %dma_wait3A_37 : memref<1x128xi32, #tpu.memory_space<vmem>> -> memref<128xi32, #tpu.memory_space<vmem>>
      %dma_wait3A_39 = arith.constant 0 : i32
      %dma_wait3A_40 = arith.constant 0 : i32
      %dma_wait3A_41 = tpu.memref_slice %arg2[%dma_wait3A_39, %dma_wait3A_40] : memref<20224x128xf32, #tpu.memory_space<hbm>> -> memref<20224x128xf32, #tpu.memory_space<hbm>>
      tpu.wait_indirect_dma semaphore(%arg12 : memref<!tpu.dma_semaphore, #tpu.memory_space<semaphore_mem>>) src(%dma_wait3A_41 : memref<20224x128xf32, #tpu.memory_space<hbm>>) dst(%arg10 : memref<128x128xf32, #tpu.memory_space<vmem>>)
      %mul3A_42 = arith.constant 2 : i32
      %mul3A_43 = arith.muli %mul3A_42, %scan3A_26 : i32
      "tpu.region"() ({
        %run_scoped3A = tpu.sem_alloc : memref<!tpu.dma_semaphore, #tpu.memory_space<semaphore_mem>>
        %dma_start3A_57 = arith.constant 0 : i32
        %dma_start3A_58 = tpu.memref_slice %arg9[%mul3A_43, %dma_start3A_57] : memref<40x128xi32, #tpu.memory_space<vmem>> -> memref<1x128xi32, #tpu.memory_space<vmem>>
        %dma_start3A_59 = tpu.memref_squeeze %dma_start3A_58 : memref<1x128xi32, #tpu.memory_space<vmem>> -> memref<128xi32, #tpu.memory_space<vmem>>
        %dma_start3A_60 = arith.constant 0 : i32
        %dma_start3A_61 = arith.constant 0 : i32
        %dma_start3A_62 = tpu.memref_slice %arg7[%dma_start3A_60, %dma_start3A_61] : memref<10112x128xf32, #tpu.memory_space<vmem_shared>> -> memref<10112x128xf32, #tpu.memory_space<vmem_shared>>
        tpu.enqueue_indirect_dma source(%arg10 : memref<128x128xf32, #tpu.memory_space<vmem>>) target(%dma_start3A_62 : memref<10112x128xf32, #tpu.memory_space<vmem_shared>>) offsets(%dma_start3A_59 : memref<128xi32, #tpu.memory_space<vmem>>) semaphore(%run_scoped3A : memref<!tpu.dma_semaphore, #tpu.memory_space<semaphore_mem>>) {add = true}
        %dma_wait3A_63 = arith.constant 0 : i32
        %dma_wait3A_64 = tpu.memref_slice %arg9[%mul3A_43, %dma_wait3A_63] : memref<40x128xi32, #tpu.memory_space<vmem>> -> memref<1x128xi32, #tpu.memory_space<vmem>>
        %dma_wait3A_65 = tpu.memref_squeeze %dma_wait3A_64 : memref<1x128xi32, #tpu.memory_space<vmem>> -> memref<128xi32, #tpu.memory_space<vmem>>
        %dma_wait3A_66 = arith.constant 0 : i32
        %dma_wait3A_67 = arith.constant 0 : i32
        %dma_wait3A_68 = tpu.memref_slice %arg7[%dma_wait3A_66, %dma_wait3A_67] : memref<10112x128xf32, #tpu.memory_space<vmem_shared>> -> memref<10112x128xf32, #tpu.memory_space<vmem_shared>>
        tpu.wait_indirect_dma semaphore(%run_scoped3A : memref<!tpu.dma_semaphore, #tpu.memory_space<semaphore_mem>>) src(%arg10 : memref<128x128xf32, #tpu.memory_space<vmem>>) dst(%dma_wait3A_68 : memref<10112x128xf32, #tpu.memory_space<vmem_shared>>)
        tpu.yield
      }) : () -> ()
      %lt3A = arith.constant 19 : i32
      %lt3A_44 = arith.cmpi slt, %scan3A_26, %lt3A : i32
      %convert_element_type3A = arith.extui %lt3A_44 : i1 to i32
      %cond3A = arith.constant 0 : i32
      %cond3A_45 = arith.cmpi ne, %convert_element_type3A, %cond3A : i32
      scf.if %cond3A_45 {
        %mul3A_57 = arith.constant 2 : i32
        %mul3A_58 = arith.muli %mul3A_57, %scan3A_26 : i32
        %add3A_59 = arith.constant 2 : i32
        %add3A_60 = arith.addi %mul3A_58, %add3A_59 : i32
        %dma_start3A_61 = arith.constant 0 : i32
        %dma_start3A_62 = tpu.memref_slice %arg8[%add3A_60, %dma_start3A_61] : memref<40x128xi32, #tpu.memory_space<vmem>> -> memref<1x128xi32, #tpu.memory_space<vmem>>
        %dma_start3A_63 = tpu.memref_squeeze %dma_start3A_62 : memref<1x128xi32, #tpu.memory_space<vmem>> -> memref<128xi32, #tpu.memory_space<vmem>>
        %dma_start3A_64 = arith.constant 0 : i32
        %dma_start3A_65 = arith.constant 0 : i32
        %dma_start3A_66 = tpu.memref_slice %arg2[%dma_start3A_64, %dma_start3A_65] : memref<20224x128xf32, #tpu.memory_space<hbm>> -> memref<20224x128xf32, #tpu.memory_space<hbm>>
        tpu.enqueue_indirect_dma source(%dma_start3A_66 : memref<20224x128xf32, #tpu.memory_space<hbm>>) target(%arg10 : memref<128x128xf32, #tpu.memory_space<vmem>>) offsets(%dma_start3A_63 : memref<128xi32, #tpu.memory_space<vmem>>) semaphore(%arg12 : memref<!tpu.dma_semaphore, #tpu.memory_space<semaphore_mem>>)
      } else {
      }
      %dma_wait3A_46 = arith.constant 0 : i32
      %dma_wait3A_47 = arith.constant 0 : i32
      %dma_wait3A_48 = tpu.memref_slice %arg8[%dma_wait3A_46, %dma_wait3A_47] : memref<40x128xi32, #tpu.memory_space<vmem>> -> memref<1x128xi32, #tpu.memory_space<vmem>>
      %dma_wait3A_49 = tpu.memref_squeeze %dma_wait3A_48 : memref<1x128xi32, #tpu.memory_space<vmem>> -> memref<128xi32, #tpu.memory_space<vmem>>
      %dma_wait3A_50 = arith.constant 0 : i32
      %dma_wait3A_51 = arith.constant 0 : i32
      %dma_wait3A_52 = tpu.memref_slice %arg2[%dma_wait3A_50, %dma_wait3A_51] : memref<20224x128xf32, #tpu.memory_space<hbm>> -> memref<20224x128xf32, #tpu.memory_space<hbm>>
      tpu.wait_indirect_dma semaphore(%arg13 : memref<!tpu.dma_semaphore, #tpu.memory_space<semaphore_mem>>) src(%dma_wait3A_52 : memref<20224x128xf32, #tpu.memory_space<hbm>>) dst(%arg11 : memref<128x128xf32, #tpu.memory_space<vmem>>)
      %mul3A_53 = arith.constant 2 : i32
      %mul3A_54 = arith.muli %mul3A_53, %scan3A_26 : i32
      %add3A_55 = arith.constant 1 : i32
      %add3A_56 = arith.addi %mul3A_54, %add3A_55 : i32
      "tpu.region"() ({
        %run_scoped3A = tpu.sem_alloc : memref<!tpu.dma_semaphore, #tpu.memory_space<semaphore_mem>>
        %dma_start3A_57 = arith.constant 0 : i32
        %dma_start3A_58 = tpu.memref_slice %arg9[%add3A_56, %dma_start3A_57] : memref<40x128xi32, #tpu.memory_space<vmem>> -> memref<1x128xi32, #tpu.memory_space<vmem>>
        %dma_start3A_59 = tpu.memref_squeeze %dma_start3A_58 : memref<1x128xi32, #tpu.memory_space<vmem>> -> memref<128xi32, #tpu.memory_space<vmem>>
        %dma_start3A_60 = arith.constant 0 : i32
        %dma_start3A_61 = arith.constant 0 : i32
        %dma_start3A_62 = tpu.memref_slice %arg7[%dma_start3A_60, %dma_start3A_61] : memref<10112x128xf32, #tpu.memory_space<vmem_shared>> -> memref<10112x128xf32, #tpu.memory_space<vmem_shared>>
        tpu.enqueue_indirect_dma source(%arg11 : memref<128x128xf32, #tpu.memory_space<vmem>>) target(%dma_start3A_62 : memref<10112x128xf32, #tpu.memory_space<vmem_shared>>) offsets(%dma_start3A_59 : memref<128xi32, #tpu.memory_space<vmem>>) semaphore(%run_scoped3A : memref<!tpu.dma_semaphore, #tpu.memory_space<semaphore_mem>>) {add = true}
        %dma_wait3A_63 = arith.constant 0 : i32
        %dma_wait3A_64 = tpu.memref_slice %arg9[%add3A_56, %dma_wait3A_63] : memref<40x128xi32, #tpu.memory_space<vmem>> -> memref<1x128xi32, #tpu.memory_space<vmem>>
        %dma_wait3A_65 = tpu.memref_squeeze %dma_wait3A_64 : memref<1x128xi32, #tpu.memory_space<vmem>> -> memref<128xi32, #tpu.memory_space<vmem>>
        %dma_wait3A_66 = arith.constant 0 : i32
        %dma_wait3A_67 = arith.constant 0 : i32
        %dma_wait3A_68 = tpu.memref_slice %arg7[%dma_wait3A_66, %dma_wait3A_67] : memref<10112x128xf32, #tpu.memory_space<vmem_shared>> -> memref<10112x128xf32, #tpu.memory_space<vmem_shared>>
        tpu.wait_indirect_dma semaphore(%run_scoped3A : memref<!tpu.dma_semaphore, #tpu.memory_space<semaphore_mem>>) src(%arg11 : memref<128x128xf32, #tpu.memory_space<vmem>>) dst(%dma_wait3A_68 : memref<10112x128xf32, #tpu.memory_space<vmem_shared>>)
        tpu.yield
      }) : () -> ()
    }
    %scan3A_11 = arith.constant 20 : i32
    "tpu.region"() ({
      %run_scoped3A = tpu.sem_alloc : memref<!tpu.dma_semaphore, #tpu.memory_space<semaphore_mem>>
      %dma_start3A_26 = arith.constant 40 : i32
      %dma_start3A_27 = arith.constant 0 : i32
      %dma_start3A_28 = tpu.memref_slice %arg3[%arg0, %arg1, %dma_start3A_26, %dma_start3A_27] : memref<2x16x80x128xi32, #tpu.memory_space<hbm>> -> memref<1x1x40x128xi32, #tpu.memory_space<hbm>>
      %dma_start3A_29 = tpu.memref_squeeze %dma_start3A_28 : memref<1x1x40x128xi32, #tpu.memory_space<hbm>> -> memref<40x128xi32, #tpu.memory_space<hbm>>
      %dma_start3A_30 = arith.constant 40 : i32
      %dma_start3A_31 = arith.constant 0 : i32
      %dma_start3A_32 = tpu.memref_slice %arg3[%arg0, %arg1, %dma_start3A_30, %dma_start3A_31] : memref<2x16x80x128xi32, #tpu.memory_space<hbm>> -> memref<1x1x40x128xi32, #tpu.memory_space<hbm>>
      %dma_start3A_33 = tpu.memref_squeeze %dma_start3A_32 : memref<1x1x40x128xi32, #tpu.memory_space<hbm>> -> memref<40x128xi32, #tpu.memory_space<hbm>>
      tpu.enqueue_dma source(%dma_start3A_33 : memref<40x128xi32, #tpu.memory_space<hbm>>) target(%arg8 : memref<40x128xi32, #tpu.memory_space<vmem>>) target_semaphore(%run_scoped3A : memref<!tpu.dma_semaphore, #tpu.memory_space<semaphore_mem>>)
      %dma_wait3A = arith.constant 40 : i32
      %dma_wait3A_34 = arith.constant 0 : i32
      %dma_wait3A_35 = tpu.memref_slice %arg3[%arg0, %arg1, %dma_wait3A, %dma_wait3A_34] : memref<2x16x80x128xi32, #tpu.memory_space<hbm>> -> memref<1x1x40x128xi32, #tpu.memory_space<hbm>>
      %dma_wait3A_36 = tpu.memref_squeeze %dma_wait3A_35 : memref<1x1x40x128xi32, #tpu.memory_space<hbm>> -> memref<40x128xi32, #tpu.memory_space<hbm>>
      %dma_wait3A_37 = arith.constant 40 : i32
      %dma_wait3A_38 = arith.constant 0 : i32
      %dma_wait3A_39 = tpu.memref_slice %arg3[%arg0, %arg1, %dma_wait3A_37, %dma_wait3A_38] : memref<2x16x80x128xi32, #tpu.memory_space<hbm>> -> memref<1x1x40x128xi32, #tpu.memory_space<hbm>>
      %dma_wait3A_40 = tpu.memref_squeeze %dma_wait3A_39 : memref<1x1x40x128xi32, #tpu.memory_space<hbm>> -> memref<40x128xi32, #tpu.memory_space<hbm>>
      tpu.wait_dma2 semaphore(%run_scoped3A : memref<!tpu.dma_semaphore, #tpu.memory_space<semaphore_mem>>) src(%dma_wait3A_40 : memref<40x128xi32, #tpu.memory_space<hbm>>) dst(%arg8 : memref<40x128xi32, #tpu.memory_space<vmem>>)
      tpu.yield
    }) : () -> ()
    "tpu.region"() ({
      %run_scoped3A = tpu.sem_alloc : memref<!tpu.dma_semaphore, #tpu.memory_space<semaphore_mem>>
      %dma_start3A_26 = arith.constant 40 : i32
      %dma_start3A_27 = arith.constant 0 : i32
      %dma_start3A_28 = tpu.memref_slice %arg4[%arg1, %dma_start3A_26, %dma_start3A_27] : memref<16x80x128xi32, #tpu.memory_space<hbm>> -> memref<1x40x128xi32, #tpu.memory_space<hbm>>
      %dma_start3A_29 = tpu.memref_squeeze %dma_start3A_28 : memref<1x40x128xi32, #tpu.memory_space<hbm>> -> memref<40x128xi32, #tpu.memory_space<hbm>>
      %dma_start3A_30 = arith.constant 40 : i32
      %dma_start3A_31 = arith.constant 0 : i32
      %dma_start3A_32 = tpu.memref_slice %arg4[%arg1, %dma_start3A_30, %dma_start3A_31] : memref<16x80x128xi32, #tpu.memory_space<hbm>> -> memref<1x40x128xi32, #tpu.memory_space<hbm>>
      %dma_start3A_33 = tpu.memref_squeeze %dma_start3A_32 : memref<1x40x128xi32, #tpu.memory_space<hbm>> -> memref<40x128xi32, #tpu.memory_space<hbm>>
      tpu.enqueue_dma source(%dma_start3A_33 : memref<40x128xi32, #tpu.memory_space<hbm>>) target(%arg9 : memref<40x128xi32, #tpu.memory_space<vmem>>) target_semaphore(%run_scoped3A : memref<!tpu.dma_semaphore, #tpu.memory_space<semaphore_mem>>)
      %dma_wait3A = arith.constant 40 : i32
      %dma_wait3A_34 = arith.constant 0 : i32
      %dma_wait3A_35 = tpu.memref_slice %arg4[%arg1, %dma_wait3A, %dma_wait3A_34] : memref<16x80x128xi32, #tpu.memory_space<hbm>> -> memref<1x40x128xi32, #tpu.memory_space<hbm>>
      %dma_wait3A_36 = tpu.memref_squeeze %dma_wait3A_35 : memref<1x40x128xi32, #tpu.memory_space<hbm>> -> memref<40x128xi32, #tpu.memory_space<hbm>>
      %dma_wait3A_37 = arith.constant 40 : i32
      %dma_wait3A_38 = arith.constant 0 : i32
      %dma_wait3A_39 = tpu.memref_slice %arg4[%arg1, %dma_wait3A_37, %dma_wait3A_38] : memref<16x80x128xi32, #tpu.memory_space<hbm>> -> memref<1x40x128xi32, #tpu.memory_space<hbm>>
      %dma_wait3A_40 = tpu.memref_squeeze %dma_wait3A_39 : memref<1x40x128xi32, #tpu.memory_space<hbm>> -> memref<40x128xi32, #tpu.memory_space<hbm>>
      tpu.wait_dma2 semaphore(%run_scoped3A : memref<!tpu.dma_semaphore, #tpu.memory_space<semaphore_mem>>) src(%dma_wait3A_40 : memref<40x128xi32, #tpu.memory_space<hbm>>) dst(%arg9 : memref<40x128xi32, #tpu.memory_space<vmem>>)
      tpu.yield
    }) : () -> ()
    %dma_start3A_12 = arith.constant 0 : i32
    %dma_start3A_13 = arith.constant 0 : i32
    %dma_start3A_14 = tpu.memref_slice %arg8[%dma_start3A_12, %dma_start3A_13] : memref<40x128xi32, #tpu.memory_space<vmem>> -> memref<1x128xi32, #tpu.memory_space<vmem>>
    %dma_start3A_15 = tpu.memref_squeeze %dma_start3A_14 : memref<1x128xi32, #tpu.memory_space<vmem>> -> memref<128xi32, #tpu.memory_space<vmem>>
    %dma_start3A_16 = arith.constant 0 : i32
    %dma_start3A_17 = arith.constant 0 : i32
    %dma_start3A_18 = tpu.memref_slice %arg2[%dma_start3A_16, %dma_start3A_17] : memref<20224x128xf32, #tpu.memory_space<hbm>> -> memref<20224x128xf32, #tpu.memory_space<hbm>>
    tpu.enqueue_indirect_dma source(%dma_start3A_18 : memref<20224x128xf32, #tpu.memory_space<hbm>>) target(%arg10 : memref<128x128xf32, #tpu.memory_space<vmem>>) offsets(%dma_start3A_15 : memref<128xi32, #tpu.memory_space<vmem>>) semaphore(%arg12 : memref<!tpu.dma_semaphore, #tpu.memory_space<semaphore_mem>>)
    %scan3A_19 = arith.constant 0 : i32
    %scan3A_20 = arith.constant 0 : i32
    %scan3A_21 = arith.constant 20 : i32
    %scan3A_22 = arith.addi %scan3A_20, %scan3A_21 : i32
    %scan3A_23 = arith.constant 1 : i32
    scf.for %scan3A_26 = %scan3A_20 to %scan3A_22 step %scan3A_23  : i32 {
      %mul3A_27 = arith.constant 2 : i32
      %mul3A_28 = arith.muli %mul3A_27, %scan3A_26 : i32
      %add3A = arith.constant 1 : i32
      %add3A_29 = arith.addi %mul3A_28, %add3A : i32
      %dma_start3A_30 = arith.constant 0 : i32
      %dma_start3A_31 = tpu.memref_slice %arg8[%add3A_29, %dma_start3A_30] : memref<40x128xi32, #tpu.memory_space<vmem>> -> memref<1x128xi32, #tpu.memory_space<vmem>>
      %dma_start3A_32 = tpu.memref_squeeze %dma_start3A_31 : memref<1x128xi32, #tpu.memory_space<vmem>> -> memref<128xi32, #tpu.memory_space<vmem>>
      %dma_start3A_33 = arith.constant 0 : i32
      %dma_start3A_34 = arith.constant 0 : i32
      %dma_start3A_35 = tpu.memref_slice %arg2[%dma_start3A_33, %dma_start3A_34] : memref<20224x128xf32, #tpu.memory_space<hbm>> -> memref<20224x128xf32, #tpu.memory_space<hbm>>
      tpu.enqueue_indirect_dma source(%dma_start3A_35 : memref<20224x128xf32, #tpu.memory_space<hbm>>) target(%arg11 : memref<128x128xf32, #tpu.memory_space<vmem>>) offsets(%dma_start3A_32 : memref<128xi32, #tpu.memory_space<vmem>>) semaphore(%arg13 : memref<!tpu.dma_semaphore, #tpu.memory_space<semaphore_mem>>)
      %dma_wait3A = arith.constant 0 : i32
      %dma_wait3A_36 = arith.constant 0 : i32
      %dma_wait3A_37 = tpu.memref_slice %arg8[%dma_wait3A, %dma_wait3A_36] : memref<40x128xi32, #tpu.memory_space<vmem>> -> memref<1x128xi32, #tpu.memory_space<vmem>>
      %dma_wait3A_38 = tpu.memref_squeeze %dma_wait3A_37 : memref<1x128xi32, #tpu.memory_space<vmem>> -> memref<128xi32, #tpu.memory_space<vmem>>
      %dma_wait3A_39 = arith.constant 0 : i32
      %dma_wait3A_40 = arith.constant 0 : i32
      %dma_wait3A_41 = tpu.memref_slice %arg2[%dma_wait3A_39, %dma_wait3A_40] : memref<20224x128xf32, #tpu.memory_space<hbm>> -> memref<20224x128xf32, #tpu.memory_space<hbm>>
      tpu.wait_indirect_dma semaphore(%arg12 : memref<!tpu.dma_semaphore, #tpu.memory_space<semaphore_mem>>) src(%dma_wait3A_41 : memref<20224x128xf32, #tpu.memory_space<hbm>>) dst(%arg10 : memref<128x128xf32, #tpu.memory_space<vmem>>)
      %mul3A_42 = arith.constant 2 : i32
      %mul3A_43 = arith.muli %mul3A_42, %scan3A_26 : i32
      "tpu.region"() ({
        %run_scoped3A = tpu.sem_alloc : memref<!tpu.dma_semaphore, #tpu.memory_space<semaphore_mem>>
        %dma_start3A_57 = arith.constant 0 : i32
        %dma_start3A_58 = tpu.memref_slice %arg9[%mul3A_43, %dma_start3A_57] : memref<40x128xi32, #tpu.memory_space<vmem>> -> memref<1x128xi32, #tpu.memory_space<vmem>>
        %dma_start3A_59 = tpu.memref_squeeze %dma_start3A_58 : memref<1x128xi32, #tpu.memory_space<vmem>> -> memref<128xi32, #tpu.memory_space<vmem>>
        %dma_start3A_60 = arith.constant 0 : i32
        %dma_start3A_61 = arith.constant 0 : i32
        %dma_start3A_62 = tpu.memref_slice %arg7[%dma_start3A_60, %dma_start3A_61] : memref<10112x128xf32, #tpu.memory_space<vmem_shared>> -> memref<10112x128xf32, #tpu.memory_space<vmem_shared>>
        tpu.enqueue_indirect_dma source(%arg10 : memref<128x128xf32, #tpu.memory_space<vmem>>) target(%dma_start3A_62 : memref<10112x128xf32, #tpu.memory_space<vmem_shared>>) offsets(%dma_start3A_59 : memref<128xi32, #tpu.memory_space<vmem>>) semaphore(%run_scoped3A : memref<!tpu.dma_semaphore, #tpu.memory_space<semaphore_mem>>) {add = true}
        %dma_wait3A_63 = arith.constant 0 : i32
        %dma_wait3A_64 = tpu.memref_slice %arg9[%mul3A_43, %dma_wait3A_63] : memref<40x128xi32, #tpu.memory_space<vmem>> -> memref<1x128xi32, #tpu.memory_space<vmem>>
        %dma_wait3A_65 = tpu.memref_squeeze %dma_wait3A_64 : memref<1x128xi32, #tpu.memory_space<vmem>> -> memref<128xi32, #tpu.memory_space<vmem>>
        %dma_wait3A_66 = arith.constant 0 : i32
        %dma_wait3A_67 = arith.constant 0 : i32
        %dma_wait3A_68 = tpu.memref_slice %arg7[%dma_wait3A_66, %dma_wait3A_67] : memref<10112x128xf32, #tpu.memory_space<vmem_shared>> -> memref<10112x128xf32, #tpu.memory_space<vmem_shared>>
        tpu.wait_indirect_dma semaphore(%run_scoped3A : memref<!tpu.dma_semaphore, #tpu.memory_space<semaphore_mem>>) src(%arg10 : memref<128x128xf32, #tpu.memory_space<vmem>>) dst(%dma_wait3A_68 : memref<10112x128xf32, #tpu.memory_space<vmem_shared>>)
        tpu.yield
      }) : () -> ()
      %lt3A = arith.constant 19 : i32
      %lt3A_44 = arith.cmpi slt, %scan3A_26, %lt3A : i32
      %convert_element_type3A = arith.extui %lt3A_44 : i1 to i32
      %cond3A = arith.constant 0 : i32
      %cond3A_45 = arith.cmpi ne, %convert_element_type3A, %cond3A : i32
      scf.if %cond3A_45 {
        %mul3A_57 = arith.constant 2 : i32
        %mul3A_58 = arith.muli %mul3A_57, %scan3A_26 : i32
        %add3A_59 = arith.constant 2 : i32
        %add3A_60 = arith.addi %mul3A_58, %add3A_59 : i32
        %dma_start3A_61 = arith.constant 0 : i32
        %dma_start3A_62 = tpu.memref_slice %arg8[%add3A_60, %dma_start3A_61] : memref<40x128xi32, #tpu.memory_space<vmem>> -> memref<1x128xi32, #tpu.memory_space<vmem>>
        %dma_start3A_63 = tpu.memref_squeeze %dma_start3A_62 : memref<1x128xi32, #tpu.memory_space<vmem>> -> memref<128xi32, #tpu.memory_space<vmem>>
        %dma_start3A_64 = arith.constant 0 : i32
        %dma_start3A_65 = arith.constant 0 : i32
        %dma_start3A_66 = tpu.memref_slice %arg2[%dma_start3A_64, %dma_start3A_65] : memref<20224x128xf32, #tpu.memory_space<hbm>> -> memref<20224x128xf32, #tpu.memory_space<hbm>>
        tpu.enqueue_indirect_dma source(%dma_start3A_66 : memref<20224x128xf32, #tpu.memory_space<hbm>>) target(%arg10 : memref<128x128xf32, #tpu.memory_space<vmem>>) offsets(%dma_start3A_63 : memref<128xi32, #tpu.memory_space<vmem>>) semaphore(%arg12 : memref<!tpu.dma_semaphore, #tpu.memory_space<semaphore_mem>>)
      } else {
      }
      %dma_wait3A_46 = arith.constant 0 : i32
      %dma_wait3A_47 = arith.constant 0 : i32
      %dma_wait3A_48 = tpu.memref_slice %arg8[%dma_wait3A_46, %dma_wait3A_47] : memref<40x128xi32, #tpu.memory_space<vmem>> -> memref<1x128xi32, #tpu.memory_space<vmem>>
      %dma_wait3A_49 = tpu.memref_squeeze %dma_wait3A_48 : memref<1x128xi32, #tpu.memory_space<vmem>> -> memref<128xi32, #tpu.memory_space<vmem>>
      %dma_wait3A_50 = arith.constant 0 : i32
      %dma_wait3A_51 = arith.constant 0 : i32
      %dma_wait3A_52 = tpu.memref_slice %arg2[%dma_wait3A_50, %dma_wait3A_51] : memref<20224x128xf32, #tpu.memory_space<hbm>> -> memref<20224x128xf32, #tpu.memory_space<hbm>>
      tpu.wait_indirect_dma semaphore(%arg13 : memref<!tpu.dma_semaphore, #tpu.memory_space<semaphore_mem>>) src(%dma_wait3A_52 : memref<20224x128xf32, #tpu.memory_space<hbm>>) dst(%arg11 : memref<128x128xf32, #tpu.memory_space<vmem>>)
      %mul3A_53 = arith.constant 2 : i32
      %mul3A_54 = arith.muli %mul3A_53, %scan3A_26 : i32
      %add3A_55 = arith.constant 1 : i32
      %add3A_56 = arith.addi %mul3A_54, %add3A_55 : i32
      "tpu.region"() ({
        %run_scoped3A = tpu.sem_alloc : memref<!tpu.dma_semaphore, #tpu.memory_space<semaphore_mem>>
        %dma_start3A_57 = arith.constant 0 : i32
        %dma_start3A_58 = tpu.memref_slice %arg9[%add3A_56, %dma_start3A_57] : memref<40x128xi32, #tpu.memory_space<vmem>> -> memref<1x128xi32, #tpu.memory_space<vmem>>
        %dma_start3A_59 = tpu.memref_squeeze %dma_start3A_58 : memref<1x128xi32, #tpu.memory_space<vmem>> -> memref<128xi32, #tpu.memory_space<vmem>>
        %dma_start3A_60 = arith.constant 0 : i32
        %dma_start3A_61 = arith.constant 0 : i32
        %dma_start3A_62 = tpu.memref_slice %arg7[%dma_start3A_60, %dma_start3A_61] : memref<10112x128xf32, #tpu.memory_space<vmem_shared>> -> memref<10112x128xf32, #tpu.memory_space<vmem_shared>>
        tpu.enqueue_indirect_dma source(%arg11 : memref<128x128xf32, #tpu.memory_space<vmem>>) target(%dma_start3A_62 : memref<10112x128xf32, #tpu.memory_space<vmem_shared>>) offsets(%dma_start3A_59 : memref<128xi32, #tpu.memory_space<vmem>>) semaphore(%run_scoped3A : memref<!tpu.dma_semaphore, #tpu.memory_space<semaphore_mem>>) {add = true}
        %dma_wait3A_63 = arith.constant 0 : i32
        %dma_wait3A_64 = tpu.memref_slice %arg9[%add3A_56, %dma_wait3A_63] : memref<40x128xi32, #tpu.memory_space<vmem>> -> memref<1x128xi32, #tpu.memory_space<vmem>>
        %dma_wait3A_65 = tpu.memref_squeeze %dma_wait3A_64 : memref<1x128xi32, #tpu.memory_space<vmem>> -> memref<128xi32, #tpu.memory_space<vmem>>
        %dma_wait3A_66 = arith.constant 0 : i32
        %dma_wait3A_67 = arith.constant 0 : i32
        %dma_wait3A_68 = tpu.memref_slice %arg7[%dma_wait3A_66, %dma_wait3A_67] : memref<10112x128xf32, #tpu.memory_space<vmem_shared>> -> memref<10112x128xf32, #tpu.memory_space<vmem_shared>>
        tpu.wait_indirect_dma semaphore(%run_scoped3A : memref<!tpu.dma_semaphore, #tpu.memory_space<semaphore_mem>>) src(%arg11 : memref<128x128xf32, #tpu.memory_space<vmem>>) dst(%dma_wait3A_68 : memref<10112x128xf32, #tpu.memory_space<vmem_shared>>)
        tpu.yield
      }) : () -> ()
    }
    %scan3A_24 = arith.constant 20 : i32
    %barrier3A_25 = arith.constant 0 : index
    tpu.barrier barrier_id(%barrier3A_25)
    "tpu.region"() ({
      %run_scoped3A = tpu.sem_alloc : memref<!tpu.dma_semaphore, #tpu.memory_space<semaphore_mem>>
      %dma_start3A_26 = arith.constant 0 : i32
      %dma_start3A_27 = tpu.memref_slice %arg6[%arg0, %mul3A_0, %dma_start3A_26] : memref<2x10112x128xf32, #tpu.memory_space<hbm>> -> memref<1x632x128xf32, #tpu.memory_space<hbm>>
      %dma_start3A_28 = tpu.memref_squeeze %dma_start3A_27 : memref<1x632x128xf32, #tpu.memory_space<hbm>> -> memref<632x128xf32, #tpu.memory_space<hbm>>
      %dma_start3A_29 = arith.constant 0 : i32
      %dma_start3A_30 = tpu.memref_slice %arg7[%mul3A_0, %dma_start3A_29] : memref<10112x128xf32, #tpu.memory_space<vmem_shared>> -> memref<632x128xf32, #tpu.memory_space<vmem_shared>>
      tpu.enqueue_dma source(%dma_start3A_30 : memref<632x128xf32, #tpu.memory_space<vmem_shared>>) target(%dma_start3A_28 : memref<632x128xf32, #tpu.memory_space<hbm>>) target_semaphore(%run_scoped3A : memref<!tpu.dma_semaphore, #tpu.memory_space<semaphore_mem>>)
      %dma_wait3A = arith.constant 0 : i32
      %dma_wait3A_31 = tpu.memref_slice %arg6[%arg0, %mul3A_0, %dma_wait3A] : memref<2x10112x128xf32, #tpu.memory_space<hbm>> -> memref<1x632x128xf32, #tpu.memory_space<hbm>>
      %dma_wait3A_32 = tpu.memref_squeeze %dma_wait3A_31 : memref<1x632x128xf32, #tpu.memory_space<hbm>> -> memref<632x128xf32, #tpu.memory_space<hbm>>
      %dma_wait3A_33 = arith.constant 0 : i32
      %dma_wait3A_34 = tpu.memref_slice %arg7[%mul3A_0, %dma_wait3A_33] : memref<10112x128xf32, #tpu.memory_space<vmem_shared>> -> memref<632x128xf32, #tpu.memory_space<vmem_shared>>
      tpu.wait_dma2 semaphore(%run_scoped3A : memref<!tpu.dma_semaphore, #tpu.memory_space<semaphore_mem>>) src(%dma_wait3A_34 : memref<632x128xf32, #tpu.memory_space<vmem_shared>>) dst(%dma_wait3A_32 : memref<632x128xf32, #tpu.memory_space<hbm>>)
      tpu.yield
    }) : () -> ()
    return
  }
}

#map = affine_map<(d0, d1) -> (0, 0)>
#map1 = affine_map<(d0, d1) -> (0, 0, 0, 0)>
#map2 = affine_map<(d0, d1) -> (0, 0, 0)>
module attributes {stable_mosaic.version = 14 : i64} {
  func.func @body(%arg0: i32, %arg1: i32, %arg2: memref<20224x128xf32, #tpu.memory_space<hbm>>, %arg3: memref<2x16x80x128xi32, #tpu.memory_space<hbm>>, %arg4: memref<16x80x128xi32, #tpu.memory_space<hbm>>, %arg5: memref<632x128xf32, #tpu.memory_space<hbm>>, %arg6: memref<2x10112x128xf32, #tpu.memory_space<hbm>>, %arg7: memref<10112x128xf32, #tpu.memory_space<vmem_shared>>, %arg8: memref<40x128xi32, #tpu.memory_space<vmem>>, %arg9: memref<40x128xi32, #tpu.memory_space<vmem>>, %arg10: memref<128x128xf32, #tpu.memory_space<vmem>>, %arg11: memref<128x128xf32, #tpu.memory_space<vmem>>, %arg12: memref<!tpu.dma_semaphore, #tpu.memory_space<semaphore_mem>>, %arg13: memref<!tpu.dma_semaphore, #tpu.memory_space<semaphore_mem>>) attributes {dimension_semantics = [#tpu.dimension_semantics<core_parallel>, #tpu.dimension_semantics<subcore_parallel>], iteration_bounds = array<i64: 2, 16>, scalar_prefetch = 0 : i64, scratch_operands = 7 : i64, tpu.core_type = #tpu.core_type<sc_vector_subcore>, window_params = [{transform_indices = #map}, {transform_indices = #map1}, {transform_indices = #map2}, {transform_indices = #map}, {transform_indices = #map2}]} {
    %mul3A = arith.constant 632 : i32
    %mul3A_0 = arith.muli %arg1, %mul3A : i32
    "tpu.region"() ({
      %run_scoped3A = tpu.sem_alloc : memref<!tpu.dma_semaphore, #tpu.memory_space<semaphore_mem>>
      %dma_start3A_26 = arith.constant 0 : i32
      %dma_start3A_27 = tpu.memref_slice %arg7[%mul3A_0, %dma_start3A_26] : memref<10112x128xf32, #tpu.memory_space<vmem_shared>> -> memref<632x128xf32, #tpu.memory_space<vmem_shared>>
      tpu.enqueue_dma source(%arg5 : memref<632x128xf32, #tpu.memory_space<hbm>>) target(%dma_start3A_27 : memref<632x128xf32, #tpu.memory_space<vmem_shared>>) target_semaphore(%run_scoped3A : memref<!tpu.dma_semaphore, #tpu.memory_space<semaphore_mem>>)
      %dma_wait3A = arith.constant 0 : i32
      %dma_wait3A_28 = tpu.memref_slice %arg7[%mul3A_0, %dma_wait3A] : memref<10112x128xf32, #tpu.memory_space<vmem_shared>> -> memref<632x128xf32, #tpu.memory_space<vmem_shared>>
      tpu.wait_dma2 semaphore(%run_scoped3A : memref<!tpu.dma_semaphore, #tpu.memory_space<semaphore_mem>>) src(%arg5 : memref<632x128xf32, #tpu.memory_space<hbm>>) dst(%dma_wait3A_28 : memref<632x128xf32, #tpu.memory_space<vmem_shared>>)
      tpu.yield
    }) : () -> ()
    %barrier3A = arith.constant 0 : index
    tpu.barrier barrier_id(%barrier3A)
    "tpu.region"() ({
      %run_scoped3A = tpu.sem_alloc : memref<!tpu.dma_semaphore, #tpu.memory_space<semaphore_mem>>
      %dma_start3A_26 = arith.constant 0 : i32
      %dma_start3A_27 = arith.constant 0 : i32
      %dma_start3A_28 = tpu.memref_slice %arg3[%arg0, %arg1, %dma_start3A_26, %dma_start3A_27] : memref<2x16x80x128xi32, #tpu.memory_space<hbm>> -> memref<1x1x40x128xi32, #tpu.memory_space<hbm>>
      %dma_start3A_29 = tpu.memref_squeeze %dma_start3A_28 : memref<1x1x40x128xi32, #tpu.memory_space<hbm>> -> memref<40x128xi32, #tpu.memory_space<hbm>>
      %dma_start3A_30 = arith.constant 0 : i32
      %dma_start3A_31 = arith.constant 0 : i32
      %dma_start3A_32 = tpu.memref_slice %arg3[%arg0, %arg1, %dma_start3A_30, %dma_start3A_31] : memref<2x16x80x128xi32, #tpu.memory_space<hbm>> -> memref<1x1x40x128xi32, #tpu.memory_space<hbm>>
      %dma_start3A_33 = tpu.memref_squeeze %dma_start3A_32 : memref<1x1x40x128xi32, #tpu.memory_space<hbm>> -> memref<40x128xi32, #tpu.memory_space<hbm>>
      tpu.enqueue_dma source(%dma_start3A_33 : memref<40x128xi32, #tpu.memory_space<hbm>>) target(%arg8 : memref<40x128xi32, #tpu.memory_space<vmem>>) target_semaphore(%run_scoped3A : memref<!tpu.dma_semaphore, #tpu.memory_space<semaphore_mem>>)
      %dma_wait3A = arith.constant 0 : i32
      %dma_wait3A_34 = arith.constant 0 : i32
      %dma_wait3A_35 = tpu.memref_slice %arg3[%arg0, %arg1, %dma_wait3A, %dma_wait3A_34] : memref<2x16x80x128xi32, #tpu.memory_space<hbm>> -> memref<1x1x40x128xi32, #tpu.memory_space<hbm>>
      %dma_wait3A_36 = tpu.memref_squeeze %dma_wait3A_35 : memref<1x1x40x128xi32, #tpu.memory_space<hbm>> -> memref<40x128xi32, #tpu.memory_space<hbm>>
      %dma_wait3A_37 = arith.constant 0 : i32
      %dma_wait3A_38 = arith.constant 0 : i32
      %dma_wait3A_39 = tpu.memref_slice %arg3[%arg0, %arg1, %dma_wait3A_37, %dma_wait3A_38] : memref<2x16x80x128xi32, #tpu.memory_space<hbm>> -> memref<1x1x40x128xi32, #tpu.memory_space<hbm>>
      %dma_wait3A_40 = tpu.memref_squeeze %dma_wait3A_39 : memref<1x1x40x128xi32, #tpu.memory_space<hbm>> -> memref<40x128xi32, #tpu.memory_space<hbm>>
      tpu.wait_dma2 semaphore(%run_scoped3A : memref<!tpu.dma_semaphore, #tpu.memory_space<semaphore_mem>>) src(%dma_wait3A_40 : memref<40x128xi32, #tpu.memory_space<hbm>>) dst(%arg8 : memref<40x128xi32, #tpu.memory_space<vmem>>)
      tpu.yield
    }) : () -> ()
    "tpu.region"() ({
      %run_scoped3A = tpu.sem_alloc : memref<!tpu.dma_semaphore, #tpu.memory_space<semaphore_mem>>
      %dma_start3A_26 = arith.constant 0 : i32
      %dma_start3A_27 = arith.constant 0 : i32
      %dma_start3A_28 = tpu.memref_slice %arg4[%arg1, %dma_start3A_26, %dma_start3A_27] : memref<16x80x128xi32, #tpu.memory_space<hbm>> -> memref<1x40x128xi32, #tpu.memory_space<hbm>>
      %dma_start3A_29 = tpu.memref_squeeze %dma_start3A_28 : memref<1x40x128xi32, #tpu.memory_space<hbm>> -> memref<40x128xi32, #tpu.memory_space<hbm>>
      %dma_start3A_30 = arith.constant 0 : i32
      %dma_start3A_31 = arith.constant 0 : i32
      %dma_start3A_32 = tpu.memref_slice %arg4[%arg1, %dma_start3A_30, %dma_start3A_31] : memref<16x80x128xi32, #tpu.memory_space<hbm>> -> memref<1x40x128xi32, #tpu.memory_space<hbm>>
      %dma_start3A_33 = tpu.memref_squeeze %dma_start3A_32 : memref<1x40x128xi32, #tpu.memory_space<hbm>> -> memref<40x128xi32, #tpu.memory_space<hbm>>
      tpu.enqueue_dma source(%dma_start3A_33 : memref<40x128xi32, #tpu.memory_space<hbm>>) target(%arg9 : memref<40x128xi32, #tpu.memory_space<vmem>>) target_semaphore(%run_scoped3A : memref<!tpu.dma_semaphore, #tpu.memory_space<semaphore_mem>>)
      %dma_wait3A = arith.constant 0 : i32
      %dma_wait3A_34 = arith.constant 0 : i32
      %dma_wait3A_35 = tpu.memref_slice %arg4[%arg1, %dma_wait3A, %dma_wait3A_34] : memref<16x80x128xi32, #tpu.memory_space<hbm>> -> memref<1x40x128xi32, #tpu.memory_space<hbm>>
      %dma_wait3A_36 = tpu.memref_squeeze %dma_wait3A_35 : memref<1x40x128xi32, #tpu.memory_space<hbm>> -> memref<40x128xi32, #tpu.memory_space<hbm>>
      %dma_wait3A_37 = arith.constant 0 : i32
      %dma_wait3A_38 = arith.constant 0 : i32
      %dma_wait3A_39 = tpu.memref_slice %arg4[%arg1, %dma_wait3A_37, %dma_wait3A_38] : memref<16x80x128xi32, #tpu.memory_space<hbm>> -> memref<1x40x128xi32, #tpu.memory_space<hbm>>
      %dma_wait3A_40 = tpu.memref_squeeze %dma_wait3A_39 : memref<1x40x128xi32, #tpu.memory_space<hbm>> -> memref<40x128xi32, #tpu.memory_space<hbm>>
      tpu.wait_dma2 semaphore(%run_scoped3A : memref<!tpu.dma_semaphore, #tpu.memory_space<semaphore_mem>>) src(%dma_wait3A_40 : memref<40x128xi32, #tpu.memory_space<hbm>>) dst(%arg9 : memref<40x128xi32, #tpu.memory_space<vmem>>)
      tpu.yield
    }) : () -> ()
    %dma_start3A = arith.constant 0 : i32
    %dma_start3A_1 = arith.constant 0 : i32
    %dma_start3A_2 = tpu.memref_slice %arg8[%dma_start3A, %dma_start3A_1] : memref<40x128xi32, #tpu.memory_space<vmem>> -> memref<1x128xi32, #tpu.memory_space<vmem>>
    %dma_start3A_3 = tpu.memref_squeeze %dma_start3A_2 : memref<1x128xi32, #tpu.memory_space<vmem>> -> memref<128xi32, #tpu.memory_space<vmem>>
    %dma_start3A_4 = arith.constant 0 : i32
    %dma_start3A_5 = arith.constant 0 : i32
    %dma_start3A_6 = tpu.memref_slice %arg2[%dma_start3A_4, %dma_start3A_5] : memref<20224x128xf32, #tpu.memory_space<hbm>> -> memref<20224x128xf32, #tpu.memory_space<hbm>>
    tpu.enqueue_indirect_dma source(%dma_start3A_6 : memref<20224x128xf32, #tpu.memory_space<hbm>>) target(%arg10 : memref<128x128xf32, #tpu.memory_space<vmem>>) offsets(%dma_start3A_3 : memref<128xi32, #tpu.memory_space<vmem>>) semaphore(%arg12 : memref<!tpu.dma_semaphore, #tpu.memory_space<semaphore_mem>>)
    %scan3A = arith.constant 0 : i32
    %scan3A_7 = arith.constant 0 : i32
    %scan3A_8 = arith.constant 20 : i32
    %scan3A_9 = arith.addi %scan3A_7, %scan3A_8 : i32
    %scan3A_10 = arith.constant 1 : i32
    scf.for %scan3A_26 = %scan3A_7 to %scan3A_9 step %scan3A_10  : i32 {
      %mul3A_27 = arith.constant 2 : i32
      %mul3A_28 = arith.muli %mul3A_27, %scan3A_26 : i32
      %add3A = arith.constant 1 : i32
      %add3A_29 = arith.addi %mul3A_28, %add3A : i32
      %dma_start3A_30 = arith.constant 0 : i32
      %dma_start3A_31 = tpu.memref_slice %arg8[%add3A_29, %dma_start3A_30] : memref<40x128xi32, #tpu.memory_space<vmem>> -> memref<1x128xi32, #tpu.memory_space<vmem>>
      %dma_start3A_32 = tpu.memref_squeeze %dma_start3A_31 : memref<1x128xi32, #tpu.memory_space<vmem>> -> memref<128xi32, #tpu.memory_space<vmem>>
      %dma_start3A_33 = arith.constant 0 : i32
      %dma_start3A_34 = arith.constant 0 : i32
      %dma_start3A_35 = tpu.memref_slice %arg2[%dma_start3A_33, %dma_start3A_34] : memref<20224x128xf32, #tpu.memory_space<hbm>> -> memref<20224x128xf32, #tpu.memory_space<hbm>>
      tpu.enqueue_indirect_dma source(%dma_start3A_35 : memref<20224x128xf32, #tpu.memory_space<hbm>>) target(%arg11 : memref<128x128xf32, #tpu.memory_space<vmem>>) offsets(%dma_start3A_32 : memref<128xi32, #tpu.memory_space<vmem>>) semaphore(%arg13 : memref<!tpu.dma_semaphore, #tpu.memory_space<semaphore_mem>>)
      %dma_wait3A = arith.constant 0 : i32
      %dma_wait3A_36 = arith.constant 0 : i32
      %dma_wait3A_37 = tpu.memref_slice %arg8[%dma_wait3A, %dma_wait3A_36] : memref<40x128xi32, #tpu.memory_space<vmem>> -> memref<1x128xi32, #tpu.memory_space<vmem>>
      %dma_wait3A_38 = tpu.memref_squeeze %dma_wait3A_37 : memref<1x128xi32, #tpu.memory_space<vmem>> -> memref<128xi32, #tpu.memory_space<vmem>>
      %dma_wait3A_39 = arith.constant 0 : i32
      %dma_wait3A_40 = arith.constant 0 : i32
      %dma_wait3A_41 = tpu.memref_slice %arg2[%dma_wait3A_39, %dma_wait3A_40] : memref<20224x128xf32, #tpu.memory_space<hbm>> -> memref<20224x128xf32, #tpu.memory_space<hbm>>
      tpu.wait_indirect_dma semaphore(%arg12 : memref<!tpu.dma_semaphore, #tpu.memory_space<semaphore_mem>>) src(%dma_wait3A_41 : memref<20224x128xf32, #tpu.memory_space<hbm>>) dst(%arg10 : memref<128x128xf32, #tpu.memory_space<vmem>>)
      %mul3A_42 = arith.constant 2 : i32
      %mul3A_43 = arith.muli %mul3A_42, %scan3A_26 : i32
      "tpu.region"() ({
        %run_scoped3A = tpu.sem_alloc : memref<!tpu.dma_semaphore, #tpu.memory_space<semaphore_mem>>
        %dma_start3A_57 = arith.constant 0 : i32
        %dma_start3A_58 = tpu.memref_slice %arg9[%mul3A_43, %dma_start3A_57] : memref<40x128xi32, #tpu.memory_space<vmem>> -> memref<1x128xi32, #tpu.memory_space<vmem>>
        %dma_start3A_59 = tpu.memref_squeeze %dma_start3A_58 : memref<1x128xi32, #tpu.memory_space<vmem>> -> memref<128xi32, #tpu.memory_space<vmem>>
        %dma_start3A_60 = arith.constant 0 : i32
        %dma_start3A_61 = arith.constant 0 : i32
        %dma_start3A_62 = tpu.memref_slice %arg7[%dma_start3A_60, %dma_start3A_61] : memref<10112x128xf32, #tpu.memory_space<vmem_shared>> -> memref<10112x128xf32, #tpu.memory_space<vmem_shared>>
        tpu.enqueue_indirect_dma source(%arg10 : memref<128x128xf32, #tpu.memory_space<vmem>>) target(%dma_start3A_62 : memref<10112x128xf32, #tpu.memory_space<vmem_shared>>) offsets(%dma_start3A_59 : memref<128xi32, #tpu.memory_space<vmem>>) semaphore(%run_scoped3A : memref<!tpu.dma_semaphore, #tpu.memory_space<semaphore_mem>>) {add = true}
        %dma_wait3A_63 = arith.constant 0 : i32
        %dma_wait3A_64 = tpu.memref_slice %arg9[%mul3A_43, %dma_wait3A_63] : memref<40x128xi32, #tpu.memory_space<vmem>> -> memref<1x128xi32, #tpu.memory_space<vmem>>
        %dma_wait3A_65 = tpu.memref_squeeze %dma_wait3A_64 : memref<1x128xi32, #tpu.memory_space<vmem>> -> memref<128xi32, #tpu.memory_space<vmem>>
        %dma_wait3A_66 = arith.constant 0 : i32
        %dma_wait3A_67 = arith.constant 0 : i32
        %dma_wait3A_68 = tpu.memref_slice %arg7[%dma_wait3A_66, %dma_wait3A_67] : memref<10112x128xf32, #tpu.memory_space<vmem_shared>> -> memref<10112x128xf32, #tpu.memory_space<vmem_shared>>
        tpu.wait_indirect_dma semaphore(%run_scoped3A : memref<!tpu.dma_semaphore, #tpu.memory_space<semaphore_mem>>) src(%arg10 : memref<128x128xf32, #tpu.memory_space<vmem>>) dst(%dma_wait3A_68 : memref<10112x128xf32, #tpu.memory_space<vmem_shared>>)
        tpu.yield
      }) : () -> ()
      %lt3A = arith.constant 19 : i32
      %lt3A_44 = arith.cmpi slt, %scan3A_26, %lt3A : i32
      %convert_element_type3A = arith.extui %lt3A_44 : i1 to i32
      %cond3A = arith.constant 0 : i32
      %cond3A_45 = arith.cmpi ne, %convert_element_type3A, %cond3A : i32
      scf.if %cond3A_45 {
        %mul3A_57 = arith.constant 2 : i32
        %mul3A_58 = arith.muli %mul3A_57, %scan3A_26 : i32
        %add3A_59 = arith.constant 2 : i32
        %add3A_60 = arith.addi %mul3A_58, %add3A_59 : i32
        %dma_start3A_61 = arith.constant 0 : i32
        %dma_start3A_62 = tpu.memref_slice %arg8[%add3A_60, %dma_start3A_61] : memref<40x128xi32, #tpu.memory_space<vmem>> -> memref<1x128xi32, #tpu.memory_space<vmem>>
        %dma_start3A_63 = tpu.memref_squeeze %dma_start3A_62 : memref<1x128xi32, #tpu.memory_space<vmem>> -> memref<128xi32, #tpu.memory_space<vmem>>
        %dma_start3A_64 = arith.constant 0 : i32
        %dma_start3A_65 = arith.constant 0 : i32
        %dma_start3A_66 = tpu.memref_slice %arg2[%dma_start3A_64, %dma_start3A_65] : memref<20224x128xf32, #tpu.memory_space<hbm>> -> memref<20224x128xf32, #tpu.memory_space<hbm>>
        tpu.enqueue_indirect_dma source(%dma_start3A_66 : memref<20224x128xf32, #tpu.memory_space<hbm>>) target(%arg10 : memref<128x128xf32, #tpu.memory_space<vmem>>) offsets(%dma_start3A_63 : memref<128xi32, #tpu.memory_space<vmem>>) semaphore(%arg12 : memref<!tpu.dma_semaphore, #tpu.memory_space<semaphore_mem>>)
      } else {
      }
      %dma_wait3A_46 = arith.constant 0 : i32
      %dma_wait3A_47 = arith.constant 0 : i32
      %dma_wait3A_48 = tpu.memref_slice %arg8[%dma_wait3A_46, %dma_wait3A_47] : memref<40x128xi32, #tpu.memory_space<vmem>> -> memref<1x128xi32, #tpu.memory_space<vmem>>
      %dma_wait3A_49 = tpu.memref_squeeze %dma_wait3A_48 : memref<1x128xi32, #tpu.memory_space<vmem>> -> memref<128xi32, #tpu.memory_space<vmem>>
      %dma_wait3A_50 = arith.constant 0 : i32
      %dma_wait3A_51 = arith.constant 0 : i32
      %dma_wait3A_52 = tpu.memref_slice %arg2[%dma_wait3A_50, %dma_wait3A_51] : memref<20224x128xf32, #tpu.memory_space<hbm>> -> memref<20224x128xf32, #tpu.memory_space<hbm>>
      tpu.wait_indirect_dma semaphore(%arg13 : memref<!tpu.dma_semaphore, #tpu.memory_space<semaphore_mem>>) src(%dma_wait3A_52 : memref<20224x128xf32, #tpu.memory_space<hbm>>) dst(%arg11 : memref<128x128xf32, #tpu.memory_space<vmem>>)
      %mul3A_53 = arith.constant 2 : i32
      %mul3A_54 = arith.muli %mul3A_53, %scan3A_26 : i32
      %add3A_55 = arith.constant 1 : i32
      %add3A_56 = arith.addi %mul3A_54, %add3A_55 : i32
      "tpu.region"() ({
        %run_scoped3A = tpu.sem_alloc : memref<!tpu.dma_semaphore, #tpu.memory_space<semaphore_mem>>
        %dma_start3A_57 = arith.constant 0 : i32
        %dma_start3A_58 = tpu.memref_slice %arg9[%add3A_56, %dma_start3A_57] : memref<40x128xi32, #tpu.memory_space<vmem>> -> memref<1x128xi32, #tpu.memory_space<vmem>>
        %dma_start3A_59 = tpu.memref_squeeze %dma_start3A_58 : memref<1x128xi32, #tpu.memory_space<vmem>> -> memref<128xi32, #tpu.memory_space<vmem>>
        %dma_start3A_60 = arith.constant 0 : i32
        %dma_start3A_61 = arith.constant 0 : i32
        %dma_start3A_62 = tpu.memref_slice %arg7[%dma_start3A_60, %dma_start3A_61] : memref<10112x128xf32, #tpu.memory_space<vmem_shared>> -> memref<10112x128xf32, #tpu.memory_space<vmem_shared>>
        tpu.enqueue_indirect_dma source(%arg11 : memref<128x128xf32, #tpu.memory_space<vmem>>) target(%dma_start3A_62 : memref<10112x128xf32, #tpu.memory_space<vmem_shared>>) offsets(%dma_start3A_59 : memref<128xi32, #tpu.memory_space<vmem>>) semaphore(%run_scoped3A : memref<!tpu.dma_semaphore, #tpu.memory_space<semaphore_mem>>) {add = true}
        %dma_wait3A_63 = arith.constant 0 : i32
        %dma_wait3A_64 = tpu.memref_slice %arg9[%add3A_56, %dma_wait3A_63] : memref<40x128xi32, #tpu.memory_space<vmem>> -> memref<1x128xi32, #tpu.memory_space<vmem>>
        %dma_wait3A_65 = tpu.memref_squeeze %dma_wait3A_64 : memref<1x128xi32, #tpu.memory_space<vmem>> -> memref<128xi32, #tpu.memory_space<vmem>>
        %dma_wait3A_66 = arith.constant 0 : i32
        %dma_wait3A_67 = arith.constant 0 : i32
        %dma_wait3A_68 = tpu.memref_slice %arg7[%dma_wait3A_66, %dma_wait3A_67] : memref<10112x128xf32, #tpu.memory_space<vmem_shared>> -> memref<10112x128xf32, #tpu.memory_space<vmem_shared>>
        tpu.wait_indirect_dma semaphore(%run_scoped3A : memref<!tpu.dma_semaphore, #tpu.memory_space<semaphore_mem>>) src(%arg11 : memref<128x128xf32, #tpu.memory_space<vmem>>) dst(%dma_wait3A_68 : memref<10112x128xf32, #tpu.memory_space<vmem_shared>>)
        tpu.yield
      }) : () -> ()
    }
    %scan3A_11 = arith.constant 20 : i32
    "tpu.region"() ({
      %run_scoped3A = tpu.sem_alloc : memref<!tpu.dma_semaphore, #tpu.memory_space<semaphore_mem>>
      %dma_start3A_26 = arith.constant 40 : i32
      %dma_start3A_27 = arith.constant 0 : i32
      %dma_start3A_28 = tpu.memref_slice %arg3[%arg0, %arg1, %dma_start3A_26, %dma_start3A_27] : memref<2x16x80x128xi32, #tpu.memory_space<hbm>> -> memref<1x1x40x128xi32, #tpu.memory_space<hbm>>
      %dma_start3A_29 = tpu.memref_squeeze %dma_start3A_28 : memref<1x1x40x128xi32, #tpu.memory_space<hbm>> -> memref<40x128xi32, #tpu.memory_space<hbm>>
      %dma_start3A_30 = arith.constant 40 : i32
      %dma_start3A_31 = arith.constant 0 : i32
      %dma_start3A_32 = tpu.memref_slice %arg3[%arg0, %arg1, %dma_start3A_30, %dma_start3A_31] : memref<2x16x80x128xi32, #tpu.memory_space<hbm>> -> memref<1x1x40x128xi32, #tpu.memory_space<hbm>>
      %dma_start3A_33 = tpu.memref_squeeze %dma_start3A_32 : memref<1x1x40x128xi32, #tpu.memory_space<hbm>> -> memref<40x128xi32, #tpu.memory_space<hbm>>
      tpu.enqueue_dma source(%dma_start3A_33 : memref<40x128xi32, #tpu.memory_space<hbm>>) target(%arg8 : memref<40x128xi32, #tpu.memory_space<vmem>>) target_semaphore(%run_scoped3A : memref<!tpu.dma_semaphore, #tpu.memory_space<semaphore_mem>>)
      %dma_wait3A = arith.constant 40 : i32
      %dma_wait3A_34 = arith.constant 0 : i32
      %dma_wait3A_35 = tpu.memref_slice %arg3[%arg0, %arg1, %dma_wait3A, %dma_wait3A_34] : memref<2x16x80x128xi32, #tpu.memory_space<hbm>> -> memref<1x1x40x128xi32, #tpu.memory_space<hbm>>
      %dma_wait3A_36 = tpu.memref_squeeze %dma_wait3A_35 : memref<1x1x40x128xi32, #tpu.memory_space<hbm>> -> memref<40x128xi32, #tpu.memory_space<hbm>>
      %dma_wait3A_37 = arith.constant 40 : i32
      %dma_wait3A_38 = arith.constant 0 : i32
      %dma_wait3A_39 = tpu.memref_slice %arg3[%arg0, %arg1, %dma_wait3A_37, %dma_wait3A_38] : memref<2x16x80x128xi32, #tpu.memory_space<hbm>> -> memref<1x1x40x128xi32, #tpu.memory_space<hbm>>
      %dma_wait3A_40 = tpu.memref_squeeze %dma_wait3A_39 : memref<1x1x40x128xi32, #tpu.memory_space<hbm>> -> memref<40x128xi32, #tpu.memory_space<hbm>>
      tpu.wait_dma2 semaphore(%run_scoped3A : memref<!tpu.dma_semaphore, #tpu.memory_space<semaphore_mem>>) src(%dma_wait3A_40 : memref<40x128xi32, #tpu.memory_space<hbm>>) dst(%arg8 : memref<40x128xi32, #tpu.memory_space<vmem>>)
      tpu.yield
    }) : () -> ()
    "tpu.region"() ({
      %run_scoped3A = tpu.sem_alloc : memref<!tpu.dma_semaphore, #tpu.memory_space<semaphore_mem>>
      %dma_start3A_26 = arith.constant 40 : i32
      %dma_start3A_27 = arith.constant 0 : i32
      %dma_start3A_28 = tpu.memref_slice %arg4[%arg1, %dma_start3A_26, %dma_start3A_27] : memref<16x80x128xi32, #tpu.memory_space<hbm>> -> memref<1x40x128xi32, #tpu.memory_space<hbm>>
      %dma_start3A_29 = tpu.memref_squeeze %dma_start3A_28 : memref<1x40x128xi32, #tpu.memory_space<hbm>> -> memref<40x128xi32, #tpu.memory_space<hbm>>
      %dma_start3A_30 = arith.constant 40 : i32
      %dma_start3A_31 = arith.constant 0 : i32
      %dma_start3A_32 = tpu.memref_slice %arg4[%arg1, %dma_start3A_30, %dma_start3A_31] : memref<16x80x128xi32, #tpu.memory_space<hbm>> -> memref<1x40x128xi32, #tpu.memory_space<hbm>>
      %dma_start3A_33 = tpu.memref_squeeze %dma_start3A_32 : memref<1x40x128xi32, #tpu.memory_space<hbm>> -> memref<40x128xi32, #tpu.memory_space<hbm>>
      tpu.enqueue_dma source(%dma_start3A_33 : memref<40x128xi32, #tpu.memory_space<hbm>>) target(%arg9 : memref<40x128xi32, #tpu.memory_space<vmem>>) target_semaphore(%run_scoped3A : memref<!tpu.dma_semaphore, #tpu.memory_space<semaphore_mem>>)
      %dma_wait3A = arith.constant 40 : i32
      %dma_wait3A_34 = arith.constant 0 : i32
      %dma_wait3A_35 = tpu.memref_slice %arg4[%arg1, %dma_wait3A, %dma_wait3A_34] : memref<16x80x128xi32, #tpu.memory_space<hbm>> -> memref<1x40x128xi32, #tpu.memory_space<hbm>>
      %dma_wait3A_36 = tpu.memref_squeeze %dma_wait3A_35 : memref<1x40x128xi32, #tpu.memory_space<hbm>> -> memref<40x128xi32, #tpu.memory_space<hbm>>
      %dma_wait3A_37 = arith.constant 40 : i32
      %dma_wait3A_38 = arith.constant 0 : i32
      %dma_wait3A_39 = tpu.memref_slice %arg4[%arg1, %dma_wait3A_37, %dma_wait3A_38] : memref<16x80x128xi32, #tpu.memory_space<hbm>> -> memref<1x40x128xi32, #tpu.memory_space<hbm>>
      %dma_wait3A_40 = tpu.memref_squeeze %dma_wait3A_39 : memref<1x40x128xi32, #tpu.memory_space<hbm>> -> memref<40x128xi32, #tpu.memory_space<hbm>>
      tpu.wait_dma2 semaphore(%run_scoped3A : memref<!tpu.dma_semaphore, #tpu.memory_space<semaphore_mem>>) src(%dma_wait3A_40 : memref<40x128xi32, #tpu.memory_space<hbm>>) dst(%arg9 : memref<40x128xi32, #tpu.memory_space<vmem>>)
      tpu.yield
    }) : () -> ()
    %dma_start3A_12 = arith.constant 0 : i32
    %dma_start3A_13 = arith.constant 0 : i32
    %dma_start3A_14 = tpu.memref_slice %arg8[%dma_start3A_12, %dma_start3A_13] : memref<40x128xi32, #tpu.memory_space<vmem>> -> memref<1x128xi32, #tpu.memory_space<vmem>>
    %dma_start3A_15 = tpu.memref_squeeze %dma_start3A_14 : memref<1x128xi32, #tpu.memory_space<vmem>> -> memref<128xi32, #tpu.memory_space<vmem>>
    %dma_start3A_16 = arith.constant 0 : i32
    %dma_start3A_17 = arith.constant 0 : i32
    %dma_start3A_18 = tpu.memref_slice %arg2[%dma_start3A_16, %dma_start3A_17] : memref<20224x128xf32, #tpu.memory_space<hbm>> -> memref<20224x128xf32, #tpu.memory_space<hbm>>
    tpu.enqueue_indirect_dma source(%dma_start3A_18 : memref<20224x128xf32, #tpu.memory_space<hbm>>) target(%arg10 : memref<128x128xf32, #tpu.memory_space<vmem>>) offsets(%dma_start3A_15 : memref<128xi32, #tpu.memory_space<vmem>>) semaphore(%arg12 : memref<!tpu.dma_semaphore, #tpu.memory_space<semaphore_mem>>)
    %scan3A_19 = arith.constant 0 : i32
    %scan3A_20 = arith.constant 0 : i32
    %scan3A_21 = arith.constant 20 : i32
    %scan3A_22 = arith.addi %scan3A_20, %scan3A_21 : i32
    %scan3A_23 = arith.constant 1 : i32
    scf.for %scan3A_26 = %scan3A_20 to %scan3A_22 step %scan3A_23  : i32 {
      %mul3A_27 = arith.constant 2 : i32
      %mul3A_28 = arith.muli %mul3A_27, %scan3A_26 : i32
      %add3A = arith.constant 1 : i32
      %add3A_29 = arith.addi %mul3A_28, %add3A : i32
      %dma_start3A_30 = arith.constant 0 : i32
      %dma_start3A_31 = tpu.memref_slice %arg8[%add3A_29, %dma_start3A_30] : memref<40x128xi32, #tpu.memory_space<vmem>> -> memref<1x128xi32, #tpu.memory_space<vmem>>
      %dma_start3A_32 = tpu.memref_squeeze %dma_start3A_31 : memref<1x128xi32, #tpu.memory_space<vmem>> -> memref<128xi32, #tpu.memory_space<vmem>>
      %dma_start3A_33 = arith.constant 0 : i32
      %dma_start3A_34 = arith.constant 0 : i32
      %dma_start3A_35 = tpu.memref_slice %arg2[%dma_start3A_33, %dma_start3A_34] : memref<20224x128xf32, #tpu.memory_space<hbm>> -> memref<20224x128xf32, #tpu.memory_space<hbm>>
      tpu.enqueue_indirect_dma source(%dma_start3A_35 : memref<20224x128xf32, #tpu.memory_space<hbm>>) target(%arg11 : memref<128x128xf32, #tpu.memory_space<vmem>>) offsets(%dma_start3A_32 : memref<128xi32, #tpu.memory_space<vmem>>) semaphore(%arg13 : memref<!tpu.dma_semaphore, #tpu.memory_space<semaphore_mem>>)
      %dma_wait3A = arith.constant 0 : i32
      %dma_wait3A_36 = arith.constant 0 : i32
      %dma_wait3A_37 = tpu.memref_slice %arg8[%dma_wait3A, %dma_wait3A_36] : memref<40x128xi32, #tpu.memory_space<vmem>> -> memref<1x128xi32, #tpu.memory_space<vmem>>
      %dma_wait3A_38 = tpu.memref_squeeze %dma_wait3A_37 : memref<1x128xi32, #tpu.memory_space<vmem>> -> memref<128xi32, #tpu.memory_space<vmem>>
      %dma_wait3A_39 = arith.constant 0 : i32
      %dma_wait3A_40 = arith.constant 0 : i32
      %dma_wait3A_41 = tpu.memref_slice %arg2[%dma_wait3A_39, %dma_wait3A_40] : memref<20224x128xf32, #tpu.memory_space<hbm>> -> memref<20224x128xf32, #tpu.memory_space<hbm>>
      tpu.wait_indirect_dma semaphore(%arg12 : memref<!tpu.dma_semaphore, #tpu.memory_space<semaphore_mem>>) src(%dma_wait3A_41 : memref<20224x128xf32, #tpu.memory_space<hbm>>) dst(%arg10 : memref<128x128xf32, #tpu.memory_space<vmem>>)
      %mul3A_42 = arith.constant 2 : i32
      %mul3A_43 = arith.muli %mul3A_42, %scan3A_26 : i32
      "tpu.region"() ({
        %run_scoped3A = tpu.sem_alloc : memref<!tpu.dma_semaphore, #tpu.memory_space<semaphore_mem>>
        %dma_start3A_57 = arith.constant 0 : i32
        %dma_start3A_58 = tpu.memref_slice %arg9[%mul3A_43, %dma_start3A_57] : memref<40x128xi32, #tpu.memory_space<vmem>> -> memref<1x128xi32, #tpu.memory_space<vmem>>
        %dma_start3A_59 = tpu.memref_squeeze %dma_start3A_58 : memref<1x128xi32, #tpu.memory_space<vmem>> -> memref<128xi32, #tpu.memory_space<vmem>>
        %dma_start3A_60 = arith.constant 0 : i32
        %dma_start3A_61 = arith.constant 0 : i32
        %dma_start3A_62 = tpu.memref_slice %arg7[%dma_start3A_60, %dma_start3A_61] : memref<10112x128xf32, #tpu.memory_space<vmem_shared>> -> memref<10112x128xf32, #tpu.memory_space<vmem_shared>>
        tpu.enqueue_indirect_dma source(%arg10 : memref<128x128xf32, #tpu.memory_space<vmem>>) target(%dma_start3A_62 : memref<10112x128xf32, #tpu.memory_space<vmem_shared>>) offsets(%dma_start3A_59 : memref<128xi32, #tpu.memory_space<vmem>>) semaphore(%run_scoped3A : memref<!tpu.dma_semaphore, #tpu.memory_space<semaphore_mem>>) {add = true}
        %dma_wait3A_63 = arith.constant 0 : i32
        %dma_wait3A_64 = tpu.memref_slice %arg9[%mul3A_43, %dma_wait3A_63] : memref<40x128xi32, #tpu.memory_space<vmem>> -> memref<1x128xi32, #tpu.memory_space<vmem>>
        %dma_wait3A_65 = tpu.memref_squeeze %dma_wait3A_64 : memref<1x128xi32, #tpu.memory_space<vmem>> -> memref<128xi32, #tpu.memory_space<vmem>>
        %dma_wait3A_66 = arith.constant 0 : i32
        %dma_wait3A_67 = arith.constant 0 : i32
        %dma_wait3A_68 = tpu.memref_slice %arg7[%dma_wait3A_66, %dma_wait3A_67] : memref<10112x128xf32, #tpu.memory_space<vmem_shared>> -> memref<10112x128xf32, #tpu.memory_space<vmem_shared>>
        tpu.wait_indirect_dma semaphore(%run_scoped3A : memref<!tpu.dma_semaphore, #tpu.memory_space<semaphore_mem>>) src(%arg10 : memref<128x128xf32, #tpu.memory_space<vmem>>) dst(%dma_wait3A_68 : memref<10112x128xf32, #tpu.memory_space<vmem_shared>>)
        tpu.yield
      }) : () -> ()
      %lt3A = arith.constant 19 : i32
      %lt3A_44 = arith.cmpi slt, %scan3A_26, %lt3A : i32
      %convert_element_type3A = arith.extui %lt3A_44 : i1 to i32
      %cond3A = arith.constant 0 : i32
      %cond3A_45 = arith.cmpi ne, %convert_element_type3A, %cond3A : i32
      scf.if %cond3A_45 {
        %mul3A_57 = arith.constant 2 : i32
        %mul3A_58 = arith.muli %mul3A_57, %scan3A_26 : i32
        %add3A_59 = arith.constant 2 : i32
        %add3A_60 = arith.addi %mul3A_58, %add3A_59 : i32
        %dma_start3A_61 = arith.constant 0 : i32
        %dma_start3A_62 = tpu.memref_slice %arg8[%add3A_60, %dma_start3A_61] : memref<40x128xi32, #tpu.memory_space<vmem>> -> memref<1x128xi32, #tpu.memory_space<vmem>>
        %dma_start3A_63 = tpu.memref_squeeze %dma_start3A_62 : memref<1x128xi32, #tpu.memory_space<vmem>> -> memref<128xi32, #tpu.memory_space<vmem>>
        %dma_start3A_64 = arith.constant 0 : i32
        %dma_start3A_65 = arith.constant 0 : i32
        %dma_start3A_66 = tpu.memref_slice %arg2[%dma_start3A_64, %dma_start3A_65] : memref<20224x128xf32, #tpu.memory_space<hbm>> -> memref<20224x128xf32, #tpu.memory_space<hbm>>
        tpu.enqueue_indirect_dma source(%dma_start3A_66 : memref<20224x128xf32, #tpu.memory_space<hbm>>) target(%arg10 : memref<128x128xf32, #tpu.memory_space<vmem>>) offsets(%dma_start3A_63 : memref<128xi32, #tpu.memory_space<vmem>>) semaphore(%arg12 : memref<!tpu.dma_semaphore, #tpu.memory_space<semaphore_mem>>)
      } else {
      }
      %dma_wait3A_46 = arith.constant 0 : i32
      %dma_wait3A_47 = arith.constant 0 : i32
      %dma_wait3A_48 = tpu.memref_slice %arg8[%dma_wait3A_46, %dma_wait3A_47] : memref<40x128xi32, #tpu.memory_space<vmem>> -> memref<1x128xi32, #tpu.memory_space<vmem>>
      %dma_wait3A_49 = tpu.memref_squeeze %dma_wait3A_48 : memref<1x128xi32, #tpu.memory_space<vmem>> -> memref<128xi32, #tpu.memory_space<vmem>>
      %dma_wait3A_50 = arith.constant 0 : i32
      %dma_wait3A_51 = arith.constant 0 : i32
      %dma_wait3A_52 = tpu.memref_slice %arg2[%dma_wait3A_50, %dma_wait3A_51] : memref<20224x128xf32, #tpu.memory_space<hbm>> -> memref<20224x128xf32, #tpu.memory_space<hbm>>
      tpu.wait_indirect_dma semaphore(%arg13 : memref<!tpu.dma_semaphore, #tpu.memory_space<semaphore_mem>>) src(%dma_wait3A_52 : memref<20224x128xf32, #tpu.memory_space<hbm>>) dst(%arg11 : memref<128x128xf32, #tpu.memory_space<vmem>>)
      %mul3A_53 = arith.constant 2 : i32
      %mul3A_54 = arith.muli %mul3A_53, %scan3A_26 : i32
      %add3A_55 = arith.constant 1 : i32
      %add3A_56 = arith.addi %mul3A_54, %add3A_55 : i32
      "tpu.region"() ({
        %run_scoped3A = tpu.sem_alloc : memref<!tpu.dma_semaphore, #tpu.memory_space<semaphore_mem>>
        %dma_start3A_57 = arith.constant 0 : i32
        %dma_start3A_58 = tpu.memref_slice %arg9[%add3A_56, %dma_start3A_57] : memref<40x128xi32, #tpu.memory_space<vmem>> -> memref<1x128xi32, #tpu.memory_space<vmem>>
        %dma_start3A_59 = tpu.memref_squeeze %dma_start3A_58 : memref<1x128xi32, #tpu.memory_space<vmem>> -> memref<128xi32, #tpu.memory_space<vmem>>
        %dma_start3A_60 = arith.constant 0 : i32
        %dma_start3A_61 = arith.constant 0 : i32
        %dma_start3A_62 = tpu.memref_slice %arg7[%dma_start3A_60, %dma_start3A_61] : memref<10112x128xf32, #tpu.memory_space<vmem_shared>> -> memref<10112x128xf32, #tpu.memory_space<vmem_shared>>
        tpu.enqueue_indirect_dma source(%arg11 : memref<128x128xf32, #tpu.memory_space<vmem>>) target(%dma_start3A_62 : memref<10112x128xf32, #tpu.memory_space<vmem_shared>>) offsets(%dma_start3A_59 : memref<128xi32, #tpu.memory_space<vmem>>) semaphore(%run_scoped3A : memref<!tpu.dma_semaphore, #tpu.memory_space<semaphore_mem>>) {add = true}
        %dma_wait3A_63 = arith.constant 0 : i32
        %dma_wait3A_64 = tpu.memref_slice %arg9[%add3A_56, %dma_wait3A_63] : memref<40x128xi32, #tpu.memory_space<vmem>> -> memref<1x128xi32, #tpu.memory_space<vmem>>
        %dma_wait3A_65 = tpu.memref_squeeze %dma_wait3A_64 : memref<1x128xi32, #tpu.memory_space<vmem>> -> memref<128xi32, #tpu.memory_space<vmem>>
        %dma_wait3A_66 = arith.constant 0 : i32
        %dma_wait3A_67 = arith.constant 0 : i32
        %dma_wait3A_68 = tpu.memref_slice %arg7[%dma_wait3A_66, %dma_wait3A_67] : memref<10112x128xf32, #tpu.memory_space<vmem_shared>> -> memref<10112x128xf32, #tpu.memory_space<vmem_shared>>
        tpu.wait_indirect_dma semaphore(%run_scoped3A : memref<!tpu.dma_semaphore, #tpu.memory_space<semaphore_mem>>) src(%arg11 : memref<128x128xf32, #tpu.memory_space<vmem>>) dst(%dma_wait3A_68 : memref<10112x128xf32, #tpu.memory_space<vmem_shared>>)
        tpu.yield
      }) : () -> ()
    }
    %scan3A_24 = arith.constant 20 : i32
    %barrier3A_25 = arith.constant 0 : index
    tpu.barrier barrier_id(%barrier3A_25)
    "tpu.region"() ({
      %run_scoped3A = tpu.sem_alloc : memref<!tpu.dma_semaphore, #tpu.memory_space<semaphore_mem>>
      %dma_start3A_26 = arith.constant 0 : i32
      %dma_start3A_27 = tpu.memref_slice %arg6[%arg0, %mul3A_0, %dma_start3A_26] : memref<2x10112x128xf32, #tpu.memory_space<hbm>> -> memref<1x632x128xf32, #tpu.memory_space<hbm>>
      %dma_start3A_28 = tpu.memref_squeeze %dma_start3A_27 : memref<1x632x128xf32, #tpu.memory_space<hbm>> -> memref<632x128xf32, #tpu.memory_space<hbm>>
      %dma_start3A_29 = arith.constant 0 : i32
      %dma_start3A_30 = tpu.memref_slice %arg7[%mul3A_0, %dma_start3A_29] : memref<10112x128xf32, #tpu.memory_space<vmem_shared>> -> memref<632x128xf32, #tpu.memory_space<vmem_shared>>
      tpu.enqueue_dma source(%dma_start3A_30 : memref<632x128xf32, #tpu.memory_space<vmem_shared>>) target(%dma_start3A_28 : memref<632x128xf32, #tpu.memory_space<hbm>>) target_semaphore(%run_scoped3A : memref<!tpu.dma_semaphore, #tpu.memory_space<semaphore_mem>>)
      %dma_wait3A = arith.constant 0 : i32
      %dma_wait3A_31 = tpu.memref_slice %arg6[%arg0, %mul3A_0, %dma_wait3A] : memref<2x10112x128xf32, #tpu.memory_space<hbm>> -> memref<1x632x128xf32, #tpu.memory_space<hbm>>
      %dma_wait3A_32 = tpu.memref_squeeze %dma_wait3A_31 : memref<1x632x128xf32, #tpu.memory_space<hbm>> -> memref<632x128xf32, #tpu.memory_space<hbm>>
      %dma_wait3A_33 = arith.constant 0 : i32
      %dma_wait3A_34 = tpu.memref_slice %arg7[%mul3A_0, %dma_wait3A_33] : memref<10112x128xf32, #tpu.memory_space<vmem_shared>> -> memref<632x128xf32, #tpu.memory_space<vmem_shared>>
      tpu.wait_dma2 semaphore(%run_scoped3A : memref<!tpu.dma_semaphore, #tpu.memory_space<semaphore_mem>>) src(%dma_wait3A_34 : memref<632x128xf32, #tpu.memory_space<vmem_shared>>) dst(%dma_wait3A_32 : memref<632x128xf32, #tpu.memory_space<hbm>>)
      tpu.yield
    }) : () -> ()
    return
  }
}

#map = affine_map<(d0, d1) -> (0, 0, 0)>
#map1 = affine_map<(d0, d1) -> (0, 0)>
module attributes {stable_mosaic.version = 14 : i64} {
  func.func @body(%arg0: i32, %arg1: i32, %arg2: memref<32x40x128xi32, #tpu.memory_space<hbm>>, %arg3: memref<632x128xf32, #tpu.memory_space<hbm>>, %arg4: memref<128x128xf32, #tpu.memory_space<hbm>>, %arg5: memref<2x10112x128xf32, #tpu.memory_space<hbm>>, %arg6: memref<10112x128xf32, #tpu.memory_space<vmem_shared>>, %arg7: memref<40x128xi32, #tpu.memory_space<vmem>>, %arg8: memref<128x128xf32, #tpu.memory_space<vmem>>) attributes {dimension_semantics = [#tpu.dimension_semantics<core_parallel>, #tpu.dimension_semantics<subcore_parallel>], iteration_bounds = array<i64: 2, 16>, scalar_prefetch = 0 : i64, scratch_operands = 3 : i64, tpu.core_type = #tpu.core_type<sc_vector_subcore>, window_params = [{transform_indices = #map}, {transform_indices = #map1}, {transform_indices = #map1}, {transform_indices = #map}]} {
    %mul3A = arith.constant 632 : i32
    %mul3A_0 = arith.muli %arg1, %mul3A : i32
    %mul3A_1 = arith.constant 2 : i32
    %mul3A_2 = arith.muli %mul3A_1, %arg1 : i32
    %add3A = arith.addi %mul3A_2, %arg0 : i32
    "tpu.region"() ({
      %run_scoped3A = tpu.sem_alloc : memref<!tpu.dma_semaphore, #tpu.memory_space<semaphore_mem>>
      %dma_start3A = arith.constant 0 : i32
      %dma_start3A_9 = tpu.memref_slice %arg6[%mul3A_0, %dma_start3A] : memref<10112x128xf32, #tpu.memory_space<vmem_shared>> -> memref<632x128xf32, #tpu.memory_space<vmem_shared>>
      tpu.enqueue_dma source(%arg3 : memref<632x128xf32, #tpu.memory_space<hbm>>) target(%dma_start3A_9 : memref<632x128xf32, #tpu.memory_space<vmem_shared>>) target_semaphore(%run_scoped3A : memref<!tpu.dma_semaphore, #tpu.memory_space<semaphore_mem>>)
      %dma_wait3A = arith.constant 0 : i32
      %dma_wait3A_10 = tpu.memref_slice %arg6[%mul3A_0, %dma_wait3A] : memref<10112x128xf32, #tpu.memory_space<vmem_shared>> -> memref<632x128xf32, #tpu.memory_space<vmem_shared>>
      tpu.wait_dma2 semaphore(%run_scoped3A : memref<!tpu.dma_semaphore, #tpu.memory_space<semaphore_mem>>) src(%arg3 : memref<632x128xf32, #tpu.memory_space<hbm>>) dst(%dma_wait3A_10 : memref<632x128xf32, #tpu.memory_space<vmem_shared>>)
      tpu.yield
    }) : () -> ()
    "tpu.region"() ({
      %run_scoped3A = tpu.sem_alloc : memref<!tpu.dma_semaphore, #tpu.memory_space<semaphore_mem>>
      %dma_start3A = arith.constant 0 : i32
      %dma_start3A_9 = arith.constant 0 : i32
      %dma_start3A_10 = tpu.memref_slice %arg2[%add3A, %dma_start3A, %dma_start3A_9] : memref<32x40x128xi32, #tpu.memory_space<hbm>> -> memref<1x40x128xi32, #tpu.memory_space<hbm>>
      %dma_start3A_11 = tpu.memref_squeeze %dma_start3A_10 : memref<1x40x128xi32, #tpu.memory_space<hbm>> -> memref<40x128xi32, #tpu.memory_space<hbm>>
      %dma_start3A_12 = arith.constant 0 : i32
      %dma_start3A_13 = arith.constant 0 : i32
      %dma_start3A_14 = tpu.memref_slice %arg2[%add3A, %dma_start3A_12, %dma_start3A_13] : memref<32x40x128xi32, #tpu.memory_space<hbm>> -> memref<1x40x128xi32, #tpu.memory_space<hbm>>
      %dma_start3A_15 = tpu.memref_squeeze %dma_start3A_14 : memref<1x40x128xi32, #tpu.memory_space<hbm>> -> memref<40x128xi32, #tpu.memory_space<hbm>>
      tpu.enqueue_dma source(%dma_start3A_15 : memref<40x128xi32, #tpu.memory_space<hbm>>) target(%arg7 : memref<40x128xi32, #tpu.memory_space<vmem>>) target_semaphore(%run_scoped3A : memref<!tpu.dma_semaphore, #tpu.memory_space<semaphore_mem>>)
      %dma_wait3A = arith.constant 0 : i32
      %dma_wait3A_16 = arith.constant 0 : i32
      %dma_wait3A_17 = tpu.memref_slice %arg2[%add3A, %dma_wait3A, %dma_wait3A_16] : memref<32x40x128xi32, #tpu.memory_space<hbm>> -> memref<1x40x128xi32, #tpu.memory_space<hbm>>
      %dma_wait3A_18 = tpu.memref_squeeze %dma_wait3A_17 : memref<1x40x128xi32, #tpu.memory_space<hbm>> -> memref<40x128xi32, #tpu.memory_space<hbm>>
      %dma_wait3A_19 = arith.constant 0 : i32
      %dma_wait3A_20 = arith.constant 0 : i32
      %dma_wait3A_21 = tpu.memref_slice %arg2[%add3A, %dma_wait3A_19, %dma_wait3A_20] : memref<32x40x128xi32, #tpu.memory_space<hbm>> -> memref<1x40x128xi32, #tpu.memory_space<hbm>>
      %dma_wait3A_22 = tpu.memref_squeeze %dma_wait3A_21 : memref<1x40x128xi32, #tpu.memory_space<hbm>> -> memref<40x128xi32, #tpu.memory_space<hbm>>
      tpu.wait_dma2 semaphore(%run_scoped3A : memref<!tpu.dma_semaphore, #tpu.memory_space<semaphore_mem>>) src(%dma_wait3A_22 : memref<40x128xi32, #tpu.memory_space<hbm>>) dst(%arg7 : memref<40x128xi32, #tpu.memory_space<vmem>>)
      tpu.yield
    }) : () -> ()
    "tpu.region"() ({
      %run_scoped3A = tpu.sem_alloc : memref<!tpu.dma_semaphore, #tpu.memory_space<semaphore_mem>>
      tpu.enqueue_dma source(%arg4 : memref<128x128xf32, #tpu.memory_space<hbm>>) target(%arg8 : memref<128x128xf32, #tpu.memory_space<vmem>>) target_semaphore(%run_scoped3A : memref<!tpu.dma_semaphore, #tpu.memory_space<semaphore_mem>>)
      tpu.wait_dma2 semaphore(%run_scoped3A : memref<!tpu.dma_semaphore, #tpu.memory_space<semaphore_mem>>) src(%arg4 : memref<128x128xf32, #tpu.memory_space<hbm>>) dst(%arg8 : memref<128x128xf32, #tpu.memory_space<vmem>>)
      tpu.yield
    }) : () -> ()
    %barrier3A = arith.constant 0 : index
    tpu.barrier barrier_id(%barrier3A)
    %scan3A = arith.constant 0 : i32
    %scan3A_3 = arith.constant 0 : i32
    %scan3A_4 = arith.constant 40 : i32
    %scan3A_5 = arith.addi %scan3A_3, %scan3A_4 : i32
    %scan3A_6 = arith.constant 1 : i32
    scf.for %scan3A_9 = %scan3A_3 to %scan3A_5 step %scan3A_6  : i32 {
      "tpu.region"() ({
        %run_scoped3A = tpu.sem_alloc : memref<!tpu.dma_semaphore, #tpu.memory_space<semaphore_mem>>
        %dma_start3A = arith.constant 0 : i32
        %dma_start3A_10 = tpu.memref_slice %arg7[%scan3A_9, %dma_start3A] : memref<40x128xi32, #tpu.memory_space<vmem>> -> memref<1x128xi32, #tpu.memory_space<vmem>>
        %dma_start3A_11 = tpu.memref_squeeze %dma_start3A_10 : memref<1x128xi32, #tpu.memory_space<vmem>> -> memref<128xi32, #tpu.memory_space<vmem>>
        %dma_start3A_12 = arith.constant 0 : i32
        %dma_start3A_13 = arith.constant 0 : i32
        %dma_start3A_14 = tpu.memref_slice %arg6[%dma_start3A_12, %dma_start3A_13] : memref<10112x128xf32, #tpu.memory_space<vmem_shared>> -> memref<10112x128xf32, #tpu.memory_space<vmem_shared>>
        tpu.enqueue_indirect_dma source(%arg8 : memref<128x128xf32, #tpu.memory_space<vmem>>) target(%dma_start3A_14 : memref<10112x128xf32, #tpu.memory_space<vmem_shared>>) offsets(%dma_start3A_11 : memref<128xi32, #tpu.memory_space<vmem>>) semaphore(%run_scoped3A : memref<!tpu.dma_semaphore, #tpu.memory_space<semaphore_mem>>) {add = true}
        %dma_wait3A = arith.constant 0 : i32
        %dma_wait3A_15 = tpu.memref_slice %arg7[%scan3A_9, %dma_wait3A] : memref<40x128xi32, #tpu.memory_space<vmem>> -> memref<1x128xi32, #tpu.memory_space<vmem>>
        %dma_wait3A_16 = tpu.memref_squeeze %dma_wait3A_15 : memref<1x128xi32, #tpu.memory_space<vmem>> -> memref<128xi32, #tpu.memory_space<vmem>>
        %dma_wait3A_17 = arith.constant 0 : i32
        %dma_wait3A_18 = arith.constant 0 : i32
        %dma_wait3A_19 = tpu.memref_slice %arg6[%dma_wait3A_17, %dma_wait3A_18] : memref<10112x128xf32, #tpu.memory_space<vmem_shared>> -> memref<10112x128xf32, #tpu.memory_space<vmem_shared>>
        tpu.wait_indirect_dma semaphore(%run_scoped3A : memref<!tpu.dma_semaphore, #tpu.memory_space<semaphore_mem>>) src(%arg8 : memref<128x128xf32, #tpu.memory_space<vmem>>) dst(%dma_wait3A_19 : memref<10112x128xf32, #tpu.memory_space<vmem_shared>>)
        tpu.yield
      }) : () -> ()
    }
    %scan3A_7 = arith.constant 40 : i32
    %barrier3A_8 = arith.constant 0 : index
    tpu.barrier barrier_id(%barrier3A_8)
    "tpu.region"() ({
      %run_scoped3A = tpu.sem_alloc : memref<!tpu.dma_semaphore, #tpu.memory_space<semaphore_mem>>
      %dma_start3A = arith.constant 0 : i32
      %dma_start3A_9 = tpu.memref_slice %arg5[%arg0, %mul3A_0, %dma_start3A] : memref<2x10112x128xf32, #tpu.memory_space<hbm>> -> memref<1x632x128xf32, #tpu.memory_space<hbm>>
      %dma_start3A_10 = tpu.memref_squeeze %dma_start3A_9 : memref<1x632x128xf32, #tpu.memory_space<hbm>> -> memref<632x128xf32, #tpu.memory_space<hbm>>
      %dma_start3A_11 = arith.constant 0 : i32
      %dma_start3A_12 = tpu.memref_slice %arg6[%mul3A_0, %dma_start3A_11] : memref<10112x128xf32, #tpu.memory_space<vmem_shared>> -> memref<632x128xf32, #tpu.memory_space<vmem_shared>>
      tpu.enqueue_dma source(%dma_start3A_12 : memref<632x128xf32, #tpu.memory_space<vmem_shared>>) target(%dma_start3A_10 : memref<632x128xf32, #tpu.memory_space<hbm>>) target_semaphore(%run_scoped3A : memref<!tpu.dma_semaphore, #tpu.memory_space<semaphore_mem>>)
      %dma_wait3A = arith.constant 0 : i32
      %dma_wait3A_13 = tpu.memref_slice %arg5[%arg0, %mul3A_0, %dma_wait3A] : memref<2x10112x128xf32, #tpu.memory_space<hbm>> -> memref<1x632x128xf32, #tpu.memory_space<hbm>>
      %dma_wait3A_14 = tpu.memref_squeeze %dma_wait3A_13 : memref<1x632x128xf32, #tpu.memory_space<hbm>> -> memref<632x128xf32, #tpu.memory_space<hbm>>
      %dma_wait3A_15 = arith.constant 0 : i32
      %dma_wait3A_16 = tpu.memref_slice %arg6[%mul3A_0, %dma_wait3A_15] : memref<10112x128xf32, #tpu.memory_space<vmem_shared>> -> memref<632x128xf32, #tpu.memory_space<vmem_shared>>
      tpu.wait_dma2 semaphore(%run_scoped3A : memref<!tpu.dma_semaphore, #tpu.memory_space<semaphore_mem>>) src(%dma_wait3A_16 : memref<632x128xf32, #tpu.memory_space<vmem_shared>>) dst(%dma_wait3A_14 : memref<632x128xf32, #tpu.memory_space<hbm>>)
      tpu.yield
    }) : () -> ()
    return
  }
}

#map = affine_map<(d0, d1) -> (0, 0)>
#map1 = affine_map<(d0, d1) -> (0, 0, 0, 0)>
#map2 = affine_map<(d0, d1) -> (0, 0, 0)>
module attributes {stable_mosaic.version = 14 : i64} {
  func.func @body(%arg0: i32, %arg1: i32, %arg2: memref<20224x128xf32, #tpu.memory_space<hbm>>, %arg3: memref<2x16x80x128xi32, #tpu.memory_space<hbm>>, %arg4: memref<16x80x128xi32, #tpu.memory_space<hbm>>, %arg5: memref<632x128xf32, #tpu.memory_space<hbm>>, %arg6: memref<2x10112x128xf32, #tpu.memory_space<hbm>>, %arg7: memref<10112x128xf32, #tpu.memory_space<vmem_shared>>, %arg8: memref<40x128xi32, #tpu.memory_space<vmem>>, %arg9: memref<40x128xi32, #tpu.memory_space<vmem>>, %arg10: memref<128x128xf32, #tpu.memory_space<vmem>>, %arg11: memref<128x128xf32, #tpu.memory_space<vmem>>, %arg12: memref<!tpu.dma_semaphore, #tpu.memory_space<semaphore_mem>>, %arg13: memref<!tpu.dma_semaphore, #tpu.memory_space<semaphore_mem>>) attributes {dimension_semantics = [#tpu.dimension_semantics<core_parallel>, #tpu.dimension_semantics<subcore_parallel>], iteration_bounds = array<i64: 2, 16>, scalar_prefetch = 0 : i64, scratch_operands = 7 : i64, tpu.core_type = #tpu.core_type<sc_vector_subcore>, window_params = [{transform_indices = #map}, {transform_indices = #map1}, {transform_indices = #map2}, {transform_indices = #map}, {transform_indices = #map2}]} {
    %mul3A = arith.constant 632 : i32
    %mul3A_0 = arith.muli %arg1, %mul3A : i32
    "tpu.region"() ({
      %run_scoped3A = tpu.sem_alloc : memref<!tpu.dma_semaphore, #tpu.memory_space<semaphore_mem>>
      %dma_start3A_26 = arith.constant 0 : i32
      %dma_start3A_27 = tpu.memref_slice %arg7[%mul3A_0, %dma_start3A_26] : memref<10112x128xf32, #tpu.memory_space<vmem_shared>> -> memref<632x128xf32, #tpu.memory_space<vmem_shared>>
      tpu.enqueue_dma source(%arg5 : memref<632x128xf32, #tpu.memory_space<hbm>>) target(%dma_start3A_27 : memref<632x128xf32, #tpu.memory_space<vmem_shared>>) target_semaphore(%run_scoped3A : memref<!tpu.dma_semaphore, #tpu.memory_space<semaphore_mem>>)
      %dma_wait3A = arith.constant 0 : i32
      %dma_wait3A_28 = tpu.memref_slice %arg7[%mul3A_0, %dma_wait3A] : memref<10112x128xf32, #tpu.memory_space<vmem_shared>> -> memref<632x128xf32, #tpu.memory_space<vmem_shared>>
      tpu.wait_dma2 semaphore(%run_scoped3A : memref<!tpu.dma_semaphore, #tpu.memory_space<semaphore_mem>>) src(%arg5 : memref<632x128xf32, #tpu.memory_space<hbm>>) dst(%dma_wait3A_28 : memref<632x128xf32, #tpu.memory_space<vmem_shared>>)
      tpu.yield
    }) : () -> ()
    %barrier3A = arith.constant 0 : index
    tpu.barrier barrier_id(%barrier3A)
    "tpu.region"() ({
      %run_scoped3A = tpu.sem_alloc : memref<!tpu.dma_semaphore, #tpu.memory_space<semaphore_mem>>
      %dma_start3A_26 = arith.constant 0 : i32
      %dma_start3A_27 = arith.constant 0 : i32
      %dma_start3A_28 = tpu.memref_slice %arg3[%arg0, %arg1, %dma_start3A_26, %dma_start3A_27] : memref<2x16x80x128xi32, #tpu.memory_space<hbm>> -> memref<1x1x40x128xi32, #tpu.memory_space<hbm>>
      %dma_start3A_29 = tpu.memref_squeeze %dma_start3A_28 : memref<1x1x40x128xi32, #tpu.memory_space<hbm>> -> memref<40x128xi32, #tpu.memory_space<hbm>>
      %dma_start3A_30 = arith.constant 0 : i32
      %dma_start3A_31 = arith.constant 0 : i32
      %dma_start3A_32 = tpu.memref_slice %arg3[%arg0, %arg1, %dma_start3A_30, %dma_start3A_31] : memref<2x16x80x128xi32, #tpu.memory_space<hbm>> -> memref<1x1x40x128xi32, #tpu.memory_space<hbm>>
      %dma_start3A_33 = tpu.memref_squeeze %dma_start3A_32 : memref<1x1x40x128xi32, #tpu.memory_space<hbm>> -> memref<40x128xi32, #tpu.memory_space<hbm>>
      tpu.enqueue_dma source(%dma_start3A_33 : memref<40x128xi32, #tpu.memory_space<hbm>>) target(%arg8 : memref<40x128xi32, #tpu.memory_space<vmem>>) target_semaphore(%run_scoped3A : memref<!tpu.dma_semaphore, #tpu.memory_space<semaphore_mem>>)
      %dma_wait3A = arith.constant 0 : i32
      %dma_wait3A_34 = arith.constant 0 : i32
      %dma_wait3A_35 = tpu.memref_slice %arg3[%arg0, %arg1, %dma_wait3A, %dma_wait3A_34] : memref<2x16x80x128xi32, #tpu.memory_space<hbm>> -> memref<1x1x40x128xi32, #tpu.memory_space<hbm>>
      %dma_wait3A_36 = tpu.memref_squeeze %dma_wait3A_35 : memref<1x1x40x128xi32, #tpu.memory_space<hbm>> -> memref<40x128xi32, #tpu.memory_space<hbm>>
      %dma_wait3A_37 = arith.constant 0 : i32
      %dma_wait3A_38 = arith.constant 0 : i32
      %dma_wait3A_39 = tpu.memref_slice %arg3[%arg0, %arg1, %dma_wait3A_37, %dma_wait3A_38] : memref<2x16x80x128xi32, #tpu.memory_space<hbm>> -> memref<1x1x40x128xi32, #tpu.memory_space<hbm>>
      %dma_wait3A_40 = tpu.memref_squeeze %dma_wait3A_39 : memref<1x1x40x128xi32, #tpu.memory_space<hbm>> -> memref<40x128xi32, #tpu.memory_space<hbm>>
      tpu.wait_dma2 semaphore(%run_scoped3A : memref<!tpu.dma_semaphore, #tpu.memory_space<semaphore_mem>>) src(%dma_wait3A_40 : memref<40x128xi32, #tpu.memory_space<hbm>>) dst(%arg8 : memref<40x128xi32, #tpu.memory_space<vmem>>)
      tpu.yield
    }) : () -> ()
    "tpu.region"() ({
      %run_scoped3A = tpu.sem_alloc : memref<!tpu.dma_semaphore, #tpu.memory_space<semaphore_mem>>
      %dma_start3A_26 = arith.constant 0 : i32
      %dma_start3A_27 = arith.constant 0 : i32
      %dma_start3A_28 = tpu.memref_slice %arg4[%arg1, %dma_start3A_26, %dma_start3A_27] : memref<16x80x128xi32, #tpu.memory_space<hbm>> -> memref<1x40x128xi32, #tpu.memory_space<hbm>>
      %dma_start3A_29 = tpu.memref_squeeze %dma_start3A_28 : memref<1x40x128xi32, #tpu.memory_space<hbm>> -> memref<40x128xi32, #tpu.memory_space<hbm>>
      %dma_start3A_30 = arith.constant 0 : i32
      %dma_start3A_31 = arith.constant 0 : i32
      %dma_start3A_32 = tpu.memref_slice %arg4[%arg1, %dma_start3A_30, %dma_start3A_31] : memref<16x80x128xi32, #tpu.memory_space<hbm>> -> memref<1x40x128xi32, #tpu.memory_space<hbm>>
      %dma_start3A_33 = tpu.memref_squeeze %dma_start3A_32 : memref<1x40x128xi32, #tpu.memory_space<hbm>> -> memref<40x128xi32, #tpu.memory_space<hbm>>
      tpu.enqueue_dma source(%dma_start3A_33 : memref<40x128xi32, #tpu.memory_space<hbm>>) target(%arg9 : memref<40x128xi32, #tpu.memory_space<vmem>>) target_semaphore(%run_scoped3A : memref<!tpu.dma_semaphore, #tpu.memory_space<semaphore_mem>>)
      %dma_wait3A = arith.constant 0 : i32
      %dma_wait3A_34 = arith.constant 0 : i32
      %dma_wait3A_35 = tpu.memref_slice %arg4[%arg1, %dma_wait3A, %dma_wait3A_34] : memref<16x80x128xi32, #tpu.memory_space<hbm>> -> memref<1x40x128xi32, #tpu.memory_space<hbm>>
      %dma_wait3A_36 = tpu.memref_squeeze %dma_wait3A_35 : memref<1x40x128xi32, #tpu.memory_space<hbm>> -> memref<40x128xi32, #tpu.memory_space<hbm>>
      %dma_wait3A_37 = arith.constant 0 : i32
      %dma_wait3A_38 = arith.constant 0 : i32
      %dma_wait3A_39 = tpu.memref_slice %arg4[%arg1, %dma_wait3A_37, %dma_wait3A_38] : memref<16x80x128xi32, #tpu.memory_space<hbm>> -> memref<1x40x128xi32, #tpu.memory_space<hbm>>
      %dma_wait3A_40 = tpu.memref_squeeze %dma_wait3A_39 : memref<1x40x128xi32, #tpu.memory_space<hbm>> -> memref<40x128xi32, #tpu.memory_space<hbm>>
      tpu.wait_dma2 semaphore(%run_scoped3A : memref<!tpu.dma_semaphore, #tpu.memory_space<semaphore_mem>>) src(%dma_wait3A_40 : memref<40x128xi32, #tpu.memory_space<hbm>>) dst(%arg9 : memref<40x128xi32, #tpu.memory_space<vmem>>)
      tpu.yield
    }) : () -> ()
    %dma_start3A = arith.constant 0 : i32
    %dma_start3A_1 = arith.constant 0 : i32
    %dma_start3A_2 = tpu.memref_slice %arg8[%dma_start3A, %dma_start3A_1] : memref<40x128xi32, #tpu.memory_space<vmem>> -> memref<1x128xi32, #tpu.memory_space<vmem>>
    %dma_start3A_3 = tpu.memref_squeeze %dma_start3A_2 : memref<1x128xi32, #tpu.memory_space<vmem>> -> memref<128xi32, #tpu.memory_space<vmem>>
    %dma_start3A_4 = arith.constant 0 : i32
    %dma_start3A_5 = arith.constant 0 : i32
    %dma_start3A_6 = tpu.memref_slice %arg2[%dma_start3A_4, %dma_start3A_5] : memref<20224x128xf32, #tpu.memory_space<hbm>> -> memref<20224x128xf32, #tpu.memory_space<hbm>>
    tpu.enqueue_indirect_dma source(%dma_start3A_6 : memref<20224x128xf32, #tpu.memory_space<hbm>>) target(%arg10 : memref<128x128xf32, #tpu.memory_space<vmem>>) offsets(%dma_start3A_3 : memref<128xi32, #tpu.memory_space<vmem>>) semaphore(%arg12 : memref<!tpu.dma_semaphore, #tpu.memory_space<semaphore_mem>>)
    %scan3A = arith.constant 0 : i32
    %scan3A_7 = arith.constant 0 : i32
    %scan3A_8 = arith.constant 20 : i32
    %scan3A_9 = arith.addi %scan3A_7, %scan3A_8 : i32
    %scan3A_10 = arith.constant 1 : i32
    scf.for %scan3A_26 = %scan3A_7 to %scan3A_9 step %scan3A_10  : i32 {
      %mul3A_27 = arith.constant 2 : i32
      %mul3A_28 = arith.muli %mul3A_27, %scan3A_26 : i32
      %add3A = arith.constant 1 : i32
      %add3A_29 = arith.addi %mul3A_28, %add3A : i32
      %dma_start3A_30 = arith.constant 0 : i32
      %dma_start3A_31 = tpu.memref_slice %arg8[%add3A_29, %dma_start3A_30] : memref<40x128xi32, #tpu.memory_space<vmem>> -> memref<1x128xi32, #tpu.memory_space<vmem>>
      %dma_start3A_32 = tpu.memref_squeeze %dma_start3A_31 : memref<1x128xi32, #tpu.memory_space<vmem>> -> memref<128xi32, #tpu.memory_space<vmem>>
      %dma_start3A_33 = arith.constant 0 : i32
      %dma_start3A_34 = arith.constant 0 : i32
      %dma_start3A_35 = tpu.memref_slice %arg2[%dma_start3A_33, %dma_start3A_34] : memref<20224x128xf32, #tpu.memory_space<hbm>> -> memref<20224x128xf32, #tpu.memory_space<hbm>>
      tpu.enqueue_indirect_dma source(%dma_start3A_35 : memref<20224x128xf32, #tpu.memory_space<hbm>>) target(%arg11 : memref<128x128xf32, #tpu.memory_space<vmem>>) offsets(%dma_start3A_32 : memref<128xi32, #tpu.memory_space<vmem>>) semaphore(%arg13 : memref<!tpu.dma_semaphore, #tpu.memory_space<semaphore_mem>>)
      %dma_wait3A = arith.constant 0 : i32
      %dma_wait3A_36 = arith.constant 0 : i32
      %dma_wait3A_37 = tpu.memref_slice %arg8[%dma_wait3A, %dma_wait3A_36] : memref<40x128xi32, #tpu.memory_space<vmem>> -> memref<1x128xi32, #tpu.memory_space<vmem>>
      %dma_wait3A_38 = tpu.memref_squeeze %dma_wait3A_37 : memref<1x128xi32, #tpu.memory_space<vmem>> -> memref<128xi32, #tpu.memory_space<vmem>>
      %dma_wait3A_39 = arith.constant 0 : i32
      %dma_wait3A_40 = arith.constant 0 : i32
      %dma_wait3A_41 = tpu.memref_slice %arg2[%dma_wait3A_39, %dma_wait3A_40] : memref<20224x128xf32, #tpu.memory_space<hbm>> -> memref<20224x128xf32, #tpu.memory_space<hbm>>
      tpu.wait_indirect_dma semaphore(%arg12 : memref<!tpu.dma_semaphore, #tpu.memory_space<semaphore_mem>>) src(%dma_wait3A_41 : memref<20224x128xf32, #tpu.memory_space<hbm>>) dst(%arg10 : memref<128x128xf32, #tpu.memory_space<vmem>>)
      %mul3A_42 = arith.constant 2 : i32
      %mul3A_43 = arith.muli %mul3A_42, %scan3A_26 : i32
      "tpu.region"() ({
        %run_scoped3A = tpu.sem_alloc : memref<!tpu.dma_semaphore, #tpu.memory_space<semaphore_mem>>
        %dma_start3A_57 = arith.constant 0 : i32
        %dma_start3A_58 = tpu.memref_slice %arg9[%mul3A_43, %dma_start3A_57] : memref<40x128xi32, #tpu.memory_space<vmem>> -> memref<1x128xi32, #tpu.memory_space<vmem>>
        %dma_start3A_59 = tpu.memref_squeeze %dma_start3A_58 : memref<1x128xi32, #tpu.memory_space<vmem>> -> memref<128xi32, #tpu.memory_space<vmem>>
        %dma_start3A_60 = arith.constant 0 : i32
        %dma_start3A_61 = arith.constant 0 : i32
        %dma_start3A_62 = tpu.memref_slice %arg7[%dma_start3A_60, %dma_start3A_61] : memref<10112x128xf32, #tpu.memory_space<vmem_shared>> -> memref<10112x128xf32, #tpu.memory_space<vmem_shared>>
        tpu.enqueue_indirect_dma source(%arg10 : memref<128x128xf32, #tpu.memory_space<vmem>>) target(%dma_start3A_62 : memref<10112x128xf32, #tpu.memory_space<vmem_shared>>) offsets(%dma_start3A_59 : memref<128xi32, #tpu.memory_space<vmem>>) semaphore(%run_scoped3A : memref<!tpu.dma_semaphore, #tpu.memory_space<semaphore_mem>>) {add = true}
        %dma_wait3A_63 = arith.constant 0 : i32
        %dma_wait3A_64 = tpu.memref_slice %arg9[%mul3A_43, %dma_wait3A_63] : memref<40x128xi32, #tpu.memory_space<vmem>> -> memref<1x128xi32, #tpu.memory_space<vmem>>
        %dma_wait3A_65 = tpu.memref_squeeze %dma_wait3A_64 : memref<1x128xi32, #tpu.memory_space<vmem>> -> memref<128xi32, #tpu.memory_space<vmem>>
        %dma_wait3A_66 = arith.constant 0 : i32
        %dma_wait3A_67 = arith.constant 0 : i32
        %dma_wait3A_68 = tpu.memref_slice %arg7[%dma_wait3A_66, %dma_wait3A_67] : memref<10112x128xf32, #tpu.memory_space<vmem_shared>> -> memref<10112x128xf32, #tpu.memory_space<vmem_shared>>
        tpu.wait_indirect_dma semaphore(%run_scoped3A : memref<!tpu.dma_semaphore, #tpu.memory_space<semaphore_mem>>) src(%arg10 : memref<128x128xf32, #tpu.memory_space<vmem>>) dst(%dma_wait3A_68 : memref<10112x128xf32, #tpu.memory_space<vmem_shared>>)
        tpu.yield
      }) : () -> ()
      %lt3A = arith.constant 19 : i32
      %lt3A_44 = arith.cmpi slt, %scan3A_26, %lt3A : i32
      %convert_element_type3A = arith.extui %lt3A_44 : i1 to i32
      %cond3A = arith.constant 0 : i32
      %cond3A_45 = arith.cmpi ne, %convert_element_type3A, %cond3A : i32
      scf.if %cond3A_45 {
        %mul3A_57 = arith.constant 2 : i32
        %mul3A_58 = arith.muli %mul3A_57, %scan3A_26 : i32
        %add3A_59 = arith.constant 2 : i32
        %add3A_60 = arith.addi %mul3A_58, %add3A_59 : i32
        %dma_start3A_61 = arith.constant 0 : i32
        %dma_start3A_62 = tpu.memref_slice %arg8[%add3A_60, %dma_start3A_61] : memref<40x128xi32, #tpu.memory_space<vmem>> -> memref<1x128xi32, #tpu.memory_space<vmem>>
        %dma_start3A_63 = tpu.memref_squeeze %dma_start3A_62 : memref<1x128xi32, #tpu.memory_space<vmem>> -> memref<128xi32, #tpu.memory_space<vmem>>
        %dma_start3A_64 = arith.constant 0 : i32
        %dma_start3A_65 = arith.constant 0 : i32
        %dma_start3A_66 = tpu.memref_slice %arg2[%dma_start3A_64, %dma_start3A_65] : memref<20224x128xf32, #tpu.memory_space<hbm>> -> memref<20224x128xf32, #tpu.memory_space<hbm>>
        tpu.enqueue_indirect_dma source(%dma_start3A_66 : memref<20224x128xf32, #tpu.memory_space<hbm>>) target(%arg10 : memref<128x128xf32, #tpu.memory_space<vmem>>) offsets(%dma_start3A_63 : memref<128xi32, #tpu.memory_space<vmem>>) semaphore(%arg12 : memref<!tpu.dma_semaphore, #tpu.memory_space<semaphore_mem>>)
      } else {
      }
      %dma_wait3A_46 = arith.constant 0 : i32
      %dma_wait3A_47 = arith.constant 0 : i32
      %dma_wait3A_48 = tpu.memref_slice %arg8[%dma_wait3A_46, %dma_wait3A_47] : memref<40x128xi32, #tpu.memory_space<vmem>> -> memref<1x128xi32, #tpu.memory_space<vmem>>
      %dma_wait3A_49 = tpu.memref_squeeze %dma_wait3A_48 : memref<1x128xi32, #tpu.memory_space<vmem>> -> memref<128xi32, #tpu.memory_space<vmem>>
      %dma_wait3A_50 = arith.constant 0 : i32
      %dma_wait3A_51 = arith.constant 0 : i32
      %dma_wait3A_52 = tpu.memref_slice %arg2[%dma_wait3A_50, %dma_wait3A_51] : memref<20224x128xf32, #tpu.memory_space<hbm>> -> memref<20224x128xf32, #tpu.memory_space<hbm>>
      tpu.wait_indirect_dma semaphore(%arg13 : memref<!tpu.dma_semaphore, #tpu.memory_space<semaphore_mem>>) src(%dma_wait3A_52 : memref<20224x128xf32, #tpu.memory_space<hbm>>) dst(%arg11 : memref<128x128xf32, #tpu.memory_space<vmem>>)
      %mul3A_53 = arith.constant 2 : i32
      %mul3A_54 = arith.muli %mul3A_53, %scan3A_26 : i32
      %add3A_55 = arith.constant 1 : i32
      %add3A_56 = arith.addi %mul3A_54, %add3A_55 : i32
      "tpu.region"() ({
        %run_scoped3A = tpu.sem_alloc : memref<!tpu.dma_semaphore, #tpu.memory_space<semaphore_mem>>
        %dma_start3A_57 = arith.constant 0 : i32
        %dma_start3A_58 = tpu.memref_slice %arg9[%add3A_56, %dma_start3A_57] : memref<40x128xi32, #tpu.memory_space<vmem>> -> memref<1x128xi32, #tpu.memory_space<vmem>>
        %dma_start3A_59 = tpu.memref_squeeze %dma_start3A_58 : memref<1x128xi32, #tpu.memory_space<vmem>> -> memref<128xi32, #tpu.memory_space<vmem>>
        %dma_start3A_60 = arith.constant 0 : i32
        %dma_start3A_61 = arith.constant 0 : i32
        %dma_start3A_62 = tpu.memref_slice %arg7[%dma_start3A_60, %dma_start3A_61] : memref<10112x128xf32, #tpu.memory_space<vmem_shared>> -> memref<10112x128xf32, #tpu.memory_space<vmem_shared>>
        tpu.enqueue_indirect_dma source(%arg11 : memref<128x128xf32, #tpu.memory_space<vmem>>) target(%dma_start3A_62 : memref<10112x128xf32, #tpu.memory_space<vmem_shared>>) offsets(%dma_start3A_59 : memref<128xi32, #tpu.memory_space<vmem>>) semaphore(%run_scoped3A : memref<!tpu.dma_semaphore, #tpu.memory_space<semaphore_mem>>) {add = true}
        %dma_wait3A_63 = arith.constant 0 : i32
        %dma_wait3A_64 = tpu.memref_slice %arg9[%add3A_56, %dma_wait3A_63] : memref<40x128xi32, #tpu.memory_space<vmem>> -> memref<1x128xi32, #tpu.memory_space<vmem>>
        %dma_wait3A_65 = tpu.memref_squeeze %dma_wait3A_64 : memref<1x128xi32, #tpu.memory_space<vmem>> -> memref<128xi32, #tpu.memory_space<vmem>>
        %dma_wait3A_66 = arith.constant 0 : i32
        %dma_wait3A_67 = arith.constant 0 : i32
        %dma_wait3A_68 = tpu.memref_slice %arg7[%dma_wait3A_66, %dma_wait3A_67] : memref<10112x128xf32, #tpu.memory_space<vmem_shared>> -> memref<10112x128xf32, #tpu.memory_space<vmem_shared>>
        tpu.wait_indirect_dma semaphore(%run_scoped3A : memref<!tpu.dma_semaphore, #tpu.memory_space<semaphore_mem>>) src(%arg11 : memref<128x128xf32, #tpu.memory_space<vmem>>) dst(%dma_wait3A_68 : memref<10112x128xf32, #tpu.memory_space<vmem_shared>>)
        tpu.yield
      }) : () -> ()
    }
    %scan3A_11 = arith.constant 20 : i32
    "tpu.region"() ({
      %run_scoped3A = tpu.sem_alloc : memref<!tpu.dma_semaphore, #tpu.memory_space<semaphore_mem>>
      %dma_start3A_26 = arith.constant 40 : i32
      %dma_start3A_27 = arith.constant 0 : i32
      %dma_start3A_28 = tpu.memref_slice %arg3[%arg0, %arg1, %dma_start3A_26, %dma_start3A_27] : memref<2x16x80x128xi32, #tpu.memory_space<hbm>> -> memref<1x1x40x128xi32, #tpu.memory_space<hbm>>
      %dma_start3A_29 = tpu.memref_squeeze %dma_start3A_28 : memref<1x1x40x128xi32, #tpu.memory_space<hbm>> -> memref<40x128xi32, #tpu.memory_space<hbm>>
      %dma_start3A_30 = arith.constant 40 : i32
      %dma_start3A_31 = arith.constant 0 : i32
      %dma_start3A_32 = tpu.memref_slice %arg3[%arg0, %arg1, %dma_start3A_30, %dma_start3A_31] : memref<2x16x80x128xi32, #tpu.memory_space<hbm>> -> memref<1x1x40x128xi32, #tpu.memory_space<hbm>>
      %dma_start3A_33 = tpu.memref_squeeze %dma_start3A_32 : memref<1x1x40x128xi32, #tpu.memory_space<hbm>> -> memref<40x128xi32, #tpu.memory_space<hbm>>
      tpu.enqueue_dma source(%dma_start3A_33 : memref<40x128xi32, #tpu.memory_space<hbm>>) target(%arg8 : memref<40x128xi32, #tpu.memory_space<vmem>>) target_semaphore(%run_scoped3A : memref<!tpu.dma_semaphore, #tpu.memory_space<semaphore_mem>>)
      %dma_wait3A = arith.constant 40 : i32
      %dma_wait3A_34 = arith.constant 0 : i32
      %dma_wait3A_35 = tpu.memref_slice %arg3[%arg0, %arg1, %dma_wait3A, %dma_wait3A_34] : memref<2x16x80x128xi32, #tpu.memory_space<hbm>> -> memref<1x1x40x128xi32, #tpu.memory_space<hbm>>
      %dma_wait3A_36 = tpu.memref_squeeze %dma_wait3A_35 : memref<1x1x40x128xi32, #tpu.memory_space<hbm>> -> memref<40x128xi32, #tpu.memory_space<hbm>>
      %dma_wait3A_37 = arith.constant 40 : i32
      %dma_wait3A_38 = arith.constant 0 : i32
      %dma_wait3A_39 = tpu.memref_slice %arg3[%arg0, %arg1, %dma_wait3A_37, %dma_wait3A_38] : memref<2x16x80x128xi32, #tpu.memory_space<hbm>> -> memref<1x1x40x128xi32, #tpu.memory_space<hbm>>
      %dma_wait3A_40 = tpu.memref_squeeze %dma_wait3A_39 : memref<1x1x40x128xi32, #tpu.memory_space<hbm>> -> memref<40x128xi32, #tpu.memory_space<hbm>>
      tpu.wait_dma2 semaphore(%run_scoped3A : memref<!tpu.dma_semaphore, #tpu.memory_space<semaphore_mem>>) src(%dma_wait3A_40 : memref<40x128xi32, #tpu.memory_space<hbm>>) dst(%arg8 : memref<40x128xi32, #tpu.memory_space<vmem>>)
      tpu.yield
    }) : () -> ()
    "tpu.region"() ({
      %run_scoped3A = tpu.sem_alloc : memref<!tpu.dma_semaphore, #tpu.memory_space<semaphore_mem>>
      %dma_start3A_26 = arith.constant 40 : i32
      %dma_start3A_27 = arith.constant 0 : i32
      %dma_start3A_28 = tpu.memref_slice %arg4[%arg1, %dma_start3A_26, %dma_start3A_27] : memref<16x80x128xi32, #tpu.memory_space<hbm>> -> memref<1x40x128xi32, #tpu.memory_space<hbm>>
      %dma_start3A_29 = tpu.memref_squeeze %dma_start3A_28 : memref<1x40x128xi32, #tpu.memory_space<hbm>> -> memref<40x128xi32, #tpu.memory_space<hbm>>
      %dma_start3A_30 = arith.constant 40 : i32
      %dma_start3A_31 = arith.constant 0 : i32
      %dma_start3A_32 = tpu.memref_slice %arg4[%arg1, %dma_start3A_30, %dma_start3A_31] : memref<16x80x128xi32, #tpu.memory_space<hbm>> -> memref<1x40x128xi32, #tpu.memory_space<hbm>>
      %dma_start3A_33 = tpu.memref_squeeze %dma_start3A_32 : memref<1x40x128xi32, #tpu.memory_space<hbm>> -> memref<40x128xi32, #tpu.memory_space<hbm>>
      tpu.enqueue_dma source(%dma_start3A_33 : memref<40x128xi32, #tpu.memory_space<hbm>>) target(%arg9 : memref<40x128xi32, #tpu.memory_space<vmem>>) target_semaphore(%run_scoped3A : memref<!tpu.dma_semaphore, #tpu.memory_space<semaphore_mem>>)
      %dma_wait3A = arith.constant 40 : i32
      %dma_wait3A_34 = arith.constant 0 : i32
      %dma_wait3A_35 = tpu.memref_slice %arg4[%arg1, %dma_wait3A, %dma_wait3A_34] : memref<16x80x128xi32, #tpu.memory_space<hbm>> -> memref<1x40x128xi32, #tpu.memory_space<hbm>>
      %dma_wait3A_36 = tpu.memref_squeeze %dma_wait3A_35 : memref<1x40x128xi32, #tpu.memory_space<hbm>> -> memref<40x128xi32, #tpu.memory_space<hbm>>
      %dma_wait3A_37 = arith.constant 40 : i32
      %dma_wait3A_38 = arith.constant 0 : i32
      %dma_wait3A_39 = tpu.memref_slice %arg4[%arg1, %dma_wait3A_37, %dma_wait3A_38] : memref<16x80x128xi32, #tpu.memory_space<hbm>> -> memref<1x40x128xi32, #tpu.memory_space<hbm>>
      %dma_wait3A_40 = tpu.memref_squeeze %dma_wait3A_39 : memref<1x40x128xi32, #tpu.memory_space<hbm>> -> memref<40x128xi32, #tpu.memory_space<hbm>>
      tpu.wait_dma2 semaphore(%run_scoped3A : memref<!tpu.dma_semaphore, #tpu.memory_space<semaphore_mem>>) src(%dma_wait3A_40 : memref<40x128xi32, #tpu.memory_space<hbm>>) dst(%arg9 : memref<40x128xi32, #tpu.memory_space<vmem>>)
      tpu.yield
    }) : () -> ()
    %dma_start3A_12 = arith.constant 0 : i32
    %dma_start3A_13 = arith.constant 0 : i32
    %dma_start3A_14 = tpu.memref_slice %arg8[%dma_start3A_12, %dma_start3A_13] : memref<40x128xi32, #tpu.memory_space<vmem>> -> memref<1x128xi32, #tpu.memory_space<vmem>>
    %dma_start3A_15 = tpu.memref_squeeze %dma_start3A_14 : memref<1x128xi32, #tpu.memory_space<vmem>> -> memref<128xi32, #tpu.memory_space<vmem>>
    %dma_start3A_16 = arith.constant 0 : i32
    %dma_start3A_17 = arith.constant 0 : i32
    %dma_start3A_18 = tpu.memref_slice %arg2[%dma_start3A_16, %dma_start3A_17] : memref<20224x128xf32, #tpu.memory_space<hbm>> -> memref<20224x128xf32, #tpu.memory_space<hbm>>
    tpu.enqueue_indirect_dma source(%dma_start3A_18 : memref<20224x128xf32, #tpu.memory_space<hbm>>) target(%arg10 : memref<128x128xf32, #tpu.memory_space<vmem>>) offsets(%dma_start3A_15 : memref<128xi32, #tpu.memory_space<vmem>>) semaphore(%arg12 : memref<!tpu.dma_semaphore, #tpu.memory_space<semaphore_mem>>)
    %scan3A_19 = arith.constant 0 : i32
    %scan3A_20 = arith.constant 0 : i32
    %scan3A_21 = arith.constant 20 : i32
    %scan3A_22 = arith.addi %scan3A_20, %scan3A_21 : i32
    %scan3A_23 = arith.constant 1 : i32
    scf.for %scan3A_26 = %scan3A_20 to %scan3A_22 step %scan3A_23  : i32 {
      %mul3A_27 = arith.constant 2 : i32
      %mul3A_28 = arith.muli %mul3A_27, %scan3A_26 : i32
      %add3A = arith.constant 1 : i32
      %add3A_29 = arith.addi %mul3A_28, %add3A : i32
      %dma_start3A_30 = arith.constant 0 : i32
      %dma_start3A_31 = tpu.memref_slice %arg8[%add3A_29, %dma_start3A_30] : memref<40x128xi32, #tpu.memory_space<vmem>> -> memref<1x128xi32, #tpu.memory_space<vmem>>
      %dma_start3A_32 = tpu.memref_squeeze %dma_start3A_31 : memref<1x128xi32, #tpu.memory_space<vmem>> -> memref<128xi32, #tpu.memory_space<vmem>>
      %dma_start3A_33 = arith.constant 0 : i32
      %dma_start3A_34 = arith.constant 0 : i32
      %dma_start3A_35 = tpu.memref_slice %arg2[%dma_start3A_33, %dma_start3A_34] : memref<20224x128xf32, #tpu.memory_space<hbm>> -> memref<20224x128xf32, #tpu.memory_space<hbm>>
      tpu.enqueue_indirect_dma source(%dma_start3A_35 : memref<20224x128xf32, #tpu.memory_space<hbm>>) target(%arg11 : memref<128x128xf32, #tpu.memory_space<vmem>>) offsets(%dma_start3A_32 : memref<128xi32, #tpu.memory_space<vmem>>) semaphore(%arg13 : memref<!tpu.dma_semaphore, #tpu.memory_space<semaphore_mem>>)
      %dma_wait3A = arith.constant 0 : i32
      %dma_wait3A_36 = arith.constant 0 : i32
      %dma_wait3A_37 = tpu.memref_slice %arg8[%dma_wait3A, %dma_wait3A_36] : memref<40x128xi32, #tpu.memory_space<vmem>> -> memref<1x128xi32, #tpu.memory_space<vmem>>
      %dma_wait3A_38 = tpu.memref_squeeze %dma_wait3A_37 : memref<1x128xi32, #tpu.memory_space<vmem>> -> memref<128xi32, #tpu.memory_space<vmem>>
      %dma_wait3A_39 = arith.constant 0 : i32
      %dma_wait3A_40 = arith.constant 0 : i32
      %dma_wait3A_41 = tpu.memref_slice %arg2[%dma_wait3A_39, %dma_wait3A_40] : memref<20224x128xf32, #tpu.memory_space<hbm>> -> memref<20224x128xf32, #tpu.memory_space<hbm>>
      tpu.wait_indirect_dma semaphore(%arg12 : memref<!tpu.dma_semaphore, #tpu.memory_space<semaphore_mem>>) src(%dma_wait3A_41 : memref<20224x128xf32, #tpu.memory_space<hbm>>) dst(%arg10 : memref<128x128xf32, #tpu.memory_space<vmem>>)
      %mul3A_42 = arith.constant 2 : i32
      %mul3A_43 = arith.muli %mul3A_42, %scan3A_26 : i32
      "tpu.region"() ({
        %run_scoped3A = tpu.sem_alloc : memref<!tpu.dma_semaphore, #tpu.memory_space<semaphore_mem>>
        %dma_start3A_57 = arith.constant 0 : i32
        %dma_start3A_58 = tpu.memref_slice %arg9[%mul3A_43, %dma_start3A_57] : memref<40x128xi32, #tpu.memory_space<vmem>> -> memref<1x128xi32, #tpu.memory_space<vmem>>
        %dma_start3A_59 = tpu.memref_squeeze %dma_start3A_58 : memref<1x128xi32, #tpu.memory_space<vmem>> -> memref<128xi32, #tpu.memory_space<vmem>>
        %dma_start3A_60 = arith.constant 0 : i32
        %dma_start3A_61 = arith.constant 0 : i32
        %dma_start3A_62 = tpu.memref_slice %arg7[%dma_start3A_60, %dma_start3A_61] : memref<10112x128xf32, #tpu.memory_space<vmem_shared>> -> memref<10112x128xf32, #tpu.memory_space<vmem_shared>>
        tpu.enqueue_indirect_dma source(%arg10 : memref<128x128xf32, #tpu.memory_space<vmem>>) target(%dma_start3A_62 : memref<10112x128xf32, #tpu.memory_space<vmem_shared>>) offsets(%dma_start3A_59 : memref<128xi32, #tpu.memory_space<vmem>>) semaphore(%run_scoped3A : memref<!tpu.dma_semaphore, #tpu.memory_space<semaphore_mem>>) {add = true}
        %dma_wait3A_63 = arith.constant 0 : i32
        %dma_wait3A_64 = tpu.memref_slice %arg9[%mul3A_43, %dma_wait3A_63] : memref<40x128xi32, #tpu.memory_space<vmem>> -> memref<1x128xi32, #tpu.memory_space<vmem>>
        %dma_wait3A_65 = tpu.memref_squeeze %dma_wait3A_64 : memref<1x128xi32, #tpu.memory_space<vmem>> -> memref<128xi32, #tpu.memory_space<vmem>>
        %dma_wait3A_66 = arith.constant 0 : i32
        %dma_wait3A_67 = arith.constant 0 : i32
        %dma_wait3A_68 = tpu.memref_slice %arg7[%dma_wait3A_66, %dma_wait3A_67] : memref<10112x128xf32, #tpu.memory_space<vmem_shared>> -> memref<10112x128xf32, #tpu.memory_space<vmem_shared>>
        tpu.wait_indirect_dma semaphore(%run_scoped3A : memref<!tpu.dma_semaphore, #tpu.memory_space<semaphore_mem>>) src(%arg10 : memref<128x128xf32, #tpu.memory_space<vmem>>) dst(%dma_wait3A_68 : memref<10112x128xf32, #tpu.memory_space<vmem_shared>>)
        tpu.yield
      }) : () -> ()
      %lt3A = arith.constant 19 : i32
      %lt3A_44 = arith.cmpi slt, %scan3A_26, %lt3A : i32
      %convert_element_type3A = arith.extui %lt3A_44 : i1 to i32
      %cond3A = arith.constant 0 : i32
      %cond3A_45 = arith.cmpi ne, %convert_element_type3A, %cond3A : i32
      scf.if %cond3A_45 {
        %mul3A_57 = arith.constant 2 : i32
        %mul3A_58 = arith.muli %mul3A_57, %scan3A_26 : i32
        %add3A_59 = arith.constant 2 : i32
        %add3A_60 = arith.addi %mul3A_58, %add3A_59 : i32
        %dma_start3A_61 = arith.constant 0 : i32
        %dma_start3A_62 = tpu.memref_slice %arg8[%add3A_60, %dma_start3A_61] : memref<40x128xi32, #tpu.memory_space<vmem>> -> memref<1x128xi32, #tpu.memory_space<vmem>>
        %dma_start3A_63 = tpu.memref_squeeze %dma_start3A_62 : memref<1x128xi32, #tpu.memory_space<vmem>> -> memref<128xi32, #tpu.memory_space<vmem>>
        %dma_start3A_64 = arith.constant 0 : i32
        %dma_start3A_65 = arith.constant 0 : i32
        %dma_start3A_66 = tpu.memref_slice %arg2[%dma_start3A_64, %dma_start3A_65] : memref<20224x128xf32, #tpu.memory_space<hbm>> -> memref<20224x128xf32, #tpu.memory_space<hbm>>
        tpu.enqueue_indirect_dma source(%dma_start3A_66 : memref<20224x128xf32, #tpu.memory_space<hbm>>) target(%arg10 : memref<128x128xf32, #tpu.memory_space<vmem>>) offsets(%dma_start3A_63 : memref<128xi32, #tpu.memory_space<vmem>>) semaphore(%arg12 : memref<!tpu.dma_semaphore, #tpu.memory_space<semaphore_mem>>)
      } else {
      }
      %dma_wait3A_46 = arith.constant 0 : i32
      %dma_wait3A_47 = arith.constant 0 : i32
      %dma_wait3A_48 = tpu.memref_slice %arg8[%dma_wait3A_46, %dma_wait3A_47] : memref<40x128xi32, #tpu.memory_space<vmem>> -> memref<1x128xi32, #tpu.memory_space<vmem>>
      %dma_wait3A_49 = tpu.memref_squeeze %dma_wait3A_48 : memref<1x128xi32, #tpu.memory_space<vmem>> -> memref<128xi32, #tpu.memory_space<vmem>>
      %dma_wait3A_50 = arith.constant 0 : i32
      %dma_wait3A_51 = arith.constant 0 : i32
      %dma_wait3A_52 = tpu.memref_slice %arg2[%dma_wait3A_50, %dma_wait3A_51] : memref<20224x128xf32, #tpu.memory_space<hbm>> -> memref<20224x128xf32, #tpu.memory_space<hbm>>
      tpu.wait_indirect_dma semaphore(%arg13 : memref<!tpu.dma_semaphore, #tpu.memory_space<semaphore_mem>>) src(%dma_wait3A_52 : memref<20224x128xf32, #tpu.memory_space<hbm>>) dst(%arg11 : memref<128x128xf32, #tpu.memory_space<vmem>>)
      %mul3A_53 = arith.constant 2 : i32
      %mul3A_54 = arith.muli %mul3A_53, %scan3A_26 : i32
      %add3A_55 = arith.constant 1 : i32
      %add3A_56 = arith.addi %mul3A_54, %add3A_55 : i32
      "tpu.region"() ({
        %run_scoped3A = tpu.sem_alloc : memref<!tpu.dma_semaphore, #tpu.memory_space<semaphore_mem>>
        %dma_start3A_57 = arith.constant 0 : i32
        %dma_start3A_58 = tpu.memref_slice %arg9[%add3A_56, %dma_start3A_57] : memref<40x128xi32, #tpu.memory_space<vmem>> -> memref<1x128xi32, #tpu.memory_space<vmem>>
        %dma_start3A_59 = tpu.memref_squeeze %dma_start3A_58 : memref<1x128xi32, #tpu.memory_space<vmem>> -> memref<128xi32, #tpu.memory_space<vmem>>
        %dma_start3A_60 = arith.constant 0 : i32
        %dma_start3A_61 = arith.constant 0 : i32
        %dma_start3A_62 = tpu.memref_slice %arg7[%dma_start3A_60, %dma_start3A_61] : memref<10112x128xf32, #tpu.memory_space<vmem_shared>> -> memref<10112x128xf32, #tpu.memory_space<vmem_shared>>
        tpu.enqueue_indirect_dma source(%arg11 : memref<128x128xf32, #tpu.memory_space<vmem>>) target(%dma_start3A_62 : memref<10112x128xf32, #tpu.memory_space<vmem_shared>>) offsets(%dma_start3A_59 : memref<128xi32, #tpu.memory_space<vmem>>) semaphore(%run_scoped3A : memref<!tpu.dma_semaphore, #tpu.memory_space<semaphore_mem>>) {add = true}
        %dma_wait3A_63 = arith.constant 0 : i32
        %dma_wait3A_64 = tpu.memref_slice %arg9[%add3A_56, %dma_wait3A_63] : memref<40x128xi32, #tpu.memory_space<vmem>> -> memref<1x128xi32, #tpu.memory_space<vmem>>
        %dma_wait3A_65 = tpu.memref_squeeze %dma_wait3A_64 : memref<1x128xi32, #tpu.memory_space<vmem>> -> memref<128xi32, #tpu.memory_space<vmem>>
        %dma_wait3A_66 = arith.constant 0 : i32
        %dma_wait3A_67 = arith.constant 0 : i32
        %dma_wait3A_68 = tpu.memref_slice %arg7[%dma_wait3A_66, %dma_wait3A_67] : memref<10112x128xf32, #tpu.memory_space<vmem_shared>> -> memref<10112x128xf32, #tpu.memory_space<vmem_shared>>
        tpu.wait_indirect_dma semaphore(%run_scoped3A : memref<!tpu.dma_semaphore, #tpu.memory_space<semaphore_mem>>) src(%arg11 : memref<128x128xf32, #tpu.memory_space<vmem>>) dst(%dma_wait3A_68 : memref<10112x128xf32, #tpu.memory_space<vmem_shared>>)
        tpu.yield
      }) : () -> ()
    }
    %scan3A_24 = arith.constant 20 : i32
    %barrier3A_25 = arith.constant 0 : index
    tpu.barrier barrier_id(%barrier3A_25)
    "tpu.region"() ({
      %run_scoped3A = tpu.sem_alloc : memref<!tpu.dma_semaphore, #tpu.memory_space<semaphore_mem>>
      %dma_start3A_26 = arith.constant 0 : i32
      %dma_start3A_27 = tpu.memref_slice %arg6[%arg0, %mul3A_0, %dma_start3A_26] : memref<2x10112x128xf32, #tpu.memory_space<hbm>> -> memref<1x632x128xf32, #tpu.memory_space<hbm>>
      %dma_start3A_28 = tpu.memref_squeeze %dma_start3A_27 : memref<1x632x128xf32, #tpu.memory_space<hbm>> -> memref<632x128xf32, #tpu.memory_space<hbm>>
      %dma_start3A_29 = arith.constant 0 : i32
      %dma_start3A_30 = tpu.memref_slice %arg7[%mul3A_0, %dma_start3A_29] : memref<10112x128xf32, #tpu.memory_space<vmem_shared>> -> memref<632x128xf32, #tpu.memory_space<vmem_shared>>
      tpu.enqueue_dma source(%dma_start3A_30 : memref<632x128xf32, #tpu.memory_space<vmem_shared>>) target(%dma_start3A_28 : memref<632x128xf32, #tpu.memory_space<hbm>>) target_semaphore(%run_scoped3A : memref<!tpu.dma_semaphore, #tpu.memory_space<semaphore_mem>>)
      %dma_wait3A = arith.constant 0 : i32
      %dma_wait3A_31 = tpu.memref_slice %arg6[%arg0, %mul3A_0, %dma_wait3A] : memref<2x10112x128xf32, #tpu.memory_space<hbm>> -> memref<1x632x128xf32, #tpu.memory_space<hbm>>
      %dma_wait3A_32 = tpu.memref_squeeze %dma_wait3A_31 : memref<1x632x128xf32, #tpu.memory_space<hbm>> -> memref<632x128xf32, #tpu.memory_space<hbm>>
      %dma_wait3A_33 = arith.constant 0 : i32
      %dma_wait3A_34 = tpu.memref_slice %arg7[%mul3A_0, %dma_wait3A_33] : memref<10112x128xf32, #tpu.memory_space<vmem_shared>> -> memref<632x128xf32, #tpu.memory_space<vmem_shared>>
      tpu.wait_dma2 semaphore(%run_scoped3A : memref<!tpu.dma_semaphore, #tpu.memory_space<semaphore_mem>>) src(%dma_wait3A_34 : memref<632x128xf32, #tpu.memory_space<vmem_shared>>) dst(%dma_wait3A_32 : memref<632x128xf32, #tpu.memory_space<hbm>>)
      tpu.yield
    }) : () -> ()
    return
  }
}

module attributes {stable_mosaic.version = 14 : i64} {
  func.func @body(%arg0: i32, %arg1: memref<2x632x128xf32, #tpu.memory_space<vmem>>, %arg2: memref<2x632x128xf32, #tpu.memory_space<vmem>>, %arg3: memref<2x632x128xf32, #tpu.memory_space<vmem>>, %arg4: memref<256x256xf32, #tpu.memory_space<vmem>>, %arg5: memref<256x256xf32, #tpu.memory_space<vmem>>, %arg6: memref<1x256xf32, #tpu.memory_space<vmem>>, %arg7: memref<2x632x128xf32, #tpu.memory_space<vmem>>) attributes {dimension_semantics = [#tpu.dimension_semantics<arbitrary>], iteration_bounds = array<i64: 16>, scalar_prefetch = 0 : i64, scratch_operands = 0 : i64, tpu.core_type = #tpu.core_type<tc>, window_params = [{transform_indices = @transform_0, window_bounds = array<i64: 2, 632, 128>}, {transform_indices = @transform_1, window_bounds = array<i64: 2, 632, 128>}, {transform_indices = @transform_2, window_bounds = array<i64: 2, 632, 128>}, {pipeline_mode = #tpu.pipeline_mode<synchronous>, transform_indices = @transform_3, window_bounds = array<i64: 256, 256>}, {pipeline_mode = #tpu.pipeline_mode<synchronous>, transform_indices = @transform_4, window_bounds = array<i64: 256, 256>}, {pipeline_mode = #tpu.pipeline_mode<synchronous>, transform_indices = @transform_5, window_bounds = array<i64: 1, 256>}, {transform_indices = @transform_6, window_bounds = array<i64: 2, 632, 128>}]} {
    %get3A = arith.constant 0 : index
    %get3A_0 = arith.constant 0 : index
    %get3A_1 = arith.constant 0 : index
    %get3A_2 = vector.load %arg2[%get3A, %get3A_0, %get3A_1] : memref<2x632x128xf32, #tpu.memory_space<vmem>>, vector<1x632x128xf32>
    %get3A_3 = vector.shape_cast %get3A_2 : vector<1x632x128xf32> to vector<632x128xf32>
    %slice3A = vector.extract_strided_slice %get3A_3 {offsets = [0, 0], sizes = [632, 1], strides = [1, 1]} : vector<632x128xf32> to vector<632x1xf32>
    %get3A_4 = arith.constant 1 : index
    %get3A_5 = arith.constant 0 : index
    %get3A_6 = arith.constant 0 : index
    %get3A_7 = vector.load %arg2[%get3A_4, %get3A_5, %get3A_6] : memref<2x632x128xf32, #tpu.memory_space<vmem>>, vector<1x632x128xf32>
    %get3A_8 = vector.shape_cast %get3A_7 : vector<1x632x128xf32> to vector<632x128xf32>
    %slice3A_9 = vector.extract_strided_slice %get3A_8 {offsets = [0, 0], sizes = [632, 1], strides = [1, 1]} : vector<632x128xf32> to vector<632x1xf32>
    %add3A = arith.addf %slice3A, %slice3A_9 : vector<632x1xf32>
    %max3A = arith.constant 1.000000e+00 : f32
    %max3A_10 = vector.broadcast %max3A : f32 to vector<632x1xf32>
    %max3A_11 = arith.maximumf %add3A, %max3A_10 : vector<632x1xf32>
    %div3A = arith.constant 1.000000e+00 : f32
    %div3A_12 = vector.broadcast %div3A : f32 to vector<632x1xf32>
    %div3A_13 = arith.divf %div3A_12, %max3A_11 : vector<632x1xf32>
    %get3A_14 = arith.constant 0 : index
    %get3A_15 = arith.constant 0 : index
    %get3A_16 = arith.constant 0 : index
    %get3A_17 = vector.load %arg1[%get3A_14, %get3A_15, %get3A_16] : memref<2x632x128xf32, #tpu.memory_space<vmem>>, vector<1x632x128xf32>
    %get3A_18 = vector.shape_cast %get3A_17 : vector<1x632x128xf32> to vector<632x128xf32>
    %mul3A = vector.broadcast %div3A_13 : vector<632x1xf32> to vector<632x128xf32>
    %mul3A_19 = arith.mulf %get3A_18, %mul3A : vector<632x128xf32>
    %get3A_20 = arith.constant 0 : index
    %get3A_21 = arith.constant 0 : index
    %get3A_22 = vector.load %arg4[%get3A_20, %get3A_21] : memref<256x256xf32, #tpu.memory_space<vmem>>, vector<256x128xf32>
    %convert_element_type3A = arith.truncf %mul3A_19 : vector<632x128xf32> to vector<632x128xbf16>
    %convert_element_type3A_23 = arith.truncf %get3A_22 : vector<256x128xf32> to vector<256x128xbf16>
    %dot_general3A = arith.constant dense<0.000000e+00> : vector<632x256xf32>
    %dot_general3A_24 = tpu.matmul %convert_element_type3A, %convert_element_type3A_23, %dot_general3A {dimension_numbers = #tpu.dot_dimension_numbers<[1], [1], [0], [0], [0, 0, 1, 0], [], []>, transpose_lhs_hint = false} : vector<632x128xbf16>, vector<256x128xbf16>, vector<632x256xf32> -> vector<632x256xf32>
    %get3A_25 = arith.constant 1 : index
    %get3A_26 = arith.constant 0 : index
    %get3A_27 = arith.constant 0 : index
    %get3A_28 = vector.load %arg1[%get3A_25, %get3A_26, %get3A_27] : memref<2x632x128xf32, #tpu.memory_space<vmem>>, vector<1x632x128xf32>
    %get3A_29 = vector.shape_cast %get3A_28 : vector<1x632x128xf32> to vector<632x128xf32>
    %mul3A_30 = vector.broadcast %div3A_13 : vector<632x1xf32> to vector<632x128xf32>
    %mul3A_31 = arith.mulf %get3A_29, %mul3A_30 : vector<632x128xf32>
    %get3A_32 = arith.constant 0 : index
    %get3A_33 = arith.constant 128 : index
    %get3A_34 = vector.load %arg4[%get3A_32, %get3A_33] : memref<256x256xf32, #tpu.memory_space<vmem>>, vector<256x128xf32>
    %convert_element_type3A_35 = arith.truncf %mul3A_31 : vector<632x128xf32> to vector<632x128xbf16>
    %convert_element_type3A_36 = arith.truncf %get3A_34 : vector<256x128xf32> to vector<256x128xbf16>
    %dot_general3A_37 = arith.constant dense<0.000000e+00> : vector<632x256xf32>
    %dot_general3A_38 = tpu.matmul %convert_element_type3A_35, %convert_element_type3A_36, %dot_general3A_37 {dimension_numbers = #tpu.dot_dimension_numbers<[1], [1], [0], [0], [0, 0, 1, 0], [], []>, transpose_lhs_hint = false} : vector<632x128xbf16>, vector<256x128xbf16>, vector<632x256xf32> -> vector<632x256xf32>
    %add3A_39 = arith.addf %dot_general3A_24, %dot_general3A_38 : vector<632x256xf32>
    %get3A_40 = arith.constant 0 : index
    %get3A_41 = arith.constant 0 : index
    %get3A_42 = arith.constant 0 : index
    %get3A_43 = vector.load %arg3[%get3A_40, %get3A_41, %get3A_42] : memref<2x632x128xf32, #tpu.memory_space<vmem>>, vector<1x632x128xf32>
    %get3A_44 = vector.shape_cast %get3A_43 : vector<1x632x128xf32> to vector<632x128xf32>
    %get3A_45 = arith.constant 0 : index
    %get3A_46 = arith.constant 0 : index
    %get3A_47 = vector.load %arg5[%get3A_45, %get3A_46] : memref<256x256xf32, #tpu.memory_space<vmem>>, vector<256x128xf32>
    %convert_element_type3A_48 = arith.truncf %get3A_44 : vector<632x128xf32> to vector<632x128xbf16>
    %convert_element_type3A_49 = arith.truncf %get3A_47 : vector<256x128xf32> to vector<256x128xbf16>
    %dot_general3A_50 = arith.constant dense<0.000000e+00> : vector<632x256xf32>
    %dot_general3A_51 = tpu.matmul %convert_element_type3A_48, %convert_element_type3A_49, %dot_general3A_50 {dimension_numbers = #tpu.dot_dimension_numbers<[1], [1], [0], [0], [0, 0, 1, 0], [], []>, transpose_lhs_hint = false} : vector<632x128xbf16>, vector<256x128xbf16>, vector<632x256xf32> -> vector<632x256xf32>
    %add3A_52 = arith.addf %add3A_39, %dot_general3A_51 : vector<632x256xf32>
    %get3A_53 = arith.constant 1 : index
    %get3A_54 = arith.constant 0 : index
    %get3A_55 = arith.constant 0 : index
    %get3A_56 = vector.load %arg3[%get3A_53, %get3A_54, %get3A_55] : memref<2x632x128xf32, #tpu.memory_space<vmem>>, vector<1x632x128xf32>
    %get3A_57 = vector.shape_cast %get3A_56 : vector<1x632x128xf32> to vector<632x128xf32>
    %get3A_58 = arith.constant 0 : index
    %get3A_59 = arith.constant 128 : index
    %get3A_60 = vector.load %arg5[%get3A_58, %get3A_59] : memref<256x256xf32, #tpu.memory_space<vmem>>, vector<256x128xf32>
    %convert_element_type3A_61 = arith.truncf %get3A_57 : vector<632x128xf32> to vector<632x128xbf16>
    %convert_element_type3A_62 = arith.truncf %get3A_60 : vector<256x128xf32> to vector<256x128xbf16>
    %dot_general3A_63 = arith.constant dense<0.000000e+00> : vector<632x256xf32>
    %dot_general3A_64 = tpu.matmul %convert_element_type3A_61, %convert_element_type3A_62, %dot_general3A_63 {dimension_numbers = #tpu.dot_dimension_numbers<[1], [1], [0], [0], [0, 0, 1, 0], [], []>, transpose_lhs_hint = false} : vector<632x128xbf16>, vector<256x128xbf16>, vector<632x256xf32> -> vector<632x256xf32>
    %add3A_65 = arith.addf %add3A_52, %dot_general3A_64 : vector<632x256xf32>
    %get3A_66 = arith.constant 0 : index
    %get3A_67 = arith.constant 0 : index
    %get3A_68 = vector.load %arg6[%get3A_66, %get3A_67] : memref<1x256xf32, #tpu.memory_space<vmem>>, vector<1x256xf32>
    %get3A_69 = vector.shape_cast %get3A_68 : vector<1x256xf32> to vector<256xf32>
    %broadcast_in_dim3A = vector.shape_cast %get3A_69 : vector<256xf32> to vector<1x256xf32>
    %add3A_70 = vector.broadcast %broadcast_in_dim3A : vector<1x256xf32> to vector<632x256xf32>
    %add3A_71 = arith.addf %add3A_65, %add3A_70 : vector<632x256xf32>
    %max3A_72 = arith.constant 0.000000e+00 : f32
    %max3A_73 = vector.broadcast %max3A_72 : f32 to vector<632x256xf32>
    %max3A_74 = arith.maximumf %add3A_71, %max3A_73 : vector<632x256xf32>
    %slice3A_75 = vector.extract_strided_slice %max3A_74 {offsets = [0, 0], sizes = [632, 128], strides = [1, 1]} : vector<632x256xf32> to vector<632x128xf32>
    %swap3A = arith.constant 0 : index
    %swap3A_76 = arith.constant 0 : index
    %swap3A_77 = arith.constant 0 : index
    %swap3A_78 = vector.load %arg7[%swap3A, %swap3A_76, %swap3A_77] : memref<2x632x128xf32, #tpu.memory_space<vmem>>, vector<1x632x128xf32>
    %swap3A_79 = vector.shape_cast %swap3A_78 : vector<1x632x128xf32> to vector<632x128xf32>
    %swap3A_80 = vector.shape_cast %slice3A_75 : vector<632x128xf32> to vector<1x632x128xf32>
    tpu.vector_store %arg7[%swap3A, %swap3A_76, %swap3A_77], %swap3A_80 {strides = array<i32>} : memref<2x632x128xf32, #tpu.memory_space<vmem>>, vector<1x632x128xf32>,
    %slice3A_81 = vector.extract_strided_slice %max3A_74 {offsets = [0, 128], sizes = [632, 128], strides = [1, 1]} : vector<632x256xf32> to vector<632x128xf32>
    %swap3A_82 = arith.constant 1 : index
    %swap3A_83 = arith.constant 0 : index
    %swap3A_84 = arith.constant 0 : index
    %swap3A_85 = vector.load %arg7[%swap3A_82, %swap3A_83, %swap3A_84] : memref<2x632x128xf32, #tpu.memory_space<vmem>>, vector<1x632x128xf32>
    %swap3A_86 = vector.shape_cast %swap3A_85 : vector<1x632x128xf32> to vector<632x128xf32>
    %swap3A_87 = vector.shape_cast %slice3A_81 : vector<632x128xf32> to vector<1x632x128xf32>
    tpu.vector_store %arg7[%swap3A_82, %swap3A_83, %swap3A_84], %swap3A_87 {strides = array<i32>} : memref<2x632x128xf32, #tpu.memory_space<vmem>>, vector<1x632x128xf32>,
    return
  }
  func.func @transform_0(%arg0: i32) -> (i32, i32, i32) {
    %c0_i32 = arith.constant 0 : i32
    %c0_i32_0 = arith.constant 0 : i32
    %c0_i32_1 = arith.constant 0 : i32
    return %c0_i32, %arg0, %c0_i32_0 : i32, i32, i32
  }
  func.func @transform_1(%arg0: i32) -> (i32, i32, i32) {
    %c0_i32 = arith.constant 0 : i32
    %c0_i32_0 = arith.constant 0 : i32
    %c0_i32_1 = arith.constant 0 : i32
    return %c0_i32, %arg0, %c0_i32_0 : i32, i32, i32
  }
  func.func @transform_2(%arg0: i32) -> (i32, i32, i32) {
    %c0_i32 = arith.constant 0 : i32
    %c0_i32_0 = arith.constant 0 : i32
    %c0_i32_1 = arith.constant 0 : i32
    return %c0_i32, %arg0, %c0_i32_0 : i32, i32, i32
  }
  func.func @transform_3(%arg0: i32) -> (i32, i32) {
    %c0_i32 = arith.constant 0 : i32
    %c0_i32_0 = arith.constant 0 : i32
    %c0_i32_1 = arith.constant 0 : i32
    return %c0_i32, %c0_i32_0 : i32, i32
  }
  func.func @transform_4(%arg0: i32) -> (i32, i32) {
    %c0_i32 = arith.constant 0 : i32
    %c0_i32_0 = arith.constant 0 : i32
    %c0_i32_1 = arith.constant 0 : i32
    return %c0_i32, %c0_i32_0 : i32, i32
  }
  func.func @transform_5(%arg0: i32) -> (i32, i32) {
    %c0_i32 = arith.constant 0 : i32
    %c0_i32_0 = arith.constant 0 : i32
    %c0_i32_1 = arith.constant 0 : i32
    return %c0_i32, %c0_i32_0 : i32, i32
  }
  func.func @transform_6(%arg0: i32) -> (i32, i32, i32) {
    %c0_i32 = arith.constant 0 : i32
    %c0_i32_0 = arith.constant 0 : i32
    %c0_i32_1 = arith.constant 0 : i32
    return %c0_i32, %arg0, %c0_i32_0 : i32, i32, i32
  }
}

module attributes {stable_mosaic.version = 14 : i64} {
  func.func @body(%arg0: i32, %arg1: memref<2x632x128xf32, #tpu.memory_space<vmem>>, %arg2: memref<2x632x128xf32, #tpu.memory_space<vmem>>, %arg3: memref<2x632x128xf32, #tpu.memory_space<vmem>>, %arg4: memref<256x256xf32, #tpu.memory_space<vmem>>, %arg5: memref<256x256xf32, #tpu.memory_space<vmem>>, %arg6: memref<1x256xf32, #tpu.memory_space<vmem>>, %arg7: memref<632x256xf32, #tpu.memory_space<vmem>>) attributes {dimension_semantics = [#tpu.dimension_semantics<arbitrary>], iteration_bounds = array<i64: 16>, scalar_prefetch = 0 : i64, scratch_operands = 0 : i64, tpu.core_type = #tpu.core_type<tc>, window_params = [{transform_indices = @transform_0, window_bounds = array<i64: 2, 632, 128>}, {transform_indices = @transform_1, window_bounds = array<i64: 2, 632, 128>}, {transform_indices = @transform_2, window_bounds = array<i64: 2, 632, 128>}, {pipeline_mode = #tpu.pipeline_mode<synchronous>, transform_indices = @transform_3, window_bounds = array<i64: 256, 256>}, {pipeline_mode = #tpu.pipeline_mode<synchronous>, transform_indices = @transform_4, window_bounds = array<i64: 256, 256>}, {pipeline_mode = #tpu.pipeline_mode<synchronous>, transform_indices = @transform_5, window_bounds = array<i64: 1, 256>}, {transform_indices = @transform_6, window_bounds = array<i64: 632, 256>}]} {
    %get3A = arith.constant 0 : index
    %get3A_0 = arith.constant 0 : index
    %get3A_1 = arith.constant 0 : index
    %get3A_2 = vector.load %arg2[%get3A, %get3A_0, %get3A_1] : memref<2x632x128xf32, #tpu.memory_space<vmem>>, vector<1x632x128xf32>
    %get3A_3 = vector.shape_cast %get3A_2 : vector<1x632x128xf32> to vector<632x128xf32>
    %slice3A = vector.extract_strided_slice %get3A_3 {offsets = [0, 0], sizes = [632, 1], strides = [1, 1]} : vector<632x128xf32> to vector<632x1xf32>
    %get3A_4 = arith.constant 1 : index
    %get3A_5 = arith.constant 0 : index
    %get3A_6 = arith.constant 0 : index
    %get3A_7 = vector.load %arg2[%get3A_4, %get3A_5, %get3A_6] : memref<2x632x128xf32, #tpu.memory_space<vmem>>, vector<1x632x128xf32>
    %get3A_8 = vector.shape_cast %get3A_7 : vector<1x632x128xf32> to vector<632x128xf32>
    %slice3A_9 = vector.extract_strided_slice %get3A_8 {offsets = [0, 0], sizes = [632, 1], strides = [1, 1]} : vector<632x128xf32> to vector<632x1xf32>
    %add3A = arith.addf %slice3A, %slice3A_9 : vector<632x1xf32>
    %max3A = arith.constant 1.000000e+00 : f32
    %max3A_10 = vector.broadcast %max3A : f32 to vector<632x1xf32>
    %max3A_11 = arith.maximumf %add3A, %max3A_10 : vector<632x1xf32>
    %div3A = arith.constant 1.000000e+00 : f32
    %div3A_12 = vector.broadcast %div3A : f32 to vector<632x1xf32>
    %div3A_13 = arith.divf %div3A_12, %max3A_11 : vector<632x1xf32>
    %get3A_14 = arith.constant 0 : index
    %get3A_15 = arith.constant 0 : index
    %get3A_16 = arith.constant 0 : index
    %get3A_17 = vector.load %arg1[%get3A_14, %get3A_15, %get3A_16] : memref<2x632x128xf32, #tpu.memory_space<vmem>>, vector<1x632x128xf32>
    %get3A_18 = vector.shape_cast %get3A_17 : vector<1x632x128xf32> to vector<632x128xf32>
    %mul3A = vector.broadcast %div3A_13 : vector<632x1xf32> to vector<632x128xf32>
    %mul3A_19 = arith.mulf %get3A_18, %mul3A : vector<632x128xf32>
    %get3A_20 = arith.constant 0 : index
    %get3A_21 = arith.constant 0 : index
    %get3A_22 = vector.load %arg4[%get3A_20, %get3A_21] : memref<256x256xf32, #tpu.memory_space<vmem>>, vector<256x128xf32>
    %convert_element_type3A = arith.truncf %mul3A_19 : vector<632x128xf32> to vector<632x128xbf16>
    %convert_element_type3A_23 = arith.truncf %get3A_22 : vector<256x128xf32> to vector<256x128xbf16>
    %dot_general3A = arith.constant dense<0.000000e+00> : vector<632x256xf32>
    %dot_general3A_24 = tpu.matmul %convert_element_type3A, %convert_element_type3A_23, %dot_general3A {dimension_numbers = #tpu.dot_dimension_numbers<[1], [1], [0], [0], [0, 0, 1, 0], [], []>, transpose_lhs_hint = false} : vector<632x128xbf16>, vector<256x128xbf16>, vector<632x256xf32> -> vector<632x256xf32>
    %get3A_25 = arith.constant 1 : index
    %get3A_26 = arith.constant 0 : index
    %get3A_27 = arith.constant 0 : index
    %get3A_28 = vector.load %arg1[%get3A_25, %get3A_26, %get3A_27] : memref<2x632x128xf32, #tpu.memory_space<vmem>>, vector<1x632x128xf32>
    %get3A_29 = vector.shape_cast %get3A_28 : vector<1x632x128xf32> to vector<632x128xf32>
    %mul3A_30 = vector.broadcast %div3A_13 : vector<632x1xf32> to vector<632x128xf32>
    %mul3A_31 = arith.mulf %get3A_29, %mul3A_30 : vector<632x128xf32>
    %get3A_32 = arith.constant 0 : index
    %get3A_33 = arith.constant 128 : index
    %get3A_34 = vector.load %arg4[%get3A_32, %get3A_33] : memref<256x256xf32, #tpu.memory_space<vmem>>, vector<256x128xf32>
    %convert_element_type3A_35 = arith.truncf %mul3A_31 : vector<632x128xf32> to vector<632x128xbf16>
    %convert_element_type3A_36 = arith.truncf %get3A_34 : vector<256x128xf32> to vector<256x128xbf16>
    %dot_general3A_37 = arith.constant dense<0.000000e+00> : vector<632x256xf32>
    %dot_general3A_38 = tpu.matmul %convert_element_type3A_35, %convert_element_type3A_36, %dot_general3A_37 {dimension_numbers = #tpu.dot_dimension_numbers<[1], [1], [0], [0], [0, 0, 1, 0], [], []>, transpose_lhs_hint = false} : vector<632x128xbf16>, vector<256x128xbf16>, vector<632x256xf32> -> vector<632x256xf32>
    %add3A_39 = arith.addf %dot_general3A_24, %dot_general3A_38 : vector<632x256xf32>
    %get3A_40 = arith.constant 0 : index
    %get3A_41 = arith.constant 0 : index
    %get3A_42 = arith.constant 0 : index
    %get3A_43 = vector.load %arg3[%get3A_40, %get3A_41, %get3A_42] : memref<2x632x128xf32, #tpu.memory_space<vmem>>, vector<1x632x128xf32>
    %get3A_44 = vector.shape_cast %get3A_43 : vector<1x632x128xf32> to vector<632x128xf32>
    %get3A_45 = arith.constant 0 : index
    %get3A_46 = arith.constant 0 : index
    %get3A_47 = vector.load %arg5[%get3A_45, %get3A_46] : memref<256x256xf32, #tpu.memory_space<vmem>>, vector<256x128xf32>
    %convert_element_type3A_48 = arith.truncf %get3A_44 : vector<632x128xf32> to vector<632x128xbf16>
    %convert_element_type3A_49 = arith.truncf %get3A_47 : vector<256x128xf32> to vector<256x128xbf16>
    %dot_general3A_50 = arith.constant dense<0.000000e+00> : vector<632x256xf32>
    %dot_general3A_51 = tpu.matmul %convert_element_type3A_48, %convert_element_type3A_49, %dot_general3A_50 {dimension_numbers = #tpu.dot_dimension_numbers<[1], [1], [0], [0], [0, 0, 1, 0], [], []>, transpose_lhs_hint = false} : vector<632x128xbf16>, vector<256x128xbf16>, vector<632x256xf32> -> vector<632x256xf32>
    %add3A_52 = arith.addf %add3A_39, %dot_general3A_51 : vector<632x256xf32>
    %get3A_53 = arith.constant 1 : index
    %get3A_54 = arith.constant 0 : index
    %get3A_55 = arith.constant 0 : index
    %get3A_56 = vector.load %arg3[%get3A_53, %get3A_54, %get3A_55] : memref<2x632x128xf32, #tpu.memory_space<vmem>>, vector<1x632x128xf32>
    %get3A_57 = vector.shape_cast %get3A_56 : vector<1x632x128xf32> to vector<632x128xf32>
    %get3A_58 = arith.constant 0 : index
    %get3A_59 = arith.constant 128 : index
    %get3A_60 = vector.load %arg5[%get3A_58, %get3A_59] : memref<256x256xf32, #tpu.memory_space<vmem>>, vector<256x128xf32>
    %convert_element_type3A_61 = arith.truncf %get3A_57 : vector<632x128xf32> to vector<632x128xbf16>
    %convert_element_type3A_62 = arith.truncf %get3A_60 : vector<256x128xf32> to vector<256x128xbf16>
    %dot_general3A_63 = arith.constant dense<0.000000e+00> : vector<632x256xf32>
    %dot_general3A_64 = tpu.matmul %convert_element_type3A_61, %convert_element_type3A_62, %dot_general3A_63 {dimension_numbers = #tpu.dot_dimension_numbers<[1], [1], [0], [0], [0, 0, 1, 0], [], []>, transpose_lhs_hint = false} : vector<632x128xbf16>, vector<256x128xbf16>, vector<632x256xf32> -> vector<632x256xf32>
    %add3A_65 = arith.addf %add3A_52, %dot_general3A_64 : vector<632x256xf32>
    %get3A_66 = arith.constant 0 : index
    %get3A_67 = arith.constant 0 : index
    %get3A_68 = vector.load %arg6[%get3A_66, %get3A_67] : memref<1x256xf32, #tpu.memory_space<vmem>>, vector<1x256xf32>
    %get3A_69 = vector.shape_cast %get3A_68 : vector<1x256xf32> to vector<256xf32>
    %broadcast_in_dim3A = vector.shape_cast %get3A_69 : vector<256xf32> to vector<1x256xf32>
    %add3A_70 = vector.broadcast %broadcast_in_dim3A : vector<1x256xf32> to vector<632x256xf32>
    %add3A_71 = arith.addf %add3A_65, %add3A_70 : vector<632x256xf32>
    %swap3A = arith.constant 0 : index
    %swap3A_72 = arith.constant 0 : index
    %swap3A_73 = vector.load %arg7[%swap3A, %swap3A_72] : memref<632x256xf32, #tpu.memory_space<vmem>>, vector<632x256xf32>
    tpu.vector_store %arg7[%swap3A, %swap3A_72], %add3A_71 {strides = array<i32>} : memref<632x256xf32, #tpu.memory_space<vmem>>, vector<632x256xf32>,
    return
  }
  func.func @transform_0(%arg0: i32) -> (i32, i32, i32) {
    %c0_i32 = arith.constant 0 : i32
    %c0_i32_0 = arith.constant 0 : i32
    %c0_i32_1 = arith.constant 0 : i32
    return %c0_i32, %arg0, %c0_i32_0 : i32, i32, i32
  }
  func.func @transform_1(%arg0: i32) -> (i32, i32, i32) {
    %c0_i32 = arith.constant 0 : i32
    %c0_i32_0 = arith.constant 0 : i32
    %c0_i32_1 = arith.constant 0 : i32
    return %c0_i32, %arg0, %c0_i32_0 : i32, i32, i32
  }
  func.func @transform_2(%arg0: i32) -> (i32, i32, i32) {
    %c0_i32 = arith.constant 0 : i32
    %c0_i32_0 = arith.constant 0 : i32
    %c0_i32_1 = arith.constant 0 : i32
    return %c0_i32, %arg0, %c0_i32_0 : i32, i32, i32
  }
  func.func @transform_3(%arg0: i32) -> (i32, i32) {
    %c0_i32 = arith.constant 0 : i32
    %c0_i32_0 = arith.constant 0 : i32
    %c0_i32_1 = arith.constant 0 : i32
    return %c0_i32, %c0_i32_0 : i32, i32
  }
  func.func @transform_4(%arg0: i32) -> (i32, i32) {
    %c0_i32 = arith.constant 0 : i32
    %c0_i32_0 = arith.constant 0 : i32
    %c0_i32_1 = arith.constant 0 : i32
    return %c0_i32, %c0_i32_0 : i32, i32
  }
  func.func @transform_5(%arg0: i32) -> (i32, i32) {
    %c0_i32 = arith.constant 0 : i32
    %c0_i32_0 = arith.constant 0 : i32
    %c0_i32_1 = arith.constant 0 : i32
    return %c0_i32, %c0_i32_0 : i32, i32
  }
  func.func @transform_6(%arg0: i32) -> (i32, i32) {
    %c0_i32 = arith.constant 0 : i32
    %c0_i32_0 = arith.constant 0 : i32
    return %arg0, %c0_i32 : i32, i32
  }
}

</mosaic_0001>

<sc_bundles>
// kernel: kernel.11.cloned.1.call-start
scs
__scs_entry_jumppad:
0x0: {  	(pc) =	sbr.rel $0x88, $3  }
0x1: {  	(tag) =	ssettag $0x0;
	lr =	simm.s32 $0x1  }
0x2: {  	[smem:$0x3F93] =	sst lr;
	_ =	strace $0xD0000000  }
0x3: {  	_ = 	snop  }
0x4: {  	_ = 	snop  }
0x5: {  	_ = 	snop  }
0x6: {  	_ = 	snop  }
0x7: {  	_ = 	snop  }
__scs_overlays_trampoline_lowered:
0x8: {  	[smem:$0x3FA2] =	sst s0  }
0x9: {  	[smem:$0x3FA3] =	sst s1  }
0xa: {  	[smem:$0x3FA4] =	sst s2  }
0xb: {  	[smem:$0x3FA5] =	sst s3  }
0xc: {  	[smem:$0x3FA6] =	sst s4  }
0xd: {  	[smem:$0x3FA7] =	sst s5  }
0xe: {  	[smem:$0x3FA8] =	sst s6  }
0xf: {  	[smem:$0x3FA9] =	sst s7  }
0x10: {  	[smem:$0x3FAA] =	sst s8  }
0x11: {  	[smem:$0x3FAB] =	sst s9;
	s0 =	simm.s32 @!p0 $0x0  }
0x12: {  	s1 =	sld [smem:$0x3F91];
	s0 =	simm.s32 @p0 $0x1  }
0x13: {  	[smem:$0x3FAC] =	sst s0;
	s0 =	simm.s32 @!p1 $0x0  }
0x14: {  	s2 =	sld [smem:$0x3F90];
	s0 =	simm.s32 @p1 $0x1  }
0x15: {  	[smem:$0x3FAD] =	sst s0;
	s0 =	simm.s32 @!p2 $0x0  }
0x16: {  	s3 =	sld [smem:$0x3FDB];
	s0 =	simm.s32 @p2 $0x1  }
0x17: {  	s4 =	simm.s32 $0x1BF5;
	[smem:$0x3FAF] =	sst s0  }
0x18: {  	s0 =	sld [smem:$0x3F92];
	_ =	swait.ge [sflag:s4], $0x0  }
0x19: {  	s7 =	sld [smem:$0x3F93]  }
0x1a: {  	s8 =	sadd.s32 $0xFFFFE003, lr  }
0x1b: {  	s9 =	sadd.s32 $0xFFFFFEF7, lr;
	s5 =	simm.s32 $0xFFFFFFFF;
	p2 =	slt.u32 s8, $0xFFFFF086  }
0x1c: {  	p1 =	slt.u32 s9, $0xF7A;
	s5 =	simm.s32 @!p2 $0x0  }
0x1d: {  	s5 =	simm.s32 @p1 $0x1;
	p0 =	seq.s32 s7, s2  }
0x1e: {  	s7 =	smul.u32 @!p0 $0xF7A, s2;
	p2 =	seq.s32 @!p0 s5, $0x0  }
0x1f: {  	s9 =	smul.u32 $0xF7A, s1;
	s8 =	simm.s32 @!p0 $0x1BF5;
	p2 =	por !p2, p0  }
0x20: {  	[sflag:s8] =	ssyncset.s32 @!p0 $0xFFFFF086;
	s6 =	sadd.s32 @!p0 s3, s7;
	s7 =	simm.s32 @!p0 $0x108  }
0x21: {  	s3 =	sadd.s32 s3, s9;
	s6 =	sadd.s32 @!p0 $0x88, s6;
	s7 =	simm.s32 @p2 $0x1082  }
0x22: {  	[simem:s7], [sflag:s8] =	dma.local @!p0 [hbm:s6], $0xF7A  }
0x23: {  	s9 =	sor.u32 $0xD0000000, s2;
	s6 =	simm.s32 $0x108;
	_ =	swait.ge @!p0 [sflag:s8], $0x0  }
0x24: {  	s3 =	sadd.s32 $0x88, s3;
	s6 =	simm.s32 @!p1 $0x1082;
	[sflag:s4] =	ssyncset.s32 $0xFFFFF086  }
0x25: {  	[simem:s6], [sflag:s4] =	dma.local [hbm:s3], $0xF7A  }
0x26: {  	[smem:$0x3F93] =	sst s1;
	(tag) =	ssettag s2;
	_ =	strace s9  }
0x27: {  	s1 =	sld [smem:$0x3FA3]  }
0x28: {  	s2 =	sld [smem:$0x3FA4]  }
0x29: {  	s4 =	sld [smem:$0x3FA6]  }
0x2a: {  	p0 =	seq.s32 s5, $0x0;
	s5 =	sld [smem:$0x3FA7]  }
0x2b: {  	s6 =	sld [smem:$0x3FA8]  }
0x2c: {  	s7 =	sld [smem:$0x3FA9]  }
0x2d: {  	s3 =	simm.s32 $0x108;
	s8 =	sld [smem:$0x3FAA]  }
0x2e: {  	s3 =	simm.s32 @!p0 $0x1082;
	s9 =	sld [smem:$0x3FAB]  }
0x2f: {  	lr =	sadd.s32 s0, s3;
	s0 =	sld [smem:$0x3FA2]  }
0x30: {  	s3 =	sld [smem:$0x3FA5]  }
0x31: {  	[smem:$0x3FAE] =	sst s10  }
0x32: {  	s10 =	sld [smem:$0x3FAC];
	_ =	sdelay $0x3  }
0x33: {  	p0 =	seq.s32 s10, $0x1;
	s10 =	sld [smem:$0x3FAE];
	_ =	sdelay $0x3  }
0x34: {  	[smem:$0x3FAE] =	sst s10  }
0x35: {  	s10 =	sld [smem:$0x3FAD];
	_ =	sdelay $0x3  }
0x36: {  	p1 =	seq.s32 s10, $0x1;
	s10 =	sld [smem:$0x3FAE];
	_ =	sdelay $0x3  }
0x37: {  	[smem:$0x3FAE] =	sst s10  }
0x38: {  	s10 =	sld [smem:$0x3FAF]  }
0x39: {  	_ = 	snop;
	(pc) =	sbr.ind lr, $3  }
0x3a: {  	_ = 	snop  }
0x3b: {  	_ = 	snop  }
0x3c: {  	p2 =	seq.s32 s10, $0x1;
	s10 =	sld [smem:$0x3FAE]  }
0x3d: {  	_ =	shalt  }
0x3e: {  	_ =	shalt  }
0x3f: {  	_ =	shalt  }
0x40: {  	_ =	shalt  }
0x41: {  	_ =	shalt  }
0x42: {  	_ =	shalt  }
0x43: {  	_ =	shalt  }
0x44: {  	_ =	shalt  }
0x45: {  	_ =	shalt  }
0x46: {  	_ =	shalt  }
0x47: {  	_ =	shalt  }
0x48: {  	_ =	shalt  }
0x49: {  	_ =	shalt  }
0x4a: {  	_ =	shalt  }
0x4b: {  	_ =	shalt  }
0x4c: {  	_ =	shalt  }
0x4d: {  	_ =	shalt  }
0x4e: {  	_ =	shalt  }
0x4f: {  	_ =	shalt  }
0x50: {  	_ =	shalt  }
0x51: {  	_ =	shalt  }
0x52: {  	_ =	shalt  }
0x53: {  	_ =	shalt  }
0x54: {  	_ =	shalt  }
0x55: {  	_ =	shalt  }
0x56: {  	_ =	shalt  }
0x57: {  	_ =	shalt  }
0x58: {  	_ =	shalt  }
0x59: {  	_ =	shalt  }
0x5a: {  	_ =	shalt  }
0x5b: {  	_ =	shalt  }
0x5c: {  	_ =	shalt  }
0x5d: {  	_ =	shalt  }
0x5e: {  	_ =	shalt  }
0x5f: {  	_ =	shalt  }
0x60: {  	_ =	shalt  }
0x61: {  	_ =	shalt  }
0x62: {  	_ =	shalt  }
0x63: {  	_ =	shalt  }
0x64: {  	_ =	shalt  }
0x65: {  	_ =	shalt  }
0x66: {  	_ =	shalt  }
0x67: {  	_ =	shalt  }
0x68: {  	_ =	shalt  }
0x69: {  	_ =	shalt  }
0x6a: {  	_ =	shalt  }
0x6b: {  	_ =	shalt  }
0x6c: {  	_ =	shalt  }
0x6d: {  	_ =	shalt  }
0x6e: {  	_ =	shalt  }
0x6f: {  	_ =	shalt  }
0x70: {  	_ =	shalt  }
0x71: {  	_ =	shalt  }
0x72: {  	_ =	shalt  }
0x73: {  	_ =	shalt  }
0x74: {  	_ =	shalt  }
0x75: {  	_ =	shalt  }
0x76: {  	_ =	shalt  }
0x77: {  	_ =	shalt  }
0x78: {  	_ =	shalt  }
0x79: {  	_ =	shalt  }
0x7a: {  	_ =	shalt  }
0x7b: {  	_ =	shalt  }
0x7c: {  	_ =	shalt  }
0x7d: {  	_ =	shalt  }
0x7e: {  	_ =	shalt  }
0x7f: {  	_ =	shalt  }
0x80: {  	_ =	shalt  }
0x81: {  	_ =	shalt  }
0x82: {  	_ =	shalt  }
0x83: {  	_ =	shalt  }
0x84: {  	_ =	shalt  }
0x85: {  	_ =	shalt  }
0x86: {  	_ =	shalt  }
0x87: {  	_ =	shalt  }
.Lfunc_end0:
.L_simem_size_0:
called_computation_lowered:
.L_overlay_start_0:
0x88: {  	s2 =	sld [smem:$0x3FD9]  }
0x89: {  	s3 =	sld [smem:$0x3FFE];
	_ =	sdelay $0x1  }
0x8a: {  	s1 =	srdreg.scid  }
0x8b: {  	s0 =	sand.u32 $0x1, s1  }
0x8c: {  	s17 =	sshll.u32 s0, $0xA;
	s2 =	sadd.s32 s3, s2  }
0x8d: {  	s2 =	sadd.s32 s2, s17  }
0x8e: {  	[smem:$0x3FBA] =	sst s2  }
0x8f: {  	_ = 	snop  }
0x90: {  	(tm) =	ssettm $0x1  }
0x91: {  	s18 =	sld [smem:$0x3FFB];
	_ =	sdelay $0x3  }
0x92: {  	_ =	strace s18  }
0x93: {  	s2 =	sld [smem:$0x3FFC];
	_ =	sdelay $0x3  }
0x94: {  	_ =	strace s2  }
0x95: {  	s2 =	sld [smem:$0x3FFD];
	_ =	sdelay $0x3  }
0x96: {  	_ =	strace s2  }
0x97: {  	_ =	strace $0x8FFFFFFF  }
0x98: {  	s19 =	sld [smem:$0x3FDB];
	_ =	sdelay $0x1  }
0x99: {  	s20 =	simm.s32 $_scs_section_size  }
0x9a: {  	s4 =	simm.s32 $_size__tile_overlayer_lowered;
	s5 =	simm.s32 $_tile_overlayer_lowered  }
0x9b: {  	s6 =	simm.s32 $0x1BFF;
	s21 =	sshll.u32 s5, $0x1;
	s3 =	sadd.s32 s20, s19  }
0x9c: {  	s22 =	simm.s32 $0x0;
	s4 =	sshll.u32 s4, $0x1;
	s5 =	sadd.s32 s21, s3  }
0x9d: {  	[timem:s22], [sflag:s6] =	dma.local [hbm:s5], s4  }
0x9e: {  	_ =	swait.ge [sflag:s6], s4  }
0x9f: {  	s4 =	ssub.s32 $0x0, s4;
	[sflag:s6] =	ssyncset.done $0x0  }
0xa0: {  	[sflag:s6] =	ssyncadd.s32 s4;
	_ =	sdelay $0x1  }
0xa1: {  	s23 =	simm.s32 $0x1B8B  }
0xa2: {  	_ =	swait.ge [sflag:s23], $0x1  }
0xa3: {  	[sflag:s23] =	ssyncset.done $0x0  }
0xa4: {  	[sflag:s23] =	ssyncadd.s32 $0xFFFFFFFF  }
0xa5: {  	s4 =	sld [smem:$0x0]  }
0xa6: {  	s5 =	sand.u32 $0xFFFFFFFE, s1  }
0xa7: {  	p0 =	sne.s32 s1, s5  }
0xa8: {  	s5 =	sshll.u32 @p0 s5, $0xE  }
0xa9: {  	s5 =	sadd.s32 @p0 $0x11B8D, s5;
	s6 =	sshll.u32 @p0 s4, $0x11  }
0xaa: {  	s5 =	sor.u32 @p0 s6, s5  }
0xab: {  	[sflag:s5] =	ssyncadd.remote.s32 @p0 $0x1;
	_ =	sdelay $0x1  }
0xac: {  	s5 =	simm.s32 @p0 $0x1B8D  }
0xad: {  	_ =	swait.eq @p0 [sflag:s5], $0x1  }
0xae: {  	[sflag:s5] =	ssyncadd.s32 @p0 $0xFFFFFFFF  }
0xaf: {  	s6 =	sshll.u32 @!p0 s1, $0xE  }
0xb0: {  	s6 =	sor.u32 @!p0 $0x4000, s6;
	s5 =	simm.s32 @!p0 $0x1B8D  }
0xb1: {  	s4 =	sshll.u32 @!p0 s4, $0x11;
	s6 =	sadd.s32 @!p0 $0x11B8D, s6;
	_ =	swait.eq @!p0 [sflag:s5], $0x1  }
0xb2: {  	s4 =	sor.u32 @!p0 s4, s6;
	[sflag:s5] =	ssyncadd.s32 @!p0 $0xFFFFFFFF  }
0xb3: {  	s25 =	simm.s32 $0x1B8E;
	s24 =	sld [smem:$0x3FFE];
	[sflag:s4] =	ssyncadd.remote.s32 @!p0 $0x1  }
0xb4: {  	s26 =	simm.s32 $execute0_lowered;
	[smem:$0x3FD2] =	sst s25  }
0xb5: {  	s5 =	sshll.u32 s26, $0x1;
	_ =	strace $0x80000049;
	[dreg:$0x1] =	wrdreg $0xFFFFFFFF  }
0xb6: {  	s28 =	simm.s32 $_size_execute0_lowered;
	s3 =	sadd.s32 s3, s5;
	[dreg:$0x0] =	wrdreg $0x0  }
0xb7: {  	s5 =	sshll.u32 s28, $0x1;
	[dreg:$0x2] =	wrdreg s3  }
0xb8: {  	[dreg:$0x3] =	wrdreg s5  }
0xb9: {  	[dreg:$0x4] =	wrdreg $0xC0  }
0xba: {  	_ =	task [dreg:s22], $0x5FFFF  }
0xbb: {  	[dreg:$0x1] =	wrdreg $0xFFFFFFFF  }
0xbc: {  	[dreg:$0x0] =	wrdreg $0x60  }
0xbd: {  	[dreg:$0x2] =	wrdreg s24  }
0xbe: {  	[dreg:$0x3] =	wrdreg $0x0  }
0xbf: {  	[dreg:$0x4] =	wrdreg $0x9  }
0xc0: {  	_ =	task.clear_ibuf [dreg:s22], $0x5FFFF;
	_ =	strace $0x90000049  }
0xc1: {  	s29 =	simm.s32 $0x9;
	_ =	strace $0x8000004B  }
0xc2: {  	_ =	swait.ge [sflag:s29], $0x1  }
0xc3: {  	[sflag:s29] =	ssyncadd.s32 $0xFFFFFFFF  }
0xc4: {  	_ =	strace $0x9000004B  }
0xc5: {  	_ =	sfence  }
0xc6: {  	s30 =	sld [smem:$0x0];
	_ =	sdelay $0x2  }
0xc7: {  	s31 =	sshll.u32 s1, $0xD;
	s1 =	sshrl.u32 s1, $0x2  }
0xc8: {  	s4 =	sand.u32 $0x4000, s31;
	s1 =	sadd.s32 s1, s30  }
0xc9: {  	s0 =	sor.u32 s4, s0;
	s1 =	sshll.u32 s1, $0x11  }
0xca: {  	s0 =	sor.u32 s1, s0  }
0xcb: {  	s0 =	sadd.s32 $0x8F2B, s0  }
0xcc: {  	[sflag:s0] =	ssyncadd.remote.s32 $0x1  }
0xcd: {  	_ =	sfence.sel $0xFFFF  }
0xce: {  	[dreg:$0x0] =	wrdreg $0xFFFFFFFF;
	(pc) =	sbr.abs _section_cstart, $3  }
0xcf: {  	[dreg:$0x1] =	wrdreg $0xFFFFFFFF  }
0xd0: {  	_ =	task.clear_ibuf [dreg:s22], $0x2FFFF;
	_ =	strace $0x9FFFFFFF  }
0xd1: {  	(tm) =	ssettm $0x7FFFFFFF  }
tec
execute0_lowered:
.L_overlay_start_1:
0x0: {  	(tag) =	ssettag $0x1  }
0x1: {  	s1 =	srdreg.scid;
	s7 =	rddreg [dreg:$0x0]  }
0x2: {  	s0 =	stileid.u32;
	s2 =	rddreg [dreg:$0x1]  }
0x3: {  	s3 =	simm.s32 $0x0;
	s13 =	simm.s32 $0x15000;
	s14 =	simm.s32 $0x80  }
0x4: {  	s15 =	simm.s32 $0x0;
	s6 =	sand.u32 $0x1, s1;
	s8 =	smul.u32 $0x13C00, s0  }
0x5: {  	s30 =	sshll.u32 s0, $0x1;
	[smem:$0x7FF] =	sst s3;
	s10 =	smul.u32 $0x4F000, s0  }
0x6: {  	s11 =	sshll.u32 s0, $0x6;
	s1 =	sor.u32 s6, s30;
	s5 =	smul.u32 $0x13C000, s6  }
0x7: {  	s6 =	ssub.s32 $0x2, s6;
	s4 =	smul.u32 $0x280, s1;
	s1 =	rddreg [dreg:$0x2]  }
0x8: {  	_ =	strace $0x8000004A;
	s31 =	sshrl.u32 s6, $0x1;
	s10 =	sshrl.u32 s10, $0x2  }
0x9: {  	s5 =	sadd.s32 s8, s5;
	s12 =	ssub.s32 s6, s31;
	s10 =	sadd.s32 s10, s2  }
0xa: {  	s6 =	sor.u32 $0x1C01, s11;
	s11 =	simm.s32 $0x1;
	s9 =	sadd.s32 s4, s7  }
0xb: {  	s4 =	sadd.s32 $0x57400, s7;
	s8 =	sshrl.u32 s5, $0x3;
	s5 =	sadd.s32 $0xA8C00, s7  }
0xc: {  	s10 =	sshrl.u32 s10, $0x3;
	s8 =	sadd.s32 s8, s7;
	s7 =	sadd.s32 $0x3400, s9  }
0xd: {  	s9 =	smax.u32 s12, $0x1;
	s12 =	simm.s32 $0x13C00;
	s8 =	sadd.s32 $0xA9400, s8  }
.LBB2_1:
0xe: {  	[spmem:s10], [sflag:s6] =	dma.local [hbm:s4], $0x2780  }
0xf: {  	_ =	swait.ge [sflag:s11], $0x2780  }
0x10: {  	[sflag:s11] =	ssyncset.done $0x0  }
0x11: {  	[sflag:s11] =	ssyncadd.s32 $0xFFFFD880  }
0x12: {  	[tilespmem:s12], [sflag:$0x1] =	stream.linear.gather [hbm4b:s7+s3], $0x1400, $0x38;
	[tilespmem:$0x19000] =	vst v63  }
0x13: {  	_ =	swait.ge [sflag:s11], $0x1400  }
0x14: {  	[sflag:s11] =	ssyncset.done $0x0  }
0x15: {  	[sflag:s11] =	ssyncadd.s32 $0xFFFFEC00  }
0x16: {  	[tilespmem:s13], [sflag:$0x1] =	stream.linear.gather [hbm4b:s5+s3], $0x4000, $0x38;
	[tilespmem:$0x19000] =	vst v63  }
0x17: {  	_ =	swait.ge [sflag:s11], $0x4000  }
0x18: {  	[sflag:s11] =	ssyncset.done $0x0  }
0x19: {  	[sflag:s11] =	ssyncadd.s32 $0xFFFFC000  }
0x1a: {  	s16 =	simm.s32 $0x13C00;
	[bflag:$0x0] =	sbarrier.arrive $0xFFFF  }
0x1b: {  	[spmem:s2] =	stream.indirect.scatter.add.f32 [tilespmem:s13], [sflag:$0x1], $0x80, s16, s14, $0xb8;
	[tilespmem:$0x19000] =	vst v63  }
0x1c: {  	s16 =	simm.s32 $0x200;
	_ =	swait.ge [sflag:s11], $0x4000  }
.LBB2_2:
0x1d: {  	s17 =	sshra.s32 s16, $0x2;
	[sflag:s11] =	ssyncset.done $0x0;
	p0 =	sne.s32 s16, $0x4E00  }
.Ltmp0:
0x1e: {  	s17 =	sadd.s32 $0x13C00, s17;
	[sflag:s11] =	ssyncadd.s32 $0xFFFFC000;
	(pc) =	sbr.rel @p0 .LBB2_2-.Ltmp0, $3  }
0x1f: {  	[spmem:s2] =	stream.indirect.scatter.add.f32 [tilespmem:s13], [sflag:$0x1], $0x80, s17, s14, $0xb8;
	[tilespmem:$0x19000] =	vst v63  }
0x20: {  	s16 =	sadd.s32 $0x200, s16;
	_ =	sdelay $0x1  }
0x21: {  	_ =	swait.ge [sflag:s11], $0x4000  }
0x22: {  	[sflag:s11] =	ssyncset.done $0x0;
	s15 =	sadd.s32 $0x1, s15  }
0x23: {  	[sflag:s11] =	ssyncadd.s32 $0xFFFFC000;
	p0 =	sne.s32 s15, s9  }
.Ltmp1:
0x24: {  	[bflag:$0x0] =	sbarrier.arrive $0xFFFF;
	(pc) =	sbr.rel @p0 .LBB2_1-.Ltmp1, $4  }
0x25: {  	[hbm:s8], [sflag:s6] =	dma.local [spmem:s10], $0x2780  }
0x26: {  	_ =	swait.ge [sflag:s11], $0x2780  }
0x27: {  	[sflag:s11] =	ssyncset.done $0x0  }
0x28: {  	[sflag:s11] =	ssyncadd.s32 $0xFFFFD880  }
0x29: {  	_ =	sfence.sel $0x180000  }
0x2a: {  	[bflag:$0x0] =	sbarrier.arrive $0xFFFF  }
0x2b: {  	p0 =	sne.s32 s0, $0x0;
	_ =	strace $0x9000004A  }
0x2c: {  	s0 =	sadd.s32 @!p0 $0x100000, s1;
	[bflag:$0x2] =	sbarrier.arrive $0xFFFF  }
0x2d: {  	[sflag:s0] =	ssyncadd.tile.s32 @!p0 $0x1;
	_ =	shalt  }
.Lfunc_end2:
_tile_overlayer_lowered:
.L_overlay_start_2:
0x2e: {  	(tag) =	ssettag $0x2  }
0x2f: {  	s0 =	rddreg [dreg:$0x0];
	s2 =	stileid.u32  }
0x30: {  	s1 =	rddreg [dreg:$0x1];
	p0 =	sne.s32 s2, $0x0  }
0x31: {  	s3 =	rddreg [dreg:$0x2];
	[bflag:$0x3] =	sbarrier.arrive $0xFFFF;
	s2 =	simm.s32 @!p0 $0x1C01  }
0x32: {  	[timem:s3], [sflag:s2] =	dma.local @!p0 [hbm:s0], s1  }
0x33: {  	s0 =	simm.s32 @!p0 $0x1  }
0x34: {  	_ =	swait.ge @!p0 [sflag:s0], s1  }
0x35: {  	s1 =	ssub.s32 @!p0 $0x0, s1;
	[sflag:s0] =	ssyncset.done @!p0 $0x0  }
0x36: {  	[sflag:s0] =	ssyncadd.s32 @!p0 s1  }
0x37: {  	[bflag:$0x3] =	sbarrier.arrive $0xFFFF  }
0x38: {  	_ =	shalt  }

// kernel: kernel.14.cloned.1.call-start
scs
__scs_entry_jumppad:
0x0: {  	(pc) =	sbr.rel $0x88, $3  }
0x1: {  	(tag) =	ssettag $0x0;
	lr =	simm.s32 $0x1  }
0x2: {  	[smem:$0x3F93] =	sst lr;
	_ =	strace $0xD0000000  }
0x3: {  	_ = 	snop  }
0x4: {  	_ = 	snop  }
0x5: {  	_ = 	snop  }
0x6: {  	_ = 	snop  }
0x7: {  	_ = 	snop  }
__scs_overlays_trampoline_lowered:
0x8: {  	[smem:$0x3FA2] =	sst s0  }
0x9: {  	[smem:$0x3FA3] =	sst s1  }
0xa: {  	[smem:$0x3FA4] =	sst s2  }
0xb: {  	[smem:$0x3FA5] =	sst s3  }
0xc: {  	[smem:$0x3FA6] =	sst s4  }
0xd: {  	[smem:$0x3FA7] =	sst s5  }
0xe: {  	[smem:$0x3FA8] =	sst s6  }
0xf: {  	[smem:$0x3FA9] =	sst s7  }
0x10: {  	[smem:$0x3FAA] =	sst s8  }
0x11: {  	[smem:$0x3FAB] =	sst s9;
	s0 =	simm.s32 @!p0 $0x0  }
0x12: {  	s1 =	sld [smem:$0x3F91];
	s0 =	simm.s32 @p0 $0x1  }
0x13: {  	[smem:$0x3FAC] =	sst s0;
	s0 =	simm.s32 @!p1 $0x0  }
0x14: {  	s2 =	sld [smem:$0x3F90];
	s0 =	simm.s32 @p1 $0x1  }
0x15: {  	[smem:$0x3FAD] =	sst s0;
	s0 =	simm.s32 @!p2 $0x0  }
0x16: {  	s3 =	sld [smem:$0x3FDB];
	s0 =	simm.s32 @p2 $0x1  }
0x17: {  	s4 =	simm.s32 $0x1BF5;
	[smem:$0x3FAF] =	sst s0  }
0x18: {  	s0 =	sld [smem:$0x3F92];
	_ =	swait.ge [sflag:s4], $0x0  }
0x19: {  	s7 =	sld [smem:$0x3F93]  }
0x1a: {  	s8 =	sadd.s32 $0xFFFFE003, lr  }
0x1b: {  	s9 =	sadd.s32 $0xFFFFFEF7, lr;
	s5 =	simm.s32 $0xFFFFFFFF;
	p2 =	slt.u32 s8, $0xFFFFF086  }
0x1c: {  	p1 =	slt.u32 s9, $0xF7A;
	s5 =	simm.s32 @!p2 $0x0  }
0x1d: {  	s5 =	simm.s32 @p1 $0x1;
	p0 =	seq.s32 s7, s2  }
0x1e: {  	s7 =	smul.u32 @!p0 $0xF7A, s2;
	p2 =	seq.s32 @!p0 s5, $0x0  }
0x1f: {  	s9 =	smul.u32 $0xF7A, s1;
	s8 =	simm.s32 @!p0 $0x1BF5;
	p2 =	por !p2, p0  }
0x20: {  	[sflag:s8] =	ssyncset.s32 @!p0 $0xFFFFF086;
	s6 =	sadd.s32 @!p0 s3, s7;
	s7 =	simm.s32 @!p0 $0x108  }
0x21: {  	s3 =	sadd.s32 s3, s9;
	s6 =	sadd.s32 @!p0 $0x88, s6;
	s7 =	simm.s32 @p2 $0x1082  }
0x22: {  	[simem:s7], [sflag:s8] =	dma.local @!p0 [hbm:s6], $0xF7A  }
0x23: {  	s9 =	sor.u32 $0xD0000000, s2;
	s6 =	simm.s32 $0x108;
	_ =	swait.ge @!p0 [sflag:s8], $0x0  }
0x24: {  	s3 =	sadd.s32 $0x88, s3;
	s6 =	simm.s32 @!p1 $0x1082;
	[sflag:s4] =	ssyncset.s32 $0xFFFFF086  }
0x25: {  	[simem:s6], [sflag:s4] =	dma.local [hbm:s3], $0xF7A  }
0x26: {  	[smem:$0x3F93] =	sst s1;
	(tag) =	ssettag s2;
	_ =	strace s9  }
0x27: {  	s1 =	sld [smem:$0x3FA3]  }
0x28: {  	s2 =	sld [smem:$0x3FA4]  }
0x29: {  	s4 =	sld [smem:$0x3FA6]  }
0x2a: {  	p0 =	seq.s32 s5, $0x0;
	s5 =	sld [smem:$0x3FA7]  }
0x2b: {  	s6 =	sld [smem:$0x3FA8]  }
0x2c: {  	s7 =	sld [smem:$0x3FA9]  }
0x2d: {  	s3 =	simm.s32 $0x108;
	s8 =	sld [smem:$0x3FAA]  }
0x2e: {  	s3 =	simm.s32 @!p0 $0x1082;
	s9 =	sld [smem:$0x3FAB]  }
0x2f: {  	lr =	sadd.s32 s0, s3;
	s0 =	sld [smem:$0x3FA2]  }
0x30: {  	s3 =	sld [smem:$0x3FA5]  }
0x31: {  	[smem:$0x3FAE] =	sst s10  }
0x32: {  	s10 =	sld [smem:$0x3FAC];
	_ =	sdelay $0x3  }
0x33: {  	p0 =	seq.s32 s10, $0x1;
	s10 =	sld [smem:$0x3FAE];
	_ =	sdelay $0x3  }
0x34: {  	[smem:$0x3FAE] =	sst s10  }
0x35: {  	s10 =	sld [smem:$0x3FAD];
	_ =	sdelay $0x3  }
0x36: {  	p1 =	seq.s32 s10, $0x1;
	s10 =	sld [smem:$0x3FAE];
	_ =	sdelay $0x3  }
0x37: {  	[smem:$0x3FAE] =	sst s10  }
0x38: {  	s10 =	sld [smem:$0x3FAF]  }
0x39: {  	_ = 	snop;
	(pc) =	sbr.ind lr, $3  }
0x3a: {  	_ = 	snop  }
0x3b: {  	_ = 	snop  }
0x3c: {  	p2 =	seq.s32 s10, $0x1;
	s10 =	sld [smem:$0x3FAE]  }
0x3d: {  	_ =	shalt  }
0x3e: {  	_ =	shalt  }
0x3f: {  	_ =	shalt  }
0x40: {  	_ =	shalt  }
0x41: {  	_ =	shalt  }
0x42: {  	_ =	shalt  }
0x43: {  	_ =	shalt  }
0x44: {  	_ =	shalt  }
0x45: {  	_ =	shalt  }
0x46: {  	_ =	shalt  }
0x47: {  	_ =	shalt  }
0x48: {  	_ =	shalt  }
0x49: {  	_ =	shalt  }
0x4a: {  	_ =	shalt  }
0x4b: {  	_ =	shalt  }
0x4c: {  	_ =	shalt  }
0x4d: {  	_ =	shalt  }
0x4e: {  	_ =	shalt  }
0x4f: {  	_ =	shalt  }
0x50: {  	_ =	shalt  }
0x51: {  	_ =	shalt  }
0x52: {  	_ =	shalt  }
0x53: {  	_ =	shalt  }
0x54: {  	_ =	shalt  }
0x55: {  	_ =	shalt  }
0x56: {  	_ =	shalt  }
0x57: {  	_ =	shalt  }
0x58: {  	_ =	shalt  }
0x59: {  	_ =	shalt  }
0x5a: {  	_ =	shalt  }
0x5b: {  	_ =	shalt  }
0x5c: {  	_ =	shalt  }
0x5d: {  	_ =	shalt  }
0x5e: {  	_ =	shalt  }
0x5f: {  	_ =	shalt  }
0x60: {  	_ =	shalt  }
0x61: {  	_ =	shalt  }
0x62: {  	_ =	shalt  }
0x63: {  	_ =	shalt  }
0x64: {  	_ =	shalt  }
0x65: {  	_ =	shalt  }
0x66: {  	_ =	shalt  }
0x67: {  	_ =	shalt  }
0x68: {  	_ =	shalt  }
0x69: {  	_ =	shalt  }
0x6a: {  	_ =	shalt  }
0x6b: {  	_ =	shalt  }
0x6c: {  	_ =	shalt  }
0x6d: {  	_ =	shalt  }
0x6e: {  	_ =	shalt  }
0x6f: {  	_ =	shalt  }
0x70: {  	_ =	shalt  }
0x71: {  	_ =	shalt  }
0x72: {  	_ =	shalt  }
0x73: {  	_ =	shalt  }
0x74: {  	_ =	shalt  }
0x75: {  	_ =	shalt  }
0x76: {  	_ =	shalt  }
0x77: {  	_ =	shalt  }
0x78: {  	_ =	shalt  }
0x79: {  	_ =	shalt  }
0x7a: {  	_ =	shalt  }
0x7b: {  	_ =	shalt  }
0x7c: {  	_ =	shalt  }
0x7d: {  	_ =	shalt  }
0x7e: {  	_ =	shalt  }
0x7f: {  	_ =	shalt  }
0x80: {  	_ =	shalt  }
0x81: {  	_ =	shalt  }
0x82: {  	_ =	shalt  }
0x83: {  	_ =	shalt  }
0x84: {  	_ =	shalt  }
0x85: {  	_ =	shalt  }
0x86: {  	_ =	shalt  }
0x87: {  	_ =	shalt  }
.Lfunc_end0:
.L_simem_size_0:
called_computation.1_lowered:
.L_overlay_start_0:
0x88: {  	s2 =	sld [smem:$0x3FD9]  }
0x89: {  	s3 =	sld [smem:$0x3FFE];
	_ =	sdelay $0x1  }
0x8a: {  	s1 =	srdreg.scid  }
0x8b: {  	s0 =	sand.u32 $0x1, s1  }
0x8c: {  	s17 =	sshll.u32 s0, $0xA;
	s2 =	sadd.s32 s3, s2  }
0x8d: {  	s2 =	sadd.s32 s2, s17  }
0x8e: {  	[smem:$0x3FBA] =	sst s2  }
0x8f: {  	_ = 	snop  }
0x90: {  	s2 =	sld [smem:$0x3FD0];
	(tm) =	ssettm $0x1  }
0x91: {  	s18 =	sld [smem:$0x3FFB];
	_ =	sdelay $0x3  }
0x92: {  	_ =	strace s18  }
0x93: {  	s3 =	sld [smem:$0x3FFC];
	_ =	sdelay $0x3  }
0x94: {  	_ =	strace s3  }
0x95: {  	s3 =	sld [smem:$0x3FFD];
	_ =	sdelay $0x3  }
0x96: {  	_ =	strace s3  }
0x97: {  	_ =	strace $0x8FFFFFFF  }
0x98: {  	s19 =	sld [smem:$0x3FDB];
	_ =	sdelay $0x1  }
0x99: {  	s4 =	simm.s32 $_scs_section_size  }
0x9a: {  	s5 =	simm.s32 $_size__tile_overlayer_lowered;
	s6 =	simm.s32 $_tile_overlayer_lowered  }
0x9b: {  	s22 =	simm.s32 $0x1BFF;
	s21 =	sshll.u32 s6, $0x1;
	s3 =	sadd.s32 s4, s19  }
0x9c: {  	s7 =	simm.s32 $0x0;
	s20 =	sshll.u32 s5, $0x1;
	s5 =	sadd.s32 s21, s3  }
0x9d: {  	[timem:s7], [sflag:s22] =	dma.local [hbm:s5], s20  }
0x9e: {  	_ =	swait.ge [sflag:s22], s20  }
0x9f: {  	s4 =	ssub.s32 $0x0, s20;
	[sflag:s22] =	ssyncset.done $0x0  }
0xa0: {  	[sflag:s22] =	ssyncadd.s32 s4;
	_ =	sdelay $0x1  }
0xa1: {  	s23 =	simm.s32 $0x1B8B  }
0xa2: {  	_ =	swait.ge [sflag:s23], $0x1  }
0xa3: {  	[sflag:s23] =	ssyncset.done $0x0  }
0xa4: {  	s25 =	simm.s32 $0x1B8E;
	s24 =	sld [smem:$0x3FFE];
	[sflag:s23] =	ssyncadd.s32 $0xFFFFFFFF  }
0xa5: {  	s26 =	simm.s32 $execute0_lowered;
	[smem:$0x3FD2] =	sst s25  }
0xa6: {  	s5 =	sshll.u32 s26, $0x1;
	_ =	strace $0x80000046;
	[dreg:$0x1] =	wrdreg $0xFFFFFFFF  }
0xa7: {  	s28 =	simm.s32 $_size_execute0_lowered;
	s3 =	sadd.s32 s3, s5;
	[dreg:$0x0] =	wrdreg $0x0  }
0xa8: {  	s5 =	sshll.u32 s28, $0x1;
	[dreg:$0x2] =	wrdreg s3  }
0xa9: {  	[dreg:$0x3] =	wrdreg s5  }
0xaa: {  	[dreg:$0x4] =	wrdreg $0xC0  }
0xab: {  	_ =	task [dreg:s7], $0x5FFFF  }
0xac: {  	[dreg:$0x1] =	wrdreg $0xFFFFFFFF  }
0xad: {  	[dreg:$0x0] =	wrdreg $0x60  }
0xae: {  	[dreg:$0x2] =	wrdreg s24  }
0xaf: {  	[dreg:$0x3] =	wrdreg s2  }
0xb0: {  	[dreg:$0x4] =	wrdreg $0x0  }
0xb1: {  	[dreg:$0x5] =	wrdreg $0xA  }
0xb2: {  	_ =	task.clear_ibuf [dreg:s7], $0x6FFFF;
	_ =	strace $0x90000046  }
0xb3: {  	s29 =	simm.s32 $0xA;
	_ =	strace $0x80000048  }
0xb4: {  	_ =	swait.ge [sflag:s29], $0x1  }
0xb5: {  	[sflag:s29] =	ssyncadd.s32 $0xFFFFFFFF  }
0xb6: {  	_ =	strace $0x90000048  }
0xb7: {  	_ =	sfence  }
0xb8: {  	s30 =	sld [smem:$0x0];
	_ =	sdelay $0x2  }
0xb9: {  	s31 =	sshll.u32 s1, $0xD;
	s1 =	sshrl.u32 s1, $0x2  }
0xba: {  	s3 =	sand.u32 $0x4000, s31;
	s1 =	sadd.s32 s1, s30  }
0xbb: {  	s0 =	sor.u32 s3, s0;
	s1 =	sshll.u32 s1, $0x11  }
0xbc: {  	s0 =	sor.u32 s1, s0  }
0xbd: {  	s0 =	sadd.s32 $0x8F2B, s0  }
0xbe: {  	[sflag:s0] =	ssyncadd.remote.s32 $0x1  }
0xbf: {  	_ =	sfence.sel $0xFFFF  }
0xc0: {  	[dreg:$0x0] =	wrdreg $0xFFFFFFFF;
	(pc) =	sbr.abs _section_cstart, $3  }
0xc1: {  	[dreg:$0x1] =	wrdreg $0xFFFFFFFF  }
0xc2: {  	_ =	task.clear_ibuf [dreg:s7], $0x2FFFF;
	_ =	strace $0x9FFFFFFF  }
0xc3: {  	(tm) =	ssettm $0x7FFFFFFF  }
tec
execute0_lowered:
.L_overlay_start_1:
0x0: {  	(tag) =	ssettag $0x1  }
0x1: {  	s6 =	rddreg [dreg:$0x0]  }
0x2: {  	s7 =	rddreg [dreg:$0x1]  }
0x3: {  	s2 =	rddreg [dreg:$0x2]  }
0x4: {  	s0 =	rddreg [dreg:$0x3];
	s1 =	stileid.u32  }
0x5: {  	s4 =	srdreg.scid;
	s3 =	simm.s32 $0x0;
	s16 =	simm.s32 $0x15000  }
0x6: {  	s17 =	simm.s32 $0x80;
	s18 =	simm.s32 $0x16400;
	s19 =	simm.s32 $0x1A400  }
0x7: {  	s20 =	simm.s32 $0x1;
	s21 =	simm.s32 $0x2;
	s22 =	simm.s32 $0x14F80  }
0x8: {  	s23 =	simm.s32 $0x16300;
	s24 =	simm.s32 $0x16380;
	s8 =	smul.u32 $0x2800, s1  }
0x9: {  	s25 =	simm.s32 $0x0;
	s9 =	sand.u32 $0x1, s4;
	s11 =	smul.u32 $0x13C00, s1  }
0xa: {  	[smem:$0x7FF] =	sst s3;
	s4 =	sadd.s32 $0x8400, s6;
	s14 =	smul.u32 $0x4F000, s1  }
0xb: {  	s30 =	sshll.u32 s1, $0x6;
	s10 =	smul.u32 $0x13C000, s9;
	_ =	strace $0x80000047  }
0xc: {  	s26 =	ssub.s32 $0x2, s9;
	s9 =	smul.u32 $0x28000, s9;
	s5 =	sshrl.u32 s8, $0x3  }
0xd: {  	s13 =	sshrl.u32 s26, $0x1;
	s29 =	sshrl.u32 s14, $0x2;
	s12 =	sadd.s32 s5, s6  }
0xe: {  	s5 =	sadd.s32 $0x57400, s6;
	s10 =	sadd.s32 s11, s10;
	s13 =	ssub.s32 s26, s13  }
0xf: {  	s28 =	sadd.s32 s8, s9;
	s14 =	sadd.s32 s29, s2;
	s10 =	sshrl.u32 s10, $0x3  }
0x10: {  	s31 =	sshrl.u32 s28, $0x3;
	s8 =	sadd.s32 $0x3400, s12;
	s15 =	sadd.s32 s10, s6  }
0x11: {  	s6 =	sor.u32 $0x1C03, s30;
	s7 =	sadd.s32 s7, s31;
	s10 =	sadd.s32 $0x3680, s12  }
0x12: {  	s12 =	smax.u32 s13, $0x1;
	s13 =	sshrl.u32 s14, $0x3;
	s14 =	simm.s32 $0x3  }
0x13: {  	s9 =	sadd.s32 $0x280, s7;
	s11 =	sadd.s32 $0x59C00, s15;
	s15 =	simm.s32 $0x13C00  }
.LBB2_1:
0x14: {  	[spmem:s13], [sflag:s6] =	dma.local [hbm:s5], $0x2780  }
0x15: {  	_ =	swait.ge [sflag:s14], $0x2780  }
0x16: {  	[sflag:s14] =	ssyncset.done $0x0  }
0x17: {  	[sflag:s14] =	ssyncadd.s32 $0xFFFFD880  }
0x18: {  	[bflag:$0x0] =	sbarrier.arrive $0xFFFF  }
0x19: {  	[tilespmem:s15], [sflag:$0x3] =	stream.linear.gather [hbm4b:s7+s3], $0x1400, $0x38;
	[tilespmem:$0x1E400] =	vst v63  }
0x1a: {  	_ =	swait.ge [sflag:s14], $0x1400  }
0x1b: {  	[sflag:s14] =	ssyncset.done $0x0  }
0x1c: {  	[sflag:s14] =	ssyncadd.s32 $0xFFFFEC00  }
0x1d: {  	[tilespmem:s16], [sflag:$0x3] =	stream.linear.gather [hbm4b:s8+s3], $0x1400, $0x38;
	[tilespmem:$0x1E400] =	vst v63  }
0x1e: {  	_ =	swait.ge [sflag:s14], $0x1400  }
0x1f: {  	[sflag:s14] =	ssyncset.done $0x0  }
0x20: {  	[sflag:s14] =	ssyncadd.s32 $0xFFFFEC00  }
0x21: {  	[tilespmem:s18], [sflag:$0x1] =	stream.indirect.gather [hbm4b:s4+s17], $0x80, s15, s17, $0xb8;
	[tilespmem:$0x1E400] =	vst v63  }
0x22: {  	s26 =	simm.s32 $0x13C80  }
0x23: {  	[tilespmem:s19], [sflag:$0x2] =	stream.indirect.gather [hbm4b:s4+s17], $0x80, s26, s17, $0xb8;
	[tilespmem:$0x1E400] =	vst v63  }
0x24: {  	_ =	swait.ge [sflag:s20], $0x4000  }
0x25: {  	[sflag:s20] =	ssyncset.done $0x0  }
0x26: {  	s29 =	simm.s32 $0x15000;
	[sflag:s20] =	ssyncadd.s32 $0xFFFFC000  }
0x27: {  	[spmem:s2] =	stream.indirect.scatter.add.f32 [tilespmem:s18], [sflag:$0x3], $0x80, s29, s17, $0xb8;
	[tilespmem:$0x1E400] =	vst v63  }
0x28: {  	_ =	swait.ge [sflag:s14], $0x4000  }
0x29: {  	[sflag:s14] =	ssyncset.done $0x0  }
0x2a: {  	s30 =	simm.s32 $0x13D00;
	[sflag:s14] =	ssyncadd.s32 $0xFFFFC000  }
0x2b: {  	[tilespmem:s18], [sflag:$0x1] =	stream.indirect.gather [hbm4b:s4+s17], $0x80, s30, s17, $0xb8;
	[tilespmem:$0x1E400] =	vst v63  }
0x2c: {  	_ =	swait.ge [sflag:s21], $0x4000  }
0x2d: {  	[sflag:s21] =	ssyncset.done $0x0  }
0x2e: {  	s31 =	simm.s32 $0x15080;
	[sflag:s21] =	ssyncadd.s32 $0xFFFFC000  }
0x2f: {  	[spmem:s2] =	stream.indirect.scatter.add.f32 [tilespmem:s19], [sflag:$0x3], $0x80, s31, s17, $0xb8;
	[tilespmem:$0x1E400] =	vst v63  }
0x30: {  	_ =	swait.ge [sflag:s14], $0x4000  }
0x31: {  	s28 =	simm.s32 $0x800;
	s26 =	simm.s32 $0x100;
	[sflag:s14] =	ssyncset.done $0x0  }
.LBB2_2:
0x32: {  	s29 =	sadd.s32 $0x13C80, s26  }
0x33: {  	[sflag:s14] =	ssyncadd.s32 $0xFFFFC000;
	s30 =	smov.u32 s28;
	s31 =	sadd.s32 $0x400, s28  }
0x34: {  	[tilespmem:s19], [sflag:$0x2] =	stream.indirect.gather [hbm4b:s4+s17], $0x80, s29, s17, $0xb8;
	[tilespmem:$0x1E400] =	vst v63  }
0x35: {  	p0 =	sne.s32 s28, $0x4800;
	_ =	swait.ge [sflag:s20], $0x4000  }
0x36: {  	[sflag:s20] =	ssyncset.done $0x0  }
0x37: {  	s28 =	sadd.s32 $0x15000, s26;
	[sflag:s20] =	ssyncadd.s32 $0xFFFFC000  }
0x38: {  	[spmem:s2] =	stream.indirect.scatter.add.f32 [tilespmem:s18], [sflag:$0x3], $0x80, s28, s17, $0xb8;
	[tilespmem:$0x1E400] =	vst v63  }
0x39: {  	_ =	swait.ge [sflag:s14], $0x4000  }
0x3a: {  	[sflag:s14] =	ssyncset.done $0x0  }
0x3b: {  	s28 =	sadd.s32 $0x13D00, s26;
	[sflag:s14] =	ssyncadd.s32 $0xFFFFC000  }
0x3c: {  	[tilespmem:s18], [sflag:$0x1] =	stream.indirect.gather [hbm4b:s4+s17], $0x80, s28, s17, $0xb8;
	[tilespmem:$0x1E400] =	vst v63  }
0x3d: {  	_ =	swait.ge [sflag:s21], $0x4000  }
.Ltmp0:
0x3e: {  	[sflag:s21] =	ssyncset.done $0x0;
	(pc) =	sbr.rel @p0 .LBB2_2-.Ltmp0, $4  }
0x3f: {  	s26 =	sadd.s32 $0x15080, s26;
	[sflag:s21] =	ssyncadd.s32 $0xFFFFC000  }
0x40: {  	[spmem:s2] =	stream.indirect.scatter.add.f32 [tilespmem:s19], [sflag:$0x3], $0x80, s26, s17, $0xb8;
	[tilespmem:$0x1E400] =	vst v63  }
0x41: {  	_ =	swait.ge [sflag:s14], $0x4000  }
0x42: {  	s28 =	smov.u32 s31;
	s26 =	sshra.s32 s30, $0x2;
	[sflag:s14] =	ssyncset.done $0x0  }
0x43: {  	s28 =	sadd.s32 $0x13C80, s26;
	[sflag:s14] =	ssyncadd.s32 $0xFFFFC000  }
0x44: {  	[tilespmem:s19], [sflag:$0x2] =	stream.indirect.gather [hbm4b:s4+s17], $0x80, s28, s17, $0xb8;
	[tilespmem:$0x1E400] =	vst v63  }
0x45: {  	_ =	swait.ge [sflag:s20], $0x4000  }
0x46: {  	[sflag:s20] =	ssyncset.done $0x0  }
0x47: {  	s28 =	sadd.s32 $0x15000, s26;
	[sflag:s20] =	ssyncadd.s32 $0xFFFFC000  }
0x48: {  	[spmem:s2] =	stream.indirect.scatter.add.f32 [tilespmem:s18], [sflag:$0x3], $0x80, s28, s17, $0xb8;
	[tilespmem:$0x1E400] =	vst v63  }
0x49: {  	_ =	swait.ge [sflag:s14], $0x4000  }
0x4a: {  	[sflag:s14] =	ssyncset.done $0x0  }
0x4b: {  	s28 =	sadd.s32 $0x13D00, s26;
	[sflag:s14] =	ssyncadd.s32 $0xFFFFC000  }
0x4c: {  	[tilespmem:s18], [sflag:$0x1] =	stream.indirect.gather [hbm4b:s4+s17], $0x80, s28, s17, $0xb8;
	[tilespmem:$0x1E400] =	vst v63  }
0x4d: {  	_ =	swait.ge [sflag:s21], $0x4000  }
0x4e: {  	[sflag:s21] =	ssyncset.done $0x0  }
0x4f: {  	s29 =	sadd.s32 $0x15080, s26;
	[sflag:s21] =	ssyncadd.s32 $0xFFFFC000  }
0x50: {  	[spmem:s2] =	stream.indirect.scatter.add.f32 [tilespmem:s19], [sflag:$0x3], $0x80, s29, s17, $0xb8;
	[tilespmem:$0x1E400] =	vst v63  }
0x51: {  	_ =	swait.ge [sflag:s14], $0x4000  }
0x52: {  	[sflag:s14] =	ssyncset.done $0x0  }
0x53: {  	[sflag:s14] =	ssyncadd.s32 $0xFFFFC000  }
0x54: {  	[tilespmem:s19], [sflag:$0x2] =	stream.indirect.gather [hbm4b:s4+s17], $0x80, s22, s17, $0xb8;
	[tilespmem:$0x1E400] =	vst v63  }
0x55: {  	_ =	swait.ge [sflag:s20], $0x4000  }
0x56: {  	[sflag:s20] =	ssyncset.done $0x0  }
0x57: {  	[sflag:s20] =	ssyncadd.s32 $0xFFFFC000  }
0x58: {  	[spmem:s2] =	stream.indirect.scatter.add.f32 [tilespmem:s18], [sflag:$0x3], $0x80, s23, s17, $0xb8;
	[tilespmem:$0x1E400] =	vst v63  }
0x59: {  	_ =	swait.ge [sflag:s14], $0x4000  }
0x5a: {  	[sflag:s14] =	ssyncset.done $0x0  }
0x5b: {  	[sflag:s14] =	ssyncadd.s32 $0xFFFFC000  }
0x5c: {  	_ =	swait.ge [sflag:s21], $0x4000  }
0x5d: {  	[sflag:s21] =	ssyncset.done $0x0  }
0x5e: {  	[sflag:s21] =	ssyncadd.s32 $0xFFFFC000  }
0x5f: {  	[spmem:s2] =	stream.indirect.scatter.add.f32 [tilespmem:s19], [sflag:$0x3], $0x80, s24, s17, $0xb8;
	[tilespmem:$0x1E400] =	vst v63  }
0x60: {  	_ =	swait.ge [sflag:s14], $0x4000  }
0x61: {  	[sflag:s14] =	ssyncset.done $0x0  }
0x62: {  	s30 =	simm.s32 $0x0;
	[sflag:s14] =	ssyncadd.s32 $0xFFFFC000  }
0x63: {  	[tilespmem:s15], [sflag:$0x3] =	stream.linear.gather [hbm4b:s9+s30], $0x1400, $0x38;
	[tilespmem:$0x1E400] =	vst v63  }
0x64: {  	_ =	swait.ge [sflag:s14], $0x1400  }
0x65: {  	[sflag:s14] =	ssyncset.done $0x0  }
0x66: {  	[sflag:s14] =	ssyncadd.s32 $0xFFFFEC00  }
0x67: {  	[tilespmem:s16], [sflag:$0x3] =	stream.linear.gather [hbm4b:s10+s30], $0x1400, $0x38;
	[tilespmem:$0x1E400] =	vst v63  }
0x68: {  	_ =	swait.ge [sflag:s14], $0x1400  }
0x69: {  	[sflag:s14] =	ssyncset.done $0x0  }
0x6a: {  	[sflag:s14] =	ssyncadd.s32 $0xFFFFEC00  }
0x6b: {  	[tilespmem:s18], [sflag:$0x1] =	stream.indirect.gather [hbm4b:s4+s17], $0x80, s15, s17, $0xb8;
	[tilespmem:$0x1E400] =	vst v63  }
0x6c: {  	s31 =	simm.s32 $0x13C80  }
0x6d: {  	[tilespmem:s19], [sflag:$0x2] =	stream.indirect.gather [hbm4b:s4+s17], $0x80, s31, s17, $0xb8;
	[tilespmem:$0x1E400] =	vst v63  }
0x6e: {  	_ =	swait.ge [sflag:s20], $0x4000  }
0x6f: {  	[sflag:s20] =	ssyncset.done $0x0  }
0x70: {  	s29 =	simm.s32 $0x15000;
	[sflag:s20] =	ssyncadd.s32 $0xFFFFC000  }
0x71: {  	[spmem:s2] =	stream.indirect.scatter.add.f32 [tilespmem:s18], [sflag:$0x3], $0x80, s29, s17, $0xb8;
	[tilespmem:$0x1E400] =	vst v63  }
0x72: {  	_ =	swait.ge [sflag:s14], $0x4000  }
0x73: {  	[sflag:s14] =	ssyncset.done $0x0  }
0x74: {  	s30 =	simm.s32 $0x13D00;
	[sflag:s14] =	ssyncadd.s32 $0xFFFFC000  }
0x75: {  	[tilespmem:s18], [sflag:$0x1] =	stream.indirect.gather [hbm4b:s4+s17], $0x80, s30, s17, $0xb8;
	[tilespmem:$0x1E400] =	vst v63  }
0x76: {  	_ =	swait.ge [sflag:s21], $0x4000  }
0x77: {  	[sflag:s21] =	ssyncset.done $0x0  }
0x78: {  	s31 =	simm.s32 $0x15080;
	[sflag:s21] =	ssyncadd.s32 $0xFFFFC000  }
0x79: {  	[spmem:s2] =	stream.indirect.scatter.add.f32 [tilespmem:s19], [sflag:$0x3], $0x80, s31, s17, $0xb8;
	[tilespmem:$0x1E400] =	vst v63  }
0x7a: {  	_ =	swait.ge [sflag:s14], $0x4000  }
0x7b: {  	s26 =	simm.s32 $0x100;
	s28 =	simm.s32 $0x800;
	[sflag:s14] =	ssyncset.done $0x0  }
.LBB2_4:
0x7c: {  	s29 =	sadd.s32 $0x13C80, s26  }
0x7d: {  	[sflag:s14] =	ssyncadd.s32 $0xFFFFC000;
	s30 =	smov.u32 s28;
	s31 =	sadd.s32 $0x400, s28  }
0x7e: {  	[tilespmem:s19], [sflag:$0x2] =	stream.indirect.gather [hbm4b:s4+s17], $0x80, s29, s17, $0xb8;
	[tilespmem:$0x1E400] =	vst v63  }
0x7f: {  	p0 =	sne.s32 s28, $0x4800;
	_ =	swait.ge [sflag:s20], $0x4000  }
0x80: {  	[sflag:s20] =	ssyncset.done $0x0  }
0x81: {  	s28 =	sadd.s32 $0x15000, s26;
	[sflag:s20] =	ssyncadd.s32 $0xFFFFC000  }
0x82: {  	[spmem:s2] =	stream.indirect.scatter.add.f32 [tilespmem:s18], [sflag:$0x3], $0x80, s28, s17, $0xb8;
	[tilespmem:$0x1E400] =	vst v63  }
0x83: {  	_ =	swait.ge [sflag:s14], $0x4000  }
0x84: {  	[sflag:s14] =	ssyncset.done $0x0  }
0x85: {  	s28 =	sadd.s32 $0x13D00, s26;
	[sflag:s14] =	ssyncadd.s32 $0xFFFFC000  }
0x86: {  	[tilespmem:s18], [sflag:$0x1] =	stream.indirect.gather [hbm4b:s4+s17], $0x80, s28, s17, $0xb8;
	[tilespmem:$0x1E400] =	vst v63  }
0x87: {  	_ =	swait.ge [sflag:s21], $0x4000  }
.Ltmp1:
0x88: {  	[sflag:s21] =	ssyncset.done $0x0;
	(pc) =	sbr.rel @p0 .LBB2_4-.Ltmp1, $4  }
0x89: {  	s26 =	sadd.s32 $0x15080, s26;
	[sflag:s21] =	ssyncadd.s32 $0xFFFFC000  }
0x8a: {  	[spmem:s2] =	stream.indirect.scatter.add.f32 [tilespmem:s19], [sflag:$0x3], $0x80, s26, s17, $0xb8;
	[tilespmem:$0x1E400] =	vst v63  }
0x8b: {  	_ =	swait.ge [sflag:s14], $0x4000  }
0x8c: {  	s28 =	smov.u32 s31;
	s26 =	sshra.s32 s30, $0x2;
	[sflag:s14] =	ssyncset.done $0x0  }
0x8d: {  	s28 =	sadd.s32 $0x13C80, s26;
	[sflag:s14] =	ssyncadd.s32 $0xFFFFC000  }
0x8e: {  	[tilespmem:s19], [sflag:$0x2] =	stream.indirect.gather [hbm4b:s4+s17], $0x80, s28, s17, $0xb8;
	[tilespmem:$0x1E400] =	vst v63  }
0x8f: {  	_ =	swait.ge [sflag:s20], $0x4000  }
0x90: {  	[sflag:s20] =	ssyncset.done $0x0  }
0x91: {  	s29 =	sadd.s32 $0x15000, s26;
	[sflag:s20] =	ssyncadd.s32 $0xFFFFC000  }
0x92: {  	[spmem:s2] =	stream.indirect.scatter.add.f32 [tilespmem:s18], [sflag:$0x3], $0x80, s29, s17, $0xb8;
	[tilespmem:$0x1E400] =	vst v63  }
0x93: {  	_ =	swait.ge [sflag:s14], $0x4000  }
0x94: {  	[sflag:s14] =	ssyncset.done $0x0  }
0x95: {  	s30 =	sadd.s32 $0x13D00, s26;
	[sflag:s14] =	ssyncadd.s32 $0xFFFFC000  }
0x96: {  	[tilespmem:s18], [sflag:$0x1] =	stream.indirect.gather [hbm4b:s4+s17], $0x80, s30, s17, $0xb8;
	[tilespmem:$0x1E400] =	vst v63  }
0x97: {  	_ =	swait.ge [sflag:s21], $0x4000  }
0x98: {  	[sflag:s21] =	ssyncset.done $0x0  }
0x99: {  	s31 =	sadd.s32 $0x15080, s26;
	[sflag:s21] =	ssyncadd.s32 $0xFFFFC000  }
0x9a: {  	[spmem:s2] =	stream.indirect.scatter.add.f32 [tilespmem:s19], [sflag:$0x3], $0x80, s31, s17, $0xb8;
	[tilespmem:$0x1E400] =	vst v63  }
0x9b: {  	_ =	swait.ge [sflag:s14], $0x4000  }
0x9c: {  	[sflag:s14] =	ssyncset.done $0x0  }
0x9d: {  	[sflag:s14] =	ssyncadd.s32 $0xFFFFC000  }
0x9e: {  	[tilespmem:s19], [sflag:$0x2] =	stream.indirect.gather [hbm4b:s4+s17], $0x80, s22, s17, $0xb8;
	[tilespmem:$0x1E400] =	vst v63  }
0x9f: {  	_ =	swait.ge [sflag:s20], $0x4000  }
0xa0: {  	[sflag:s20] =	ssyncset.done $0x0  }
0xa1: {  	[sflag:s20] =	ssyncadd.s32 $0xFFFFC000  }
0xa2: {  	[spmem:s2] =	stream.indirect.scatter.add.f32 [tilespmem:s18], [sflag:$0x3], $0x80, s23, s17, $0xb8;
	[tilespmem:$0x1E400] =	vst v63  }
0xa3: {  	_ =	swait.ge [sflag:s14], $0x4000  }
0xa4: {  	[sflag:s14] =	ssyncset.done $0x0  }
0xa5: {  	[sflag:s14] =	ssyncadd.s32 $0xFFFFC000  }
0xa6: {  	_ =	swait.ge [sflag:s21], $0x4000  }
0xa7: {  	[sflag:s21] =	ssyncset.done $0x0  }
0xa8: {  	[sflag:s21] =	ssyncadd.s32 $0xFFFFC000  }
0xa9: {  	[spmem:s2] =	stream.indirect.scatter.add.f32 [tilespmem:s19], [sflag:$0x3], $0x80, s24, s17, $0xb8;
	[tilespmem:$0x1E400] =	vst v63  }
0xaa: {  	_ =	swait.ge [sflag:s14], $0x4000  }
0xab: {  	s25 =	sadd.s32 $0x1, s25;
	[sflag:s14] =	ssyncset.done $0x0  }
0xac: {  	p0 =	sne.s32 s25, s12;
	[sflag:s14] =	ssyncadd.s32 $0xFFFFC000  }
.Ltmp2:
0xad: {  	[bflag:$0x0] =	sbarrier.arrive $0xFFFF;
	(pc) =	sbr.rel @p0 .LBB2_1-.Ltmp2, $4  }
0xae: {  	[hbm:s11], [sflag:s6] =	dma.local [spmem:s13], $0x2780  }
0xaf: {  	_ =	swait.ge [sflag:s14], $0x2780  }
0xb0: {  	[sflag:s14] =	ssyncset.done $0x0  }
0xb1: {  	[sflag:s14] =	ssyncadd.s32 $0xFFFFD880  }
0xb2: {  	_ =	sfence.sel $0x180000  }
0xb3: {  	[bflag:$0x0] =	sbarrier.arrive $0xFFFF  }
0xb4: {  	p0 =	sne.s32 s1, $0x0;
	_ =	strace $0x90000047  }
0xb5: {  	s0 =	sadd.s32 @!p0 $0x100000, s0;
	[bflag:$0x2] =	sbarrier.arrive $0xFFFF  }
0xb6: {  	[sflag:s0] =	ssyncadd.tile.s32 @!p0 $0x1;
	_ =	shalt  }
.Lfunc_end2:
_tile_overlayer_lowered:
.L_overlay_start_2:
0xb7: {  	(tag) =	ssettag $0x2  }
0xb8: {  	s0 =	rddreg [dreg:$0x0];
	s2 =	stileid.u32  }
0xb9: {  	s1 =	rddreg [dreg:$0x1];
	p0 =	sne.s32 s2, $0x0  }
0xba: {  	s3 =	rddreg [dreg:$0x2];
	[bflag:$0x3] =	sbarrier.arrive $0xFFFF;
	s2 =	simm.s32 @!p0 $0x1C03  }
0xbb: {  	[timem:s3], [sflag:s2] =	dma.local @!p0 [hbm:s0], s1  }
0xbc: {  	s0 =	simm.s32 @!p0 $0x3  }
0xbd: {  	_ =	swait.ge @!p0 [sflag:s0], s1  }
0xbe: {  	s1 =	ssub.s32 @!p0 $0x0, s1;
	[sflag:s0] =	ssyncset.done @!p0 $0x0  }
0xbf: {  	[sflag:s0] =	ssyncadd.s32 @!p0 s1  }
0xc0: {  	[bflag:$0x3] =	sbarrier.arrive $0xFFFF  }
0xc1: {  	_ =	shalt  }

// kernel: kernel.17.cloned.1.call-start
scs
__scs_entry_jumppad:
0x0: {  	(pc) =	sbr.rel $0x88, $3  }
0x1: {  	(tag) =	ssettag $0x0;
	lr =	simm.s32 $0x1  }
0x2: {  	[smem:$0x3F93] =	sst lr;
	_ =	strace $0xD0000000  }
0x3: {  	_ = 	snop  }
0x4: {  	_ = 	snop  }
0x5: {  	_ = 	snop  }
0x6: {  	_ = 	snop  }
0x7: {  	_ = 	snop  }
__scs_overlays_trampoline_lowered:
0x8: {  	[smem:$0x3FA2] =	sst s0  }
0x9: {  	[smem:$0x3FA3] =	sst s1  }
0xa: {  	[smem:$0x3FA4] =	sst s2  }
0xb: {  	[smem:$0x3FA5] =	sst s3  }
0xc: {  	[smem:$0x3FA6] =	sst s4  }
0xd: {  	[smem:$0x3FA7] =	sst s5  }
0xe: {  	[smem:$0x3FA8] =	sst s6  }
0xf: {  	[smem:$0x3FA9] =	sst s7  }
0x10: {  	[smem:$0x3FAA] =	sst s8  }
0x11: {  	[smem:$0x3FAB] =	sst s9;
	s0 =	simm.s32 @!p0 $0x0  }
0x12: {  	s1 =	sld [smem:$0x3F91];
	s0 =	simm.s32 @p0 $0x1  }
0x13: {  	[smem:$0x3FAC] =	sst s0;
	s0 =	simm.s32 @!p1 $0x0  }
0x14: {  	s2 =	sld [smem:$0x3F90];
	s0 =	simm.s32 @p1 $0x1  }
0x15: {  	[smem:$0x3FAD] =	sst s0;
	s0 =	simm.s32 @!p2 $0x0  }
0x16: {  	s3 =	sld [smem:$0x3FDB];
	s0 =	simm.s32 @p2 $0x1  }
0x17: {  	s4 =	simm.s32 $0x1BF5;
	[smem:$0x3FAF] =	sst s0  }
0x18: {  	s0 =	sld [smem:$0x3F92];
	_ =	swait.ge [sflag:s4], $0x0  }
0x19: {  	s7 =	sld [smem:$0x3F93]  }
0x1a: {  	s8 =	sadd.s32 $0xFFFFE003, lr  }
0x1b: {  	s9 =	sadd.s32 $0xFFFFFEF7, lr;
	s5 =	simm.s32 $0xFFFFFFFF;
	p2 =	slt.u32 s8, $0xFFFFF086  }
0x1c: {  	p1 =	slt.u32 s9, $0xF7A;
	s5 =	simm.s32 @!p2 $0x0  }
0x1d: {  	s5 =	simm.s32 @p1 $0x1;
	p0 =	seq.s32 s7, s2  }
0x1e: {  	s7 =	smul.u32 @!p0 $0xF7A, s2;
	p2 =	seq.s32 @!p0 s5, $0x0  }
0x1f: {  	s9 =	smul.u32 $0xF7A, s1;
	s8 =	simm.s32 @!p0 $0x1BF5;
	p2 =	por !p2, p0  }
0x20: {  	[sflag:s8] =	ssyncset.s32 @!p0 $0xFFFFF086;
	s6 =	sadd.s32 @!p0 s3, s7;
	s7 =	simm.s32 @!p0 $0x108  }
0x21: {  	s3 =	sadd.s32 s3, s9;
	s6 =	sadd.s32 @!p0 $0x88, s6;
	s7 =	simm.s32 @p2 $0x1082  }
0x22: {  	[simem:s7], [sflag:s8] =	dma.local @!p0 [hbm:s6], $0xF7A  }
0x23: {  	s9 =	sor.u32 $0xD0000000, s2;
	s6 =	simm.s32 $0x108;
	_ =	swait.ge @!p0 [sflag:s8], $0x0  }
0x24: {  	s3 =	sadd.s32 $0x88, s3;
	s6 =	simm.s32 @!p1 $0x1082;
	[sflag:s4] =	ssyncset.s32 $0xFFFFF086  }
0x25: {  	[simem:s6], [sflag:s4] =	dma.local [hbm:s3], $0xF7A  }
0x26: {  	[smem:$0x3F93] =	sst s1;
	(tag) =	ssettag s2;
	_ =	strace s9  }
0x27: {  	s1 =	sld [smem:$0x3FA3]  }
0x28: {  	s2 =	sld [smem:$0x3FA4]  }
0x29: {  	s4 =	sld [smem:$0x3FA6]  }
0x2a: {  	p0 =	seq.s32 s5, $0x0;
	s5 =	sld [smem:$0x3FA7]  }
0x2b: {  	s6 =	sld [smem:$0x3FA8]  }
0x2c: {  	s7 =	sld [smem:$0x3FA9]  }
0x2d: {  	s3 =	simm.s32 $0x108;
	s8 =	sld [smem:$0x3FAA]  }
0x2e: {  	s3 =	simm.s32 @!p0 $0x1082;
	s9 =	sld [smem:$0x3FAB]  }
0x2f: {  	lr =	sadd.s32 s0, s3;
	s0 =	sld [smem:$0x3FA2]  }
0x30: {  	s3 =	sld [smem:$0x3FA5]  }
0x31: {  	[smem:$0x3FAE] =	sst s10  }
0x32: {  	s10 =	sld [smem:$0x3FAC];
	_ =	sdelay $0x3  }
0x33: {  	p0 =	seq.s32 s10, $0x1;
	s10 =	sld [smem:$0x3FAE];
	_ =	sdelay $0x3  }
0x34: {  	[smem:$0x3FAE] =	sst s10  }
0x35: {  	s10 =	sld [smem:$0x3FAD];
	_ =	sdelay $0x3  }
0x36: {  	p1 =	seq.s32 s10, $0x1;
	s10 =	sld [smem:$0x3FAE];
	_ =	sdelay $0x3  }
0x37: {  	[smem:$0x3FAE] =	sst s10  }
0x38: {  	s10 =	sld [smem:$0x3FAF]  }
0x39: {  	_ = 	snop;
	(pc) =	sbr.ind lr, $3  }
0x3a: {  	_ = 	snop  }
0x3b: {  	_ = 	snop  }
0x3c: {  	p2 =	seq.s32 s10, $0x1;
	s10 =	sld [smem:$0x3FAE]  }
0x3d: {  	_ =	shalt  }
0x3e: {  	_ =	shalt  }
0x3f: {  	_ =	shalt  }
0x40: {  	_ =	shalt  }
0x41: {  	_ =	shalt  }
0x42: {  	_ =	shalt  }
0x43: {  	_ =	shalt  }
0x44: {  	_ =	shalt  }
0x45: {  	_ =	shalt  }
0x46: {  	_ =	shalt  }
0x47: {  	_ =	shalt  }
0x48: {  	_ =	shalt  }
0x49: {  	_ =	shalt  }
0x4a: {  	_ =	shalt  }
0x4b: {  	_ =	shalt  }
0x4c: {  	_ =	shalt  }
0x4d: {  	_ =	shalt  }
0x4e: {  	_ =	shalt  }
0x4f: {  	_ =	shalt  }
0x50: {  	_ =	shalt  }
0x51: {  	_ =	shalt  }
0x52: {  	_ =	shalt  }
0x53: {  	_ =	shalt  }
0x54: {  	_ =	shalt  }
0x55: {  	_ =	shalt  }
0x56: {  	_ =	shalt  }
0x57: {  	_ =	shalt  }
0x58: {  	_ =	shalt  }
0x59: {  	_ =	shalt  }
0x5a: {  	_ =	shalt  }
0x5b: {  	_ =	shalt  }
0x5c: {  	_ =	shalt  }
0x5d: {  	_ =	shalt  }
0x5e: {  	_ =	shalt  }
0x5f: {  	_ =	shalt  }
0x60: {  	_ =	shalt  }
0x61: {  	_ =	shalt  }
0x62: {  	_ =	shalt  }
0x63: {  	_ =	shalt  }
0x64: {  	_ =	shalt  }
0x65: {  	_ =	shalt  }
0x66: {  	_ =	shalt  }
0x67: {  	_ =	shalt  }
0x68: {  	_ =	shalt  }
0x69: {  	_ =	shalt  }
0x6a: {  	_ =	shalt  }
0x6b: {  	_ =	shalt  }
0x6c: {  	_ =	shalt  }
0x6d: {  	_ =	shalt  }
0x6e: {  	_ =	shalt  }
0x6f: {  	_ =	shalt  }
0x70: {  	_ =	shalt  }
0x71: {  	_ =	shalt  }
0x72: {  	_ =	shalt  }
0x73: {  	_ =	shalt  }
0x74: {  	_ =	shalt  }
0x75: {  	_ =	shalt  }
0x76: {  	_ =	shalt  }
0x77: {  	_ =	shalt  }
0x78: {  	_ =	shalt  }
0x79: {  	_ =	shalt  }
0x7a: {  	_ =	shalt  }
0x7b: {  	_ =	shalt  }
0x7c: {  	_ =	shalt  }
0x7d: {  	_ =	shalt  }
0x7e: {  	_ =	shalt  }
0x7f: {  	_ =	shalt  }
0x80: {  	_ =	shalt  }
0x81: {  	_ =	shalt  }
0x82: {  	_ =	shalt  }
0x83: {  	_ =	shalt  }
0x84: {  	_ =	shalt  }
0x85: {  	_ =	shalt  }
0x86: {  	_ =	shalt  }
0x87: {  	_ =	shalt  }
.Lfunc_end0:
.L_simem_size_0:
called_computation.2_lowered:
.L_overlay_start_0:
0x88: {  	s2 =	sld [smem:$0x3FD9]  }
0x89: {  	s3 =	sld [smem:$0x3FFE];
	_ =	sdelay $0x1  }
0x8a: {  	s1 =	srdreg.scid  }
0x8b: {  	s0 =	sand.u32 $0x1, s1  }
0x8c: {  	s17 =	sshll.u32 s0, $0xA;
	s2 =	sadd.s32 s3, s2  }
0x8d: {  	s2 =	sadd.s32 s2, s17  }
0x8e: {  	[smem:$0x3FBA] =	sst s2  }
0x8f: {  	_ = 	snop  }
0x90: {  	s2 =	sld [smem:$0x3FD0];
	(tm) =	ssettm $0x1  }
0x91: {  	s18 =	sld [smem:$0x3FFB];
	_ =	sdelay $0x3  }
0x92: {  	_ =	strace s18  }
0x93: {  	s3 =	sld [smem:$0x3FFC];
	_ =	sdelay $0x3  }
0x94: {  	_ =	strace s3  }
0x95: {  	s3 =	sld [smem:$0x3FFD];
	_ =	sdelay $0x3  }
0x96: {  	_ =	strace s3  }
0x97: {  	_ =	strace $0x8FFFFFFF  }
0x98: {  	s19 =	sld [smem:$0x3FDB];
	_ =	sdelay $0x1  }
0x99: {  	s4 =	simm.s32 $_scs_section_size  }
0x9a: {  	s5 =	simm.s32 $_size__tile_overlayer_lowered;
	s6 =	simm.s32 $_tile_overlayer_lowered  }
0x9b: {  	s22 =	simm.s32 $0x1BFF;
	s21 =	sshll.u32 s6, $0x1;
	s3 =	sadd.s32 s4, s19  }
0x9c: {  	s7 =	simm.s32 $0x0;
	s20 =	sshll.u32 s5, $0x1;
	s5 =	sadd.s32 s21, s3  }
0x9d: {  	[timem:s7], [sflag:s22] =	dma.local [hbm:s5], s20  }
0x9e: {  	_ =	swait.ge [sflag:s22], s20  }
0x9f: {  	s4 =	ssub.s32 $0x0, s20;
	[sflag:s22] =	ssyncset.done $0x0  }
0xa0: {  	[sflag:s22] =	ssyncadd.s32 s4;
	_ =	sdelay $0x1  }
0xa1: {  	s23 =	simm.s32 $0x1B8B  }
0xa2: {  	_ =	swait.ge [sflag:s23], $0x1  }
0xa3: {  	[sflag:s23] =	ssyncset.done $0x0  }
0xa4: {  	s25 =	simm.s32 $0x1B8E;
	s24 =	sld [smem:$0x3FFE];
	[sflag:s23] =	ssyncadd.s32 $0xFFFFFFFF  }
0xa5: {  	s26 =	simm.s32 $execute0_lowered;
	[smem:$0x3FD2] =	sst s25  }
0xa6: {  	s5 =	sshll.u32 s26, $0x1;
	_ =	strace $0x8000004C;
	[dreg:$0x1] =	wrdreg $0xFFFFFFFF  }
0xa7: {  	s28 =	simm.s32 $_size_execute0_lowered;
	s3 =	sadd.s32 s3, s5;
	[dreg:$0x0] =	wrdreg $0x0  }
0xa8: {  	s5 =	sshll.u32 s28, $0x1;
	[dreg:$0x2] =	wrdreg s3  }
0xa9: {  	[dreg:$0x3] =	wrdreg s5  }
0xaa: {  	[dreg:$0x4] =	wrdreg $0xC0  }
0xab: {  	_ =	task [dreg:s7], $0x5FFFF  }
0xac: {  	[dreg:$0x1] =	wrdreg $0xFFFFFFFF  }
0xad: {  	[dreg:$0x0] =	wrdreg $0x60  }
0xae: {  	[dreg:$0x2] =	wrdreg s24  }
0xaf: {  	[dreg:$0x3] =	wrdreg s2  }
0xb0: {  	[dreg:$0x4] =	wrdreg $0x0  }
0xb1: {  	[dreg:$0x5] =	wrdreg $0x9  }
0xb2: {  	_ =	task.clear_ibuf [dreg:s7], $0x6FFFF;
	_ =	strace $0x9000004C  }
0xb3: {  	s29 =	simm.s32 $0x9;
	_ =	strace $0x8000004E  }
0xb4: {  	_ =	swait.ge [sflag:s29], $0x1  }
0xb5: {  	[sflag:s29] =	ssyncadd.s32 $0xFFFFFFFF  }
0xb6: {  	_ =	strace $0x9000004E  }
0xb7: {  	_ =	sfence  }
0xb8: {  	s30 =	sld [smem:$0x0];
	_ =	sdelay $0x2  }
0xb9: {  	s31 =	sshll.u32 s1, $0xD;
	s1 =	sshrl.u32 s1, $0x2  }
0xba: {  	s3 =	sand.u32 $0x4000, s31;
	s1 =	sadd.s32 s1, s30  }
0xbb: {  	s0 =	sor.u32 s3, s0;
	s1 =	sshll.u32 s1, $0x11  }
0xbc: {  	s0 =	sor.u32 s1, s0  }
0xbd: {  	s0 =	sadd.s32 $0x8F2B, s0  }
0xbe: {  	[sflag:s0] =	ssyncadd.remote.s32 $0x1  }
0xbf: {  	_ =	sfence.sel $0xFFFF  }
0xc0: {  	[dreg:$0x0] =	wrdreg $0xFFFFFFFF;
	(pc) =	sbr.abs _section_cstart, $3  }
0xc1: {  	[dreg:$0x1] =	wrdreg $0xFFFFFFFF  }
0xc2: {  	_ =	task.clear_ibuf [dreg:s7], $0x2FFFF;
	_ =	strace $0x9FFFFFFF  }
0xc3: {  	(tm) =	ssettm $0x7FFFFFFF  }
tec
execute0_lowered:
.L_overlay_start_1:
0x0: {  	(tag) =	ssettag $0x1  }
0x1: {  	s6 =	rddreg [dreg:$0x0]  }
0x2: {  	s7 =	rddreg [dreg:$0x1]  }
0x3: {  	s2 =	rddreg [dreg:$0x2]  }
0x4: {  	s0 =	rddreg [dreg:$0x3];
	s1 =	stileid.u32  }
0x5: {  	s4 =	srdreg.scid;
	s3 =	simm.s32 $0x0;
	s16 =	simm.s32 $0x15000  }
0x6: {  	s17 =	simm.s32 $0x80;
	s18 =	simm.s32 $0x16400;
	s19 =	simm.s32 $0x1A400  }
0x7: {  	s20 =	simm.s32 $0x1;
	s21 =	simm.s32 $0x2;
	s22 =	simm.s32 $0x14F80  }
0x8: {  	s23 =	simm.s32 $0x16300;
	s24 =	simm.s32 $0x16380;
	s8 =	smul.u32 $0x2800, s1  }
0x9: {  	s25 =	simm.s32 $0x0;
	s9 =	sand.u32 $0x1, s4;
	s11 =	smul.u32 $0x13C00, s1  }
0xa: {  	[smem:$0x7FF] =	sst s3;
	s4 =	sadd.s32 $0x8400, s6;
	s14 =	smul.u32 $0x4F000, s1  }
0xb: {  	s30 =	sshll.u32 s1, $0x6;
	s10 =	smul.u32 $0x13C000, s9;
	_ =	strace $0x8000004D  }
0xc: {  	s26 =	ssub.s32 $0x2, s9;
	s9 =	smul.u32 $0x28000, s9;
	s5 =	sshrl.u32 s8, $0x3  }
0xd: {  	s13 =	sshrl.u32 s26, $0x1;
	s29 =	sshrl.u32 s14, $0x2;
	s12 =	sadd.s32 s5, s6  }
0xe: {  	s5 =	sadd.s32 $0x57400, s6;
	s10 =	sadd.s32 s11, s10;
	s13 =	ssub.s32 s26, s13  }
0xf: {  	s28 =	sadd.s32 s8, s9;
	s14 =	sadd.s32 s29, s2;
	s10 =	sshrl.u32 s10, $0x3  }
0x10: {  	s31 =	sshrl.u32 s28, $0x3;
	s8 =	sadd.s32 $0x3400, s12;
	s15 =	sadd.s32 s10, s6  }
0x11: {  	s6 =	sor.u32 $0x1C03, s30;
	s7 =	sadd.s32 s7, s31;
	s10 =	sadd.s32 $0x3680, s12  }
0x12: {  	s12 =	smax.u32 s13, $0x1;
	s13 =	sshrl.u32 s14, $0x3;
	s14 =	simm.s32 $0x3  }
0x13: {  	s9 =	sadd.s32 $0x280, s7;
	s11 =	sadd.s32 $0x59C00, s15;
	s15 =	simm.s32 $0x13C00  }
.LBB2_1:
0x14: {  	[spmem:s13], [sflag:s6] =	dma.local [hbm:s5], $0x2780  }
0x15: {  	_ =	swait.ge [sflag:s14], $0x2780  }
0x16: {  	[sflag:s14] =	ssyncset.done $0x0  }
0x17: {  	[sflag:s14] =	ssyncadd.s32 $0xFFFFD880  }
0x18: {  	[bflag:$0x0] =	sbarrier.arrive $0xFFFF  }
0x19: {  	[tilespmem:s15], [sflag:$0x3] =	stream.linear.gather [hbm4b:s7+s3], $0x1400, $0x38;
	[tilespmem:$0x1E400] =	vst v63  }
0x1a: {  	_ =	swait.ge [sflag:s14], $0x1400  }
0x1b: {  	[sflag:s14] =	ssyncset.done $0x0  }
0x1c: {  	[sflag:s14] =	ssyncadd.s32 $0xFFFFEC00  }
0x1d: {  	[tilespmem:s16], [sflag:$0x3] =	stream.linear.gather [hbm4b:s8+s3], $0x1400, $0x38;
	[tilespmem:$0x1E400] =	vst v63  }
0x1e: {  	_ =	swait.ge [sflag:s14], $0x1400  }
0x1f: {  	[sflag:s14] =	ssyncset.done $0x0  }
0x20: {  	[sflag:s14] =	ssyncadd.s32 $0xFFFFEC00  }
0x21: {  	[tilespmem:s18], [sflag:$0x1] =	stream.indirect.gather [hbm4b:s4+s17], $0x80, s15, s17, $0xb8;
	[tilespmem:$0x1E400] =	vst v63  }
0x22: {  	s26 =	simm.s32 $0x13C80  }
0x23: {  	[tilespmem:s19], [sflag:$0x2] =	stream.indirect.gather [hbm4b:s4+s17], $0x80, s26, s17, $0xb8;
	[tilespmem:$0x1E400] =	vst v63  }
0x24: {  	_ =	swait.ge [sflag:s20], $0x4000  }
0x25: {  	[sflag:s20] =	ssyncset.done $0x0  }
0x26: {  	s29 =	simm.s32 $0x15000;
	[sflag:s20] =	ssyncadd.s32 $0xFFFFC000  }
0x27: {  	[spmem:s2] =	stream.indirect.scatter.add.f32 [tilespmem:s18], [sflag:$0x3], $0x80, s29, s17, $0xb8;
	[tilespmem:$0x1E400] =	vst v63  }
0x28: {  	_ =	swait.ge [sflag:s14], $0x4000  }
0x29: {  	[sflag:s14] =	ssyncset.done $0x0  }
0x2a: {  	s30 =	simm.s32 $0x13D00;
	[sflag:s14] =	ssyncadd.s32 $0xFFFFC000  }
0x2b: {  	[tilespmem:s18], [sflag:$0x1] =	stream.indirect.gather [hbm4b:s4+s17], $0x80, s30, s17, $0xb8;
	[tilespmem:$0x1E400] =	vst v63  }
0x2c: {  	_ =	swait.ge [sflag:s21], $0x4000  }
0x2d: {  	[sflag:s21] =	ssyncset.done $0x0  }
0x2e: {  	s31 =	simm.s32 $0x15080;
	[sflag:s21] =	ssyncadd.s32 $0xFFFFC000  }
0x2f: {  	[spmem:s2] =	stream.indirect.scatter.add.f32 [tilespmem:s19], [sflag:$0x3], $0x80, s31, s17, $0xb8;
	[tilespmem:$0x1E400] =	vst v63  }
0x30: {  	_ =	swait.ge [sflag:s14], $0x4000  }
0x31: {  	s28 =	simm.s32 $0x800;
	s26 =	simm.s32 $0x100;
	[sflag:s14] =	ssyncset.done $0x0  }
.LBB2_2:
0x32: {  	s29 =	sadd.s32 $0x13C80, s26  }
0x33: {  	[sflag:s14] =	ssyncadd.s32 $0xFFFFC000;
	s30 =	smov.u32 s28;
	s31 =	sadd.s32 $0x400, s28  }
0x34: {  	[tilespmem:s19], [sflag:$0x2] =	stream.indirect.gather [hbm4b:s4+s17], $0x80, s29, s17, $0xb8;
	[tilespmem:$0x1E400] =	vst v63  }
0x35: {  	p0 =	sne.s32 s28, $0x4800;
	_ =	swait.ge [sflag:s20], $0x4000  }
0x36: {  	[sflag:s20] =	ssyncset.done $0x0  }
0x37: {  	s28 =	sadd.s32 $0x15000, s26;
	[sflag:s20] =	ssyncadd.s32 $0xFFFFC000  }
0x38: {  	[spmem:s2] =	stream.indirect.scatter.add.f32 [tilespmem:s18], [sflag:$0x3], $0x80, s28, s17, $0xb8;
	[tilespmem:$0x1E400] =	vst v63  }
0x39: {  	_ =	swait.ge [sflag:s14], $0x4000  }
0x3a: {  	[sflag:s14] =	ssyncset.done $0x0  }
0x3b: {  	s28 =	sadd.s32 $0x13D00, s26;
	[sflag:s14] =	ssyncadd.s32 $0xFFFFC000  }
0x3c: {  	[tilespmem:s18], [sflag:$0x1] =	stream.indirect.gather [hbm4b:s4+s17], $0x80, s28, s17, $0xb8;
	[tilespmem:$0x1E400] =	vst v63  }
0x3d: {  	_ =	swait.ge [sflag:s21], $0x4000  }
.Ltmp0:
0x3e: {  	[sflag:s21] =	ssyncset.done $0x0;
	(pc) =	sbr.rel @p0 .LBB2_2-.Ltmp0, $4  }
0x3f: {  	s26 =	sadd.s32 $0x15080, s26;
	[sflag:s21] =	ssyncadd.s32 $0xFFFFC000  }
0x40: {  	[spmem:s2] =	stream.indirect.scatter.add.f32 [tilespmem:s19], [sflag:$0x3], $0x80, s26, s17, $0xb8;
	[tilespmem:$0x1E400] =	vst v63  }
0x41: {  	_ =	swait.ge [sflag:s14], $0x4000  }
0x42: {  	s28 =	smov.u32 s31;
	s26 =	sshra.s32 s30, $0x2;
	[sflag:s14] =	ssyncset.done $0x0  }
0x43: {  	s28 =	sadd.s32 $0x13C80, s26;
	[sflag:s14] =	ssyncadd.s32 $0xFFFFC000  }
0x44: {  	[tilespmem:s19], [sflag:$0x2] =	stream.indirect.gather [hbm4b:s4+s17], $0x80, s28, s17, $0xb8;
	[tilespmem:$0x1E400] =	vst v63  }
0x45: {  	_ =	swait.ge [sflag:s20], $0x4000  }
0x46: {  	[sflag:s20] =	ssyncset.done $0x0  }
0x47: {  	s28 =	sadd.s32 $0x15000, s26;
	[sflag:s20] =	ssyncadd.s32 $0xFFFFC000  }
0x48: {  	[spmem:s2] =	stream.indirect.scatter.add.f32 [tilespmem:s18], [sflag:$0x3], $0x80, s28, s17, $0xb8;
	[tilespmem:$0x1E400] =	vst v63  }
0x49: {  	_ =	swait.ge [sflag:s14], $0x4000  }
0x4a: {  	[sflag:s14] =	ssyncset.done $0x0  }
0x4b: {  	s28 =	sadd.s32 $0x13D00, s26;
	[sflag:s14] =	ssyncadd.s32 $0xFFFFC000  }
0x4c: {  	[tilespmem:s18], [sflag:$0x1] =	stream.indirect.gather [hbm4b:s4+s17], $0x80, s28, s17, $0xb8;
	[tilespmem:$0x1E400] =	vst v63  }
0x4d: {  	_ =	swait.ge [sflag:s21], $0x4000  }
0x4e: {  	[sflag:s21] =	ssyncset.done $0x0  }
0x4f: {  	s29 =	sadd.s32 $0x15080, s26;
	[sflag:s21] =	ssyncadd.s32 $0xFFFFC000  }
0x50: {  	[spmem:s2] =	stream.indirect.scatter.add.f32 [tilespmem:s19], [sflag:$0x3], $0x80, s29, s17, $0xb8;
	[tilespmem:$0x1E400] =	vst v63  }
0x51: {  	_ =	swait.ge [sflag:s14], $0x4000  }
0x52: {  	[sflag:s14] =	ssyncset.done $0x0  }
0x53: {  	[sflag:s14] =	ssyncadd.s32 $0xFFFFC000  }
0x54: {  	[tilespmem:s19], [sflag:$0x2] =	stream.indirect.gather [hbm4b:s4+s17], $0x80, s22, s17, $0xb8;
	[tilespmem:$0x1E400] =	vst v63  }
0x55: {  	_ =	swait.ge [sflag:s20], $0x4000  }
0x56: {  	[sflag:s20] =	ssyncset.done $0x0  }
0x57: {  	[sflag:s20] =	ssyncadd.s32 $0xFFFFC000  }
0x58: {  	[spmem:s2] =	stream.indirect.scatter.add.f32 [tilespmem:s18], [sflag:$0x3], $0x80, s23, s17, $0xb8;
	[tilespmem:$0x1E400] =	vst v63  }
0x59: {  	_ =	swait.ge [sflag:s14], $0x4000  }
0x5a: {  	[sflag:s14] =	ssyncset.done $0x0  }
0x5b: {  	[sflag:s14] =	ssyncadd.s32 $0xFFFFC000  }
0x5c: {  	_ =	swait.ge [sflag:s21], $0x4000  }
0x5d: {  	[sflag:s21] =	ssyncset.done $0x0  }
0x5e: {  	[sflag:s21] =	ssyncadd.s32 $0xFFFFC000  }
0x5f: {  	[spmem:s2] =	stream.indirect.scatter.add.f32 [tilespmem:s19], [sflag:$0x3], $0x80, s24, s17, $0xb8;
	[tilespmem:$0x1E400] =	vst v63  }
0x60: {  	_ =	swait.ge [sflag:s14], $0x4000  }
0x61: {  	[sflag:s14] =	ssyncset.done $0x0  }
0x62: {  	s30 =	simm.s32 $0x0;
	[sflag:s14] =	ssyncadd.s32 $0xFFFFC000  }
0x63: {  	[tilespmem:s15], [sflag:$0x3] =	stream.linear.gather [hbm4b:s9+s30], $0x1400, $0x38;
	[tilespmem:$0x1E400] =	vst v63  }
0x64: {  	_ =	swait.ge [sflag:s14], $0x1400  }
0x65: {  	[sflag:s14] =	ssyncset.done $0x0  }
0x66: {  	[sflag:s14] =	ssyncadd.s32 $0xFFFFEC00  }
0x67: {  	[tilespmem:s16], [sflag:$0x3] =	stream.linear.gather [hbm4b:s10+s30], $0x1400, $0x38;
	[tilespmem:$0x1E400] =	vst v63  }
0x68: {  	_ =	swait.ge [sflag:s14], $0x1400  }
0x69: {  	[sflag:s14] =	ssyncset.done $0x0  }
0x6a: {  	[sflag:s14] =	ssyncadd.s32 $0xFFFFEC00  }
0x6b: {  	[tilespmem:s18], [sflag:$0x1] =	stream.indirect.gather [hbm4b:s4+s17], $0x80, s15, s17, $0xb8;
	[tilespmem:$0x1E400] =	vst v63  }
0x6c: {  	s31 =	simm.s32 $0x13C80  }
0x6d: {  	[tilespmem:s19], [sflag:$0x2] =	stream.indirect.gather [hbm4b:s4+s17], $0x80, s31, s17, $0xb8;
	[tilespmem:$0x1E400] =	vst v63  }
0x6e: {  	_ =	swait.ge [sflag:s20], $0x4000  }
0x6f: {  	[sflag:s20] =	ssyncset.done $0x0  }
0x70: {  	s29 =	simm.s32 $0x15000;
	[sflag:s20] =	ssyncadd.s32 $0xFFFFC000  }
0x71: {  	[spmem:s2] =	stream.indirect.scatter.add.f32 [tilespmem:s18], [sflag:$0x3], $0x80, s29, s17, $0xb8;
	[tilespmem:$0x1E400] =	vst v63  }
0x72: {  	_ =	swait.ge [sflag:s14], $0x4000  }
0x73: {  	[sflag:s14] =	ssyncset.done $0x0  }
0x74: {  	s30 =	simm.s32 $0x13D00;
	[sflag:s14] =	ssyncadd.s32 $0xFFFFC000  }
0x75: {  	[tilespmem:s18], [sflag:$0x1] =	stream.indirect.gather [hbm4b:s4+s17], $0x80, s30, s17, $0xb8;
	[tilespmem:$0x1E400] =	vst v63  }
0x76: {  	_ =	swait.ge [sflag:s21], $0x4000  }
0x77: {  	[sflag:s21] =	ssyncset.done $0x0  }
0x78: {  	s31 =	simm.s32 $0x15080;
	[sflag:s21] =	ssyncadd.s32 $0xFFFFC000  }
0x79: {  	[spmem:s2] =	stream.indirect.scatter.add.f32 [tilespmem:s19], [sflag:$0x3], $0x80, s31, s17, $0xb8;
	[tilespmem:$0x1E400] =	vst v63  }
0x7a: {  	_ =	swait.ge [sflag:s14], $0x4000  }
0x7b: {  	s26 =	simm.s32 $0x100;
	s28 =	simm.s32 $0x800;
	[sflag:s14] =	ssyncset.done $0x0  }
.LBB2_4:
0x7c: {  	s29 =	sadd.s32 $0x13C80, s26  }
0x7d: {  	[sflag:s14] =	ssyncadd.s32 $0xFFFFC000;
	s30 =	smov.u32 s28;
	s31 =	sadd.s32 $0x400, s28  }
0x7e: {  	[tilespmem:s19], [sflag:$0x2] =	stream.indirect.gather [hbm4b:s4+s17], $0x80, s29, s17, $0xb8;
	[tilespmem:$0x1E400] =	vst v63  }
0x7f: {  	p0 =	sne.s32 s28, $0x4800;
	_ =	swait.ge [sflag:s20], $0x4000  }
0x80: {  	[sflag:s20] =	ssyncset.done $0x0  }
0x81: {  	s28 =	sadd.s32 $0x15000, s26;
	[sflag:s20] =	ssyncadd.s32 $0xFFFFC000  }
0x82: {  	[spmem:s2] =	stream.indirect.scatter.add.f32 [tilespmem:s18], [sflag:$0x3], $0x80, s28, s17, $0xb8;
	[tilespmem:$0x1E400] =	vst v63  }
0x83: {  	_ =	swait.ge [sflag:s14], $0x4000  }
0x84: {  	[sflag:s14] =	ssyncset.done $0x0  }
0x85: {  	s28 =	sadd.s32 $0x13D00, s26;
	[sflag:s14] =	ssyncadd.s32 $0xFFFFC000  }
0x86: {  	[tilespmem:s18], [sflag:$0x1] =	stream.indirect.gather [hbm4b:s4+s17], $0x80, s28, s17, $0xb8;
	[tilespmem:$0x1E400] =	vst v63  }
0x87: {  	_ =	swait.ge [sflag:s21], $0x4000  }
.Ltmp1:
0x88: {  	[sflag:s21] =	ssyncset.done $0x0;
	(pc) =	sbr.rel @p0 .LBB2_4-.Ltmp1, $4  }
0x89: {  	s26 =	sadd.s32 $0x15080, s26;
	[sflag:s21] =	ssyncadd.s32 $0xFFFFC000  }
0x8a: {  	[spmem:s2] =	stream.indirect.scatter.add.f32 [tilespmem:s19], [sflag:$0x3], $0x80, s26, s17, $0xb8;
	[tilespmem:$0x1E400] =	vst v63  }
0x8b: {  	_ =	swait.ge [sflag:s14], $0x4000  }
0x8c: {  	s28 =	smov.u32 s31;
	s26 =	sshra.s32 s30, $0x2;
	[sflag:s14] =	ssyncset.done $0x0  }
0x8d: {  	s28 =	sadd.s32 $0x13C80, s26;
	[sflag:s14] =	ssyncadd.s32 $0xFFFFC000  }
0x8e: {  	[tilespmem:s19], [sflag:$0x2] =	stream.indirect.gather [hbm4b:s4+s17], $0x80, s28, s17, $0xb8;
	[tilespmem:$0x1E400] =	vst v63  }
0x8f: {  	_ =	swait.ge [sflag:s20], $0x4000  }
0x90: {  	[sflag:s20] =	ssyncset.done $0x0  }
0x91: {  	s29 =	sadd.s32 $0x15000, s26;
	[sflag:s20] =	ssyncadd.s32 $0xFFFFC000  }
0x92: {  	[spmem:s2] =	stream.indirect.scatter.add.f32 [tilespmem:s18], [sflag:$0x3], $0x80, s29, s17, $0xb8;
	[tilespmem:$0x1E400] =	vst v63  }
0x93: {  	_ =	swait.ge [sflag:s14], $0x4000  }
0x94: {  	[sflag:s14] =	ssyncset.done $0x0  }
0x95: {  	s30 =	sadd.s32 $0x13D00, s26;
	[sflag:s14] =	ssyncadd.s32 $0xFFFFC000  }
0x96: {  	[tilespmem:s18], [sflag:$0x1] =	stream.indirect.gather [hbm4b:s4+s17], $0x80, s30, s17, $0xb8;
	[tilespmem:$0x1E400] =	vst v63  }
0x97: {  	_ =	swait.ge [sflag:s21], $0x4000  }
0x98: {  	[sflag:s21] =	ssyncset.done $0x0  }
0x99: {  	s31 =	sadd.s32 $0x15080, s26;
	[sflag:s21] =	ssyncadd.s32 $0xFFFFC000  }
0x9a: {  	[spmem:s2] =	stream.indirect.scatter.add.f32 [tilespmem:s19], [sflag:$0x3], $0x80, s31, s17, $0xb8;
	[tilespmem:$0x1E400] =	vst v63  }
0x9b: {  	_ =	swait.ge [sflag:s14], $0x4000  }
0x9c: {  	[sflag:s14] =	ssyncset.done $0x0  }
0x9d: {  	[sflag:s14] =	ssyncadd.s32 $0xFFFFC000  }
0x9e: {  	[tilespmem:s19], [sflag:$0x2] =	stream.indirect.gather [hbm4b:s4+s17], $0x80, s22, s17, $0xb8;
	[tilespmem:$0x1E400] =	vst v63  }
0x9f: {  	_ =	swait.ge [sflag:s20], $0x4000  }
0xa0: {  	[sflag:s20] =	ssyncset.done $0x0  }
0xa1: {  	[sflag:s20] =	ssyncadd.s32 $0xFFFFC000  }
0xa2: {  	[spmem:s2] =	stream.indirect.scatter.add.f32 [tilespmem:s18], [sflag:$0x3], $0x80, s23, s17, $0xb8;
	[tilespmem:$0x1E400] =	vst v63  }
0xa3: {  	_ =	swait.ge [sflag:s14], $0x4000  }
0xa4: {  	[sflag:s14] =	ssyncset.done $0x0  }
0xa5: {  	[sflag:s14] =	ssyncadd.s32 $0xFFFFC000  }
0xa6: {  	_ =	swait.ge [sflag:s21], $0x4000  }
0xa7: {  	[sflag:s21] =	ssyncset.done $0x0  }
0xa8: {  	[sflag:s21] =	ssyncadd.s32 $0xFFFFC000  }
0xa9: {  	[spmem:s2] =	stream.indirect.scatter.add.f32 [tilespmem:s19], [sflag:$0x3], $0x80, s24, s17, $0xb8;
	[tilespmem:$0x1E400] =	vst v63  }
0xaa: {  	_ =	swait.ge [sflag:s14], $0x4000  }
0xab: {  	s25 =	sadd.s32 $0x1, s25;
	[sflag:s14] =	ssyncset.done $0x0  }
0xac: {  	p0 =	sne.s32 s25, s12;
	[sflag:s14] =	ssyncadd.s32 $0xFFFFC000  }
.Ltmp2:
0xad: {  	[bflag:$0x0] =	sbarrier.arrive $0xFFFF;
	(pc) =	sbr.rel @p0 .LBB2_1-.Ltmp2, $4  }
0xae: {  	[hbm:s11], [sflag:s6] =	dma.local [spmem:s13], $0x2780  }
0xaf: {  	_ =	swait.ge [sflag:s14], $0x2780  }
0xb0: {  	[sflag:s14] =	ssyncset.done $0x0  }
0xb1: {  	[sflag:s14] =	ssyncadd.s32 $0xFFFFD880  }
0xb2: {  	_ =	sfence.sel $0x180000  }
0xb3: {  	[bflag:$0x0] =	sbarrier.arrive $0xFFFF  }
0xb4: {  	p0 =	sne.s32 s1, $0x0;
	_ =	strace $0x9000004D  }
0xb5: {  	s0 =	sadd.s32 @!p0 $0x100000, s0;
	[bflag:$0x2] =	sbarrier.arrive $0xFFFF  }
0xb6: {  	[sflag:s0] =	ssyncadd.tile.s32 @!p0 $0x1;
	_ =	shalt  }
.Lfunc_end2:
_tile_overlayer_lowered:
.L_overlay_start_2:
0xb7: {  	(tag) =	ssettag $0x2  }
0xb8: {  	s0 =	rddreg [dreg:$0x0];
	s2 =	stileid.u32  }
0xb9: {  	s1 =	rddreg [dreg:$0x1];
	p0 =	sne.s32 s2, $0x0  }
0xba: {  	s3 =	rddreg [dreg:$0x2];
	[bflag:$0x3] =	sbarrier.arrive $0xFFFF;
	s2 =	simm.s32 @!p0 $0x1C03  }
0xbb: {  	[timem:s3], [sflag:s2] =	dma.local @!p0 [hbm:s0], s1  }
0xbc: {  	s0 =	simm.s32 @!p0 $0x3  }
0xbd: {  	_ =	swait.ge @!p0 [sflag:s0], s1  }
0xbe: {  	s1 =	ssub.s32 @!p0 $0x0, s1;
	[sflag:s0] =	ssyncset.done @!p0 $0x0  }
0xbf: {  	[sflag:s0] =	ssyncadd.s32 @!p0 s1  }
0xc0: {  	[bflag:$0x3] =	sbarrier.arrive $0xFFFF  }
0xc1: {  	_ =	shalt  }

// kernel: kernel.20.cloned.1.call-start
scs
__scs_entry_jumppad:
0x0: {  	(pc) =	sbr.rel $0x88, $3  }
0x1: {  	(tag) =	ssettag $0x0;
	lr =	simm.s32 $0x1  }
0x2: {  	[smem:$0x3F93] =	sst lr;
	_ =	strace $0xD0000000  }
0x3: {  	_ = 	snop  }
0x4: {  	_ = 	snop  }
0x5: {  	_ = 	snop  }
0x6: {  	_ = 	snop  }
0x7: {  	_ = 	snop  }
__scs_overlays_trampoline_lowered:
0x8: {  	[smem:$0x3FA2] =	sst s0  }
0x9: {  	[smem:$0x3FA3] =	sst s1  }
0xa: {  	[smem:$0x3FA4] =	sst s2  }
0xb: {  	[smem:$0x3FA5] =	sst s3  }
0xc: {  	[smem:$0x3FA6] =	sst s4  }
0xd: {  	[smem:$0x3FA7] =	sst s5  }
0xe: {  	[smem:$0x3FA8] =	sst s6  }
0xf: {  	[smem:$0x3FA9] =	sst s7  }
0x10: {  	[smem:$0x3FAA] =	sst s8  }
0x11: {  	[smem:$0x3FAB] =	sst s9;
	s0 =	simm.s32 @!p0 $0x0  }
0x12: {  	s1 =	sld [smem:$0x3F91];
	s0 =	simm.s32 @p0 $0x1  }
0x13: {  	[smem:$0x3FAC] =	sst s0;
	s0 =	simm.s32 @!p1 $0x0  }
0x14: {  	s2 =	sld [smem:$0x3F90];
	s0 =	simm.s32 @p1 $0x1  }
0x15: {  	[smem:$0x3FAD] =	sst s0;
	s0 =	simm.s32 @!p2 $0x0  }
0x16: {  	s3 =	sld [smem:$0x3FDB];
	s0 =	simm.s32 @p2 $0x1  }
0x17: {  	s4 =	simm.s32 $0x1BF5;
	[smem:$0x3FAF] =	sst s0  }
0x18: {  	s0 =	sld [smem:$0x3F92];
	_ =	swait.ge [sflag:s4], $0x0  }
0x19: {  	s7 =	sld [smem:$0x3F93]  }
0x1a: {  	s8 =	sadd.s32 $0xFFFFE003, lr  }
0x1b: {  	s9 =	sadd.s32 $0xFFFFFEF7, lr;
	s5 =	simm.s32 $0xFFFFFFFF;
	p2 =	slt.u32 s8, $0xFFFFF086  }
0x1c: {  	p1 =	slt.u32 s9, $0xF7A;
	s5 =	simm.s32 @!p2 $0x0  }
0x1d: {  	s5 =	simm.s32 @p1 $0x1;
	p0 =	seq.s32 s7, s2  }
0x1e: {  	s7 =	smul.u32 @!p0 $0xF7A, s2;
	p2 =	seq.s32 @!p0 s5, $0x0  }
0x1f: {  	s9 =	smul.u32 $0xF7A, s1;
	s8 =	simm.s32 @!p0 $0x1BF5;
	p2 =	por !p2, p0  }
0x20: {  	[sflag:s8] =	ssyncset.s32 @!p0 $0xFFFFF086;
	s6 =	sadd.s32 @!p0 s3, s7;
	s7 =	simm.s32 @!p0 $0x108  }
0x21: {  	s3 =	sadd.s32 s3, s9;
	s6 =	sadd.s32 @!p0 $0x88, s6;
	s7 =	simm.s32 @p2 $0x1082  }
0x22: {  	[simem:s7], [sflag:s8] =	dma.local @!p0 [hbm:s6], $0xF7A  }
0x23: {  	s9 =	sor.u32 $0xD0000000, s2;
	s6 =	simm.s32 $0x108;
	_ =	swait.ge @!p0 [sflag:s8], $0x0  }
0x24: {  	s3 =	sadd.s32 $0x88, s3;
	s6 =	simm.s32 @!p1 $0x1082;
	[sflag:s4] =	ssyncset.s32 $0xFFFFF086  }
0x25: {  	[simem:s6], [sflag:s4] =	dma.local [hbm:s3], $0xF7A  }
0x26: {  	[smem:$0x3F93] =	sst s1;
	(tag) =	ssettag s2;
	_ =	strace s9  }
0x27: {  	s1 =	sld [smem:$0x3FA3]  }
0x28: {  	s2 =	sld [smem:$0x3FA4]  }
0x29: {  	s4 =	sld [smem:$0x3FA6]  }
0x2a: {  	p0 =	seq.s32 s5, $0x0;
	s5 =	sld [smem:$0x3FA7]  }
0x2b: {  	s6 =	sld [smem:$0x3FA8]  }
0x2c: {  	s7 =	sld [smem:$0x3FA9]  }
0x2d: {  	s3 =	simm.s32 $0x108;
	s8 =	sld [smem:$0x3FAA]  }
0x2e: {  	s3 =	simm.s32 @!p0 $0x1082;
	s9 =	sld [smem:$0x3FAB]  }
0x2f: {  	lr =	sadd.s32 s0, s3;
	s0 =	sld [smem:$0x3FA2]  }
0x30: {  	s3 =	sld [smem:$0x3FA5]  }
0x31: {  	[smem:$0x3FAE] =	sst s10  }
0x32: {  	s10 =	sld [smem:$0x3FAC];
	_ =	sdelay $0x3  }
0x33: {  	p0 =	seq.s32 s10, $0x1;
	s10 =	sld [smem:$0x3FAE];
	_ =	sdelay $0x3  }
0x34: {  	[smem:$0x3FAE] =	sst s10  }
0x35: {  	s10 =	sld [smem:$0x3FAD];
	_ =	sdelay $0x3  }
0x36: {  	p1 =	seq.s32 s10, $0x1;
	s10 =	sld [smem:$0x3FAE];
	_ =	sdelay $0x3  }
0x37: {  	[smem:$0x3FAE] =	sst s10  }
0x38: {  	s10 =	sld [smem:$0x3FAF]  }
0x39: {  	_ = 	snop;
	(pc) =	sbr.ind lr, $3  }
0x3a: {  	_ = 	snop  }
0x3b: {  	_ = 	snop  }
0x3c: {  	p2 =	seq.s32 s10, $0x1;
	s10 =	sld [smem:$0x3FAE]  }
0x3d: {  	_ =	shalt  }
0x3e: {  	_ =	shalt  }
0x3f: {  	_ =	shalt  }
0x40: {  	_ =	shalt  }
0x41: {  	_ =	shalt  }
0x42: {  	_ =	shalt  }
0x43: {  	_ =	shalt  }
0x44: {  	_ =	shalt  }
0x45: {  	_ =	shalt  }
0x46: {  	_ =	shalt  }
0x47: {  	_ =	shalt  }
0x48: {  	_ =	shalt  }
0x49: {  	_ =	shalt  }
0x4a: {  	_ =	shalt  }
0x4b: {  	_ =	shalt  }
0x4c: {  	_ =	shalt  }
0x4d: {  	_ =	shalt  }
0x4e: {  	_ =	shalt  }
0x4f: {  	_ =	shalt  }
0x50: {  	_ =	shalt  }
0x51: {  	_ =	shalt  }
0x52: {  	_ =	shalt  }
0x53: {  	_ =	shalt  }
0x54: {  	_ =	shalt  }
0x55: {  	_ =	shalt  }
0x56: {  	_ =	shalt  }
0x57: {  	_ =	shalt  }
0x58: {  	_ =	shalt  }
0x59: {  	_ =	shalt  }
0x5a: {  	_ =	shalt  }
0x5b: {  	_ =	shalt  }
0x5c: {  	_ =	shalt  }
0x5d: {  	_ =	shalt  }
0x5e: {  	_ =	shalt  }
0x5f: {  	_ =	shalt  }
0x60: {  	_ =	shalt  }
0x61: {  	_ =	shalt  }
0x62: {  	_ =	shalt  }
0x63: {  	_ =	shalt  }
0x64: {  	_ =	shalt  }
0x65: {  	_ =	shalt  }
0x66: {  	_ =	shalt  }
0x67: {  	_ =	shalt  }
0x68: {  	_ =	shalt  }
0x69: {  	_ =	shalt  }
0x6a: {  	_ =	shalt  }
0x6b: {  	_ =	shalt  }
0x6c: {  	_ =	shalt  }
0x6d: {  	_ =	shalt  }
0x6e: {  	_ =	shalt  }
0x6f: {  	_ =	shalt  }
0x70: {  	_ =	shalt  }
0x71: {  	_ =	shalt  }
0x72: {  	_ =	shalt  }
0x73: {  	_ =	shalt  }
0x74: {  	_ =	shalt  }
0x75: {  	_ =	shalt  }
0x76: {  	_ =	shalt  }
0x77: {  	_ =	shalt  }
0x78: {  	_ =	shalt  }
0x79: {  	_ =	shalt  }
0x7a: {  	_ =	shalt  }
0x7b: {  	_ =	shalt  }
0x7c: {  	_ =	shalt  }
0x7d: {  	_ =	shalt  }
0x7e: {  	_ =	shalt  }
0x7f: {  	_ =	shalt  }
0x80: {  	_ =	shalt  }
0x81: {  	_ =	shalt  }
0x82: {  	_ =	shalt  }
0x83: {  	_ =	shalt  }
0x84: {  	_ =	shalt  }
0x85: {  	_ =	shalt  }
0x86: {  	_ =	shalt  }
0x87: {  	_ =	shalt  }
.Lfunc_end0:
.L_simem_size_0:
called_computation.3_lowered:
.L_overlay_start_0:
0x88: {  	s2 =	sld [smem:$0x3FD9]  }
0x89: {  	s3 =	sld [smem:$0x3FFE];
	_ =	sdelay $0x1  }
0x8a: {  	s1 =	srdreg.scid  }
0x8b: {  	s0 =	sand.u32 $0x1, s1  }
0x8c: {  	s17 =	sshll.u32 s0, $0xA;
	s2 =	sadd.s32 s3, s2  }
0x8d: {  	s2 =	sadd.s32 s2, s17  }
0x8e: {  	[smem:$0x3FBA] =	sst s2  }
0x8f: {  	_ = 	snop  }
0x90: {  	s2 =	sld [smem:$0x3FD0];
	(tm) =	ssettm $0x1  }
0x91: {  	s18 =	sld [smem:$0x3FFB];
	_ =	sdelay $0x3  }
0x92: {  	_ =	strace s18  }
0x93: {  	s3 =	sld [smem:$0x3FFC];
	_ =	sdelay $0x3  }
0x94: {  	_ =	strace s3  }
0x95: {  	s3 =	sld [smem:$0x3FFD];
	_ =	sdelay $0x3  }
0x96: {  	_ =	strace s3  }
0x97: {  	_ =	strace $0x8FFFFFFF  }
0x98: {  	s19 =	sld [smem:$0x3FDB];
	_ =	sdelay $0x1  }
0x99: {  	s4 =	simm.s32 $_scs_section_size  }
0x9a: {  	s5 =	simm.s32 $_size__tile_overlayer_lowered;
	s6 =	simm.s32 $_tile_overlayer_lowered  }
0x9b: {  	s22 =	simm.s32 $0x1BFF;
	s21 =	sshll.u32 s6, $0x1;
	s3 =	sadd.s32 s4, s19  }
0x9c: {  	s7 =	simm.s32 $0x0;
	s20 =	sshll.u32 s5, $0x1;
	s5 =	sadd.s32 s21, s3  }
0x9d: {  	[timem:s7], [sflag:s22] =	dma.local [hbm:s5], s20  }
0x9e: {  	_ =	swait.ge [sflag:s22], s20  }
0x9f: {  	s4 =	ssub.s32 $0x0, s20;
	[sflag:s22] =	ssyncset.done $0x0  }
0xa0: {  	[sflag:s22] =	ssyncadd.s32 s4;
	_ =	sdelay $0x1  }
0xa1: {  	s23 =	simm.s32 $0x1B8B  }
0xa2: {  	_ =	swait.ge [sflag:s23], $0x1  }
0xa3: {  	[sflag:s23] =	ssyncset.done $0x0  }
0xa4: {  	s25 =	simm.s32 $0x1B8E;
	s24 =	sld [smem:$0x3FFE];
	[sflag:s23] =	ssyncadd.s32 $0xFFFFFFFF  }
0xa5: {  	s26 =	simm.s32 $execute0_lowered;
	[smem:$0x3FD2] =	sst s25  }
0xa6: {  	s5 =	sshll.u32 s26, $0x1;
	_ =	strace $0x8000004F;
	[dreg:$0x1] =	wrdreg $0xFFFFFFFF  }
0xa7: {  	s28 =	simm.s32 $_size_execute0_lowered;
	s3 =	sadd.s32 s3, s5;
	[dreg:$0x0] =	wrdreg $0x0  }
0xa8: {  	s5 =	sshll.u32 s28, $0x1;
	[dreg:$0x2] =	wrdreg s3  }
0xa9: {  	[dreg:$0x3] =	wrdreg s5  }
0xaa: {  	[dreg:$0x4] =	wrdreg $0xC0  }
0xab: {  	_ =	task [dreg:s7], $0x5FFFF  }
0xac: {  	[dreg:$0x1] =	wrdreg $0xFFFFFFFF  }
0xad: {  	[dreg:$0x0] =	wrdreg $0x60  }
0xae: {  	[dreg:$0x2] =	wrdreg s24  }
0xaf: {  	[dreg:$0x3] =	wrdreg s2  }
0xb0: {  	[dreg:$0x4] =	wrdreg $0x0  }
0xb1: {  	[dreg:$0x5] =	wrdreg $0x9  }
0xb2: {  	_ =	task.clear_ibuf [dreg:s7], $0x6FFFF;
	_ =	strace $0x9000004F  }
0xb3: {  	s29 =	simm.s32 $0x9;
	_ =	strace $0x80000051  }
0xb4: {  	_ =	swait.ge [sflag:s29], $0x1  }
0xb5: {  	[sflag:s29] =	ssyncadd.s32 $0xFFFFFFFF  }
0xb6: {  	_ =	strace $0x90000051  }
0xb7: {  	_ =	sfence  }
0xb8: {  	s30 =	sld [smem:$0x0];
	_ =	sdelay $0x2  }
0xb9: {  	s31 =	sshll.u32 s1, $0xD;
	s1 =	sshrl.u32 s1, $0x2  }
0xba: {  	s3 =	sand.u32 $0x4000, s31;
	s1 =	sadd.s32 s1, s30  }
0xbb: {  	s0 =	sor.u32 s3, s0;
	s1 =	sshll.u32 s1, $0x11  }
0xbc: {  	s0 =	sor.u32 s1, s0  }
0xbd: {  	s0 =	sadd.s32 $0x8F2B, s0  }
0xbe: {  	[sflag:s0] =	ssyncadd.remote.s32 $0x1  }
0xbf: {  	_ =	sfence.sel $0xFFFF  }
0xc0: {  	[dreg:$0x0] =	wrdreg $0xFFFFFFFF;
	(pc) =	sbr.abs _section_cstart, $3  }
0xc1: {  	[dreg:$0x1] =	wrdreg $0xFFFFFFFF  }
0xc2: {  	_ =	task.clear_ibuf [dreg:s7], $0x2FFFF;
	_ =	strace $0x9FFFFFFF  }
0xc3: {  	(tm) =	ssettm $0x7FFFFFFF  }
tec
execute0_lowered:
.L_overlay_start_1:
0x0: {  	(tag) =	ssettag $0x1  }
0x1: {  	s6 =	rddreg [dreg:$0x0]  }
0x2: {  	s7 =	rddreg [dreg:$0x1]  }
0x3: {  	s2 =	rddreg [dreg:$0x2]  }
0x4: {  	s0 =	rddreg [dreg:$0x3];
	s1 =	stileid.u32  }
0x5: {  	s4 =	srdreg.scid;
	s3 =	simm.s32 $0x0;
	s16 =	simm.s32 $0x15000  }
0x6: {  	s17 =	simm.s32 $0x80;
	s18 =	simm.s32 $0x16400;
	s19 =	simm.s32 $0x1A400  }
0x7: {  	s20 =	simm.s32 $0x1;
	s21 =	simm.s32 $0x2;
	s22 =	simm.s32 $0x14F80  }
0x8: {  	s23 =	simm.s32 $0x16300;
	s24 =	simm.s32 $0x16380;
	s8 =	smul.u32 $0x2800, s1  }
0x9: {  	s25 =	simm.s32 $0x0;
	s9 =	sand.u32 $0x1, s4;
	s11 =	smul.u32 $0x13C00, s1  }
0xa: {  	[smem:$0x7FF] =	sst s3;
	s4 =	sadd.s32 $0x8400, s6;
	s14 =	smul.u32 $0x4F000, s1  }
0xb: {  	s30 =	sshll.u32 s1, $0x6;
	s10 =	smul.u32 $0x13C000, s9;
	_ =	strace $0x80000050  }
0xc: {  	s26 =	ssub.s32 $0x2, s9;
	s9 =	smul.u32 $0x28000, s9;
	s5 =	sshrl.u32 s8, $0x3  }
0xd: {  	s13 =	sshrl.u32 s26, $0x1;
	s29 =	sshrl.u32 s14, $0x2;
	s12 =	sadd.s32 s5, s6  }
0xe: {  	s5 =	sadd.s32 $0x57400, s6;
	s10 =	sadd.s32 s11, s10;
	s13 =	ssub.s32 s26, s13  }
0xf: {  	s28 =	sadd.s32 s8, s9;
	s14 =	sadd.s32 s29, s2;
	s10 =	sshrl.u32 s10, $0x3  }
0x10: {  	s31 =	sshrl.u32 s28, $0x3;
	s8 =	sadd.s32 $0x3400, s12;
	s15 =	sadd.s32 s10, s6  }
0x11: {  	s6 =	sor.u32 $0x1C03, s30;
	s7 =	sadd.s32 s7, s31;
	s10 =	sadd.s32 $0x3680, s12  }
0x12: {  	s12 =	smax.u32 s13, $0x1;
	s13 =	sshrl.u32 s14, $0x3;
	s14 =	simm.s32 $0x3  }
0x13: {  	s9 =	sadd.s32 $0x280, s7;
	s11 =	sadd.s32 $0x59C00, s15;
	s15 =	simm.s32 $0x13C00  }
.LBB2_1:
0x14: {  	[spmem:s13], [sflag:s6] =	dma.local [hbm:s5], $0x2780  }
0x15: {  	_ =	swait.ge [sflag:s14], $0x2780  }
0x16: {  	[sflag:s14] =	ssyncset.done $0x0  }
0x17: {  	[sflag:s14] =	ssyncadd.s32 $0xFFFFD880  }
0x18: {  	[bflag:$0x0] =	sbarrier.arrive $0xFFFF  }
0x19: {  	[tilespmem:s15], [sflag:$0x3] =	stream.linear.gather [hbm4b:s7+s3], $0x1400, $0x38;
	[tilespmem:$0x1E400] =	vst v63  }
0x1a: {  	_ =	swait.ge [sflag:s14], $0x1400  }
0x1b: {  	[sflag:s14] =	ssyncset.done $0x0  }
0x1c: {  	[sflag:s14] =	ssyncadd.s32 $0xFFFFEC00  }
0x1d: {  	[tilespmem:s16], [sflag:$0x3] =	stream.linear.gather [hbm4b:s8+s3], $0x1400, $0x38;
	[tilespmem:$0x1E400] =	vst v63  }
0x1e: {  	_ =	swait.ge [sflag:s14], $0x1400  }
0x1f: {  	[sflag:s14] =	ssyncset.done $0x0  }
0x20: {  	[sflag:s14] =	ssyncadd.s32 $0xFFFFEC00  }
0x21: {  	[tilespmem:s18], [sflag:$0x1] =	stream.indirect.gather [hbm4b:s4+s17], $0x80, s15, s17, $0xb8;
	[tilespmem:$0x1E400] =	vst v63  }
0x22: {  	s26 =	simm.s32 $0x13C80  }
0x23: {  	[tilespmem:s19], [sflag:$0x2] =	stream.indirect.gather [hbm4b:s4+s17], $0x80, s26, s17, $0xb8;
	[tilespmem:$0x1E400] =	vst v63  }
0x24: {  	_ =	swait.ge [sflag:s20], $0x4000  }
0x25: {  	[sflag:s20] =	ssyncset.done $0x0  }
0x26: {  	s29 =	simm.s32 $0x15000;
	[sflag:s20] =	ssyncadd.s32 $0xFFFFC000  }
0x27: {  	[spmem:s2] =	stream.indirect.scatter.add.f32 [tilespmem:s18], [sflag:$0x3], $0x80, s29, s17, $0xb8;
	[tilespmem:$0x1E400] =	vst v63  }
0x28: {  	_ =	swait.ge [sflag:s14], $0x4000  }
0x29: {  	[sflag:s14] =	ssyncset.done $0x0  }
0x2a: {  	s30 =	simm.s32 $0x13D00;
	[sflag:s14] =	ssyncadd.s32 $0xFFFFC000  }
0x2b: {  	[tilespmem:s18], [sflag:$0x1] =	stream.indirect.gather [hbm4b:s4+s17], $0x80, s30, s17, $0xb8;
	[tilespmem:$0x1E400] =	vst v63  }
0x2c: {  	_ =	swait.ge [sflag:s21], $0x4000  }
0x2d: {  	[sflag:s21] =	ssyncset.done $0x0  }
0x2e: {  	s31 =	simm.s32 $0x15080;
	[sflag:s21] =	ssyncadd.s32 $0xFFFFC000  }
0x2f: {  	[spmem:s2] =	stream.indirect.scatter.add.f32 [tilespmem:s19], [sflag:$0x3], $0x80, s31, s17, $0xb8;
	[tilespmem:$0x1E400] =	vst v63  }
0x30: {  	_ =	swait.ge [sflag:s14], $0x4000  }
0x31: {  	s28 =	simm.s32 $0x800;
	s26 =	simm.s32 $0x100;
	[sflag:s14] =	ssyncset.done $0x0  }
.LBB2_2:
0x32: {  	s29 =	sadd.s32 $0x13C80, s26  }
0x33: {  	[sflag:s14] =	ssyncadd.s32 $0xFFFFC000;
	s30 =	smov.u32 s28;
	s31 =	sadd.s32 $0x400, s28  }
0x34: {  	[tilespmem:s19], [sflag:$0x2] =	stream.indirect.gather [hbm4b:s4+s17], $0x80, s29, s17, $0xb8;
	[tilespmem:$0x1E400] =	vst v63  }
0x35: {  	p0 =	sne.s32 s28, $0x4800;
	_ =	swait.ge [sflag:s20], $0x4000  }
0x36: {  	[sflag:s20] =	ssyncset.done $0x0  }
0x37: {  	s28 =	sadd.s32 $0x15000, s26;
	[sflag:s20] =	ssyncadd.s32 $0xFFFFC000  }
0x38: {  	[spmem:s2] =	stream.indirect.scatter.add.f32 [tilespmem:s18], [sflag:$0x3], $0x80, s28, s17, $0xb8;
	[tilespmem:$0x1E400] =	vst v63  }
0x39: {  	_ =	swait.ge [sflag:s14], $0x4000  }
0x3a: {  	[sflag:s14] =	ssyncset.done $0x0  }
0x3b: {  	s28 =	sadd.s32 $0x13D00, s26;
	[sflag:s14] =	ssyncadd.s32 $0xFFFFC000  }
0x3c: {  	[tilespmem:s18], [sflag:$0x1] =	stream.indirect.gather [hbm4b:s4+s17], $0x80, s28, s17, $0xb8;
	[tilespmem:$0x1E400] =	vst v63  }
0x3d: {  	_ =	swait.ge [sflag:s21], $0x4000  }
.Ltmp0:
0x3e: {  	[sflag:s21] =	ssyncset.done $0x0;
	(pc) =	sbr.rel @p0 .LBB2_2-.Ltmp0, $4  }
0x3f: {  	s26 =	sadd.s32 $0x15080, s26;
	[sflag:s21] =	ssyncadd.s32 $0xFFFFC000  }
0x40: {  	[spmem:s2] =	stream.indirect.scatter.add.f32 [tilespmem:s19], [sflag:$0x3], $0x80, s26, s17, $0xb8;
	[tilespmem:$0x1E400] =	vst v63  }
0x41: {  	_ =	swait.ge [sflag:s14], $0x4000  }
0x42: {  	s28 =	smov.u32 s31;
	s26 =	sshra.s32 s30, $0x2;
	[sflag:s14] =	ssyncset.done $0x0  }
0x43: {  	s28 =	sadd.s32 $0x13C80, s26;
	[sflag:s14] =	ssyncadd.s32 $0xFFFFC000  }
0x44: {  	[tilespmem:s19], [sflag:$0x2] =	stream.indirect.gather [hbm4b:s4+s17], $0x80, s28, s17, $0xb8;
	[tilespmem:$0x1E400] =	vst v63  }
0x45: {  	_ =	swait.ge [sflag:s20], $0x4000  }
0x46: {  	[sflag:s20] =	ssyncset.done $0x0  }
0x47: {  	s28 =	sadd.s32 $0x15000, s26;
	[sflag:s20] =	ssyncadd.s32 $0xFFFFC000  }
0x48: {  	[spmem:s2] =	stream.indirect.scatter.add.f32 [tilespmem:s18], [sflag:$0x3], $0x80, s28, s17, $0xb8;
	[tilespmem:$0x1E400] =	vst v63  }
0x49: {  	_ =	swait.ge [sflag:s14], $0x4000  }
0x4a: {  	[sflag:s14] =	ssyncset.done $0x0  }
0x4b: {  	s28 =	sadd.s32 $0x13D00, s26;
	[sflag:s14] =	ssyncadd.s32 $0xFFFFC000  }
0x4c: {  	[tilespmem:s18], [sflag:$0x1] =	stream.indirect.gather [hbm4b:s4+s17], $0x80, s28, s17, $0xb8;
	[tilespmem:$0x1E400] =	vst v63  }
0x4d: {  	_ =	swait.ge [sflag:s21], $0x4000  }
0x4e: {  	[sflag:s21] =	ssyncset.done $0x0  }
0x4f: {  	s29 =	sadd.s32 $0x15080, s26;
	[sflag:s21] =	ssyncadd.s32 $0xFFFFC000  }
0x50: {  	[spmem:s2] =	stream.indirect.scatter.add.f32 [tilespmem:s19], [sflag:$0x3], $0x80, s29, s17, $0xb8;
	[tilespmem:$0x1E400] =	vst v63  }
0x51: {  	_ =	swait.ge [sflag:s14], $0x4000  }
0x52: {  	[sflag:s14] =	ssyncset.done $0x0  }
0x53: {  	[sflag:s14] =	ssyncadd.s32 $0xFFFFC000  }
0x54: {  	[tilespmem:s19], [sflag:$0x2] =	stream.indirect.gather [hbm4b:s4+s17], $0x80, s22, s17, $0xb8;
	[tilespmem:$0x1E400] =	vst v63  }
0x55: {  	_ =	swait.ge [sflag:s20], $0x4000  }
0x56: {  	[sflag:s20] =	ssyncset.done $0x0  }
0x57: {  	[sflag:s20] =	ssyncadd.s32 $0xFFFFC000  }
0x58: {  	[spmem:s2] =	stream.indirect.scatter.add.f32 [tilespmem:s18], [sflag:$0x3], $0x80, s23, s17, $0xb8;
	[tilespmem:$0x1E400] =	vst v63  }
0x59: {  	_ =	swait.ge [sflag:s14], $0x4000  }
0x5a: {  	[sflag:s14] =	ssyncset.done $0x0  }
0x5b: {  	[sflag:s14] =	ssyncadd.s32 $0xFFFFC000  }
0x5c: {  	_ =	swait.ge [sflag:s21], $0x4000  }
0x5d: {  	[sflag:s21] =	ssyncset.done $0x0  }
0x5e: {  	[sflag:s21] =	ssyncadd.s32 $0xFFFFC000  }
0x5f: {  	[spmem:s2] =	stream.indirect.scatter.add.f32 [tilespmem:s19], [sflag:$0x3], $0x80, s24, s17, $0xb8;
	[tilespmem:$0x1E400] =	vst v63  }
0x60: {  	_ =	swait.ge [sflag:s14], $0x4000  }
0x61: {  	[sflag:s14] =	ssyncset.done $0x0  }
0x62: {  	s30 =	simm.s32 $0x0;
	[sflag:s14] =	ssyncadd.s32 $0xFFFFC000  }
0x63: {  	[tilespmem:s15], [sflag:$0x3] =	stream.linear.gather [hbm4b:s9+s30], $0x1400, $0x38;
	[tilespmem:$0x1E400] =	vst v63  }
0x64: {  	_ =	swait.ge [sflag:s14], $0x1400  }
0x65: {  	[sflag:s14] =	ssyncset.done $0x0  }
0x66: {  	[sflag:s14] =	ssyncadd.s32 $0xFFFFEC00  }
0x67: {  	[tilespmem:s16], [sflag:$0x3] =	stream.linear.gather [hbm4b:s10+s30], $0x1400, $0x38;
	[tilespmem:$0x1E400] =	vst v63  }
0x68: {  	_ =	swait.ge [sflag:s14], $0x1400  }
0x69: {  	[sflag:s14] =	ssyncset.done $0x0  }
0x6a: {  	[sflag:s14] =	ssyncadd.s32 $0xFFFFEC00  }
0x6b: {  	[tilespmem:s18], [sflag:$0x1] =	stream.indirect.gather [hbm4b:s4+s17], $0x80, s15, s17, $0xb8;
	[tilespmem:$0x1E400] =	vst v63  }
0x6c: {  	s31 =	simm.s32 $0x13C80  }
0x6d: {  	[tilespmem:s19], [sflag:$0x2] =	stream.indirect.gather [hbm4b:s4+s17], $0x80, s31, s17, $0xb8;
	[tilespmem:$0x1E400] =	vst v63  }
0x6e: {  	_ =	swait.ge [sflag:s20], $0x4000  }
0x6f: {  	[sflag:s20] =	ssyncset.done $0x0  }
0x70: {  	s29 =	simm.s32 $0x15000;
	[sflag:s20] =	ssyncadd.s32 $0xFFFFC000  }
0x71: {  	[spmem:s2] =	stream.indirect.scatter.add.f32 [tilespmem:s18], [sflag:$0x3], $0x80, s29, s17, $0xb8;
	[tilespmem:$0x1E400] =	vst v63  }
0x72: {  	_ =	swait.ge [sflag:s14], $0x4000  }
0x73: {  	[sflag:s14] =	ssyncset.done $0x0  }
0x74: {  	s30 =	simm.s32 $0x13D00;
	[sflag:s14] =	ssyncadd.s32 $0xFFFFC000  }
0x75: {  	[tilespmem:s18], [sflag:$0x1] =	stream.indirect.gather [hbm4b:s4+s17], $0x80, s30, s17, $0xb8;
	[tilespmem:$0x1E400] =	vst v63  }
0x76: {  	_ =	swait.ge [sflag:s21], $0x4000  }
0x77: {  	[sflag:s21] =	ssyncset.done $0x0  }
0x78: {  	s31 =	simm.s32 $0x15080;
	[sflag:s21] =	ssyncadd.s32 $0xFFFFC000  }
0x79: {  	[spmem:s2] =	stream.indirect.scatter.add.f32 [tilespmem:s19], [sflag:$0x3], $0x80, s31, s17, $0xb8;
	[tilespmem:$0x1E400] =	vst v63  }
0x7a: {  	_ =	swait.ge [sflag:s14], $0x4000  }
0x7b: {  	s26 =	simm.s32 $0x100;
	s28 =	simm.s32 $0x800;
	[sflag:s14] =	ssyncset.done $0x0  }
.LBB2_4:
0x7c: {  	s29 =	sadd.s32 $0x13C80, s26  }
0x7d: {  	[sflag:s14] =	ssyncadd.s32 $0xFFFFC000;
	s30 =	smov.u32 s28;
	s31 =	sadd.s32 $0x400, s28  }
0x7e: {  	[tilespmem:s19], [sflag:$0x2] =	stream.indirect.gather [hbm4b:s4+s17], $0x80, s29, s17, $0xb8;
	[tilespmem:$0x1E400] =	vst v63  }
0x7f: {  	p0 =	sne.s32 s28, $0x4800;
	_ =	swait.ge [sflag:s20], $0x4000  }
0x80: {  	[sflag:s20] =	ssyncset.done $0x0  }
0x81: {  	s28 =	sadd.s32 $0x15000, s26;
	[sflag:s20] =	ssyncadd.s32 $0xFFFFC000  }
0x82: {  	[spmem:s2] =	stream.indirect.scatter.add.f32 [tilespmem:s18], [sflag:$0x3], $0x80, s28, s17, $0xb8;
	[tilespmem:$0x1E400] =	vst v63  }
0x83: {  	_ =	swait.ge [sflag:s14], $0x4000  }
0x84: {  	[sflag:s14] =	ssyncset.done $0x0  }
0x85: {  	s28 =	sadd.s32 $0x13D00, s26;
	[sflag:s14] =	ssyncadd.s32 $0xFFFFC000  }
0x86: {  	[tilespmem:s18], [sflag:$0x1] =	stream.indirect.gather [hbm4b:s4+s17], $0x80, s28, s17, $0xb8;
	[tilespmem:$0x1E400] =	vst v63  }
0x87: {  	_ =	swait.ge [sflag:s21], $0x4000  }
.Ltmp1:
0x88: {  	[sflag:s21] =	ssyncset.done $0x0;
	(pc) =	sbr.rel @p0 .LBB2_4-.Ltmp1, $4  }
0x89: {  	s26 =	sadd.s32 $0x15080, s26;
	[sflag:s21] =	ssyncadd.s32 $0xFFFFC000  }
0x8a: {  	[spmem:s2] =	stream.indirect.scatter.add.f32 [tilespmem:s19], [sflag:$0x3], $0x80, s26, s17, $0xb8;
	[tilespmem:$0x1E400] =	vst v63  }
0x8b: {  	_ =	swait.ge [sflag:s14], $0x4000  }
0x8c: {  	s28 =	smov.u32 s31;
	s26 =	sshra.s32 s30, $0x2;
	[sflag:s14] =	ssyncset.done $0x0  }
0x8d: {  	s28 =	sadd.s32 $0x13C80, s26;
	[sflag:s14] =	ssyncadd.s32 $0xFFFFC000  }
0x8e: {  	[tilespmem:s19], [sflag:$0x2] =	stream.indirect.gather [hbm4b:s4+s17], $0x80, s28, s17, $0xb8;
	[tilespmem:$0x1E400] =	vst v63  }
0x8f: {  	_ =	swait.ge [sflag:s20], $0x4000  }
0x90: {  	[sflag:s20] =	ssyncset.done $0x0  }
0x91: {  	s29 =	sadd.s32 $0x15000, s26;
	[sflag:s20] =	ssyncadd.s32 $0xFFFFC000  }
0x92: {  	[spmem:s2] =	stream.indirect.scatter.add.f32 [tilespmem:s18], [sflag:$0x3], $0x80, s29, s17, $0xb8;
	[tilespmem:$0x1E400] =	vst v63  }
0x93: {  	_ =	swait.ge [sflag:s14], $0x4000  }
0x94: {  	[sflag:s14] =	ssyncset.done $0x0  }
0x95: {  	s30 =	sadd.s32 $0x13D00, s26;
	[sflag:s14] =	ssyncadd.s32 $0xFFFFC000  }
0x96: {  	[tilespmem:s18], [sflag:$0x1] =	stream.indirect.gather [hbm4b:s4+s17], $0x80, s30, s17, $0xb8;
	[tilespmem:$0x1E400] =	vst v63  }
0x97: {  	_ =	swait.ge [sflag:s21], $0x4000  }
0x98: {  	[sflag:s21] =	ssyncset.done $0x0  }
0x99: {  	s31 =	sadd.s32 $0x15080, s26;
	[sflag:s21] =	ssyncadd.s32 $0xFFFFC000  }
0x9a: {  	[spmem:s2] =	stream.indirect.scatter.add.f32 [tilespmem:s19], [sflag:$0x3], $0x80, s31, s17, $0xb8;
	[tilespmem:$0x1E400] =	vst v63  }
0x9b: {  	_ =	swait.ge [sflag:s14], $0x4000  }
0x9c: {  	[sflag:s14] =	ssyncset.done $0x0  }
0x9d: {  	[sflag:s14] =	ssyncadd.s32 $0xFFFFC000  }
0x9e: {  	[tilespmem:s19], [sflag:$0x2] =	stream.indirect.gather [hbm4b:s4+s17], $0x80, s22, s17, $0xb8;
	[tilespmem:$0x1E400] =	vst v63  }
0x9f: {  	_ =	swait.ge [sflag:s20], $0x4000  }
0xa0: {  	[sflag:s20] =	ssyncset.done $0x0  }
0xa1: {  	[sflag:s20] =	ssyncadd.s32 $0xFFFFC000  }
0xa2: {  	[spmem:s2] =	stream.indirect.scatter.add.f32 [tilespmem:s18], [sflag:$0x3], $0x80, s23, s17, $0xb8;
	[tilespmem:$0x1E400] =	vst v63  }
0xa3: {  	_ =	swait.ge [sflag:s14], $0x4000  }
0xa4: {  	[sflag:s14] =	ssyncset.done $0x0  }
0xa5: {  	[sflag:s14] =	ssyncadd.s32 $0xFFFFC000  }
0xa6: {  	_ =	swait.ge [sflag:s21], $0x4000  }
0xa7: {  	[sflag:s21] =	ssyncset.done $0x0  }
0xa8: {  	[sflag:s21] =	ssyncadd.s32 $0xFFFFC000  }
0xa9: {  	[spmem:s2] =	stream.indirect.scatter.add.f32 [tilespmem:s19], [sflag:$0x3], $0x80, s24, s17, $0xb8;
	[tilespmem:$0x1E400] =	vst v63  }
0xaa: {  	_ =	swait.ge [sflag:s14], $0x4000  }
0xab: {  	s25 =	sadd.s32 $0x1, s25;
	[sflag:s14] =	ssyncset.done $0x0  }
0xac: {  	p0 =	sne.s32 s25, s12;
	[sflag:s14] =	ssyncadd.s32 $0xFFFFC000  }
.Ltmp2:
0xad: {  	[bflag:$0x0] =	sbarrier.arrive $0xFFFF;
	(pc) =	sbr.rel @p0 .LBB2_1-.Ltmp2, $4  }
0xae: {  	[hbm:s11], [sflag:s6] =	dma.local [spmem:s13], $0x2780  }
0xaf: {  	_ =	swait.ge [sflag:s14], $0x2780  }
0xb0: {  	[sflag:s14] =	ssyncset.done $0x0  }
0xb1: {  	[sflag:s14] =	ssyncadd.s32 $0xFFFFD880  }
0xb2: {  	_ =	sfence.sel $0x180000  }
0xb3: {  	[bflag:$0x0] =	sbarrier.arrive $0xFFFF  }
0xb4: {  	p0 =	sne.s32 s1, $0x0;
	_ =	strace $0x90000050  }
0xb5: {  	s0 =	sadd.s32 @!p0 $0x100000, s0;
	[bflag:$0x2] =	sbarrier.arrive $0xFFFF  }
0xb6: {  	[sflag:s0] =	ssyncadd.tile.s32 @!p0 $0x1;
	_ =	shalt  }
.Lfunc_end2:
_tile_overlayer_lowered:
.L_overlay_start_2:
0xb7: {  	(tag) =	ssettag $0x2  }
0xb8: {  	s0 =	rddreg [dreg:$0x0];
	s2 =	stileid.u32  }
0xb9: {  	s1 =	rddreg [dreg:$0x1];
	p0 =	sne.s32 s2, $0x0  }
0xba: {  	s3 =	rddreg [dreg:$0x2];
	[bflag:$0x3] =	sbarrier.arrive $0xFFFF;
	s2 =	simm.s32 @!p0 $0x1C03  }
0xbb: {  	[timem:s3], [sflag:s2] =	dma.local @!p0 [hbm:s0], s1  }
0xbc: {  	s0 =	simm.s32 @!p0 $0x3  }
0xbd: {  	_ =	swait.ge @!p0 [sflag:s0], s1  }
0xbe: {  	s1 =	ssub.s32 @!p0 $0x0, s1;
	[sflag:s0] =	ssyncset.done @!p0 $0x0  }
0xbf: {  	[sflag:s0] =	ssyncadd.s32 @!p0 s1  }
0xc0: {  	[bflag:$0x3] =	sbarrier.arrive $0xFFFF  }
0xc1: {  	_ =	shalt  }

// kernel: kernel.23.cloned.1.call-start
scs
__scs_entry_jumppad:
0x0: {  	(pc) =	sbr.rel $0x88, $3  }
0x1: {  	(tag) =	ssettag $0x0;
	lr =	simm.s32 $0x1  }
0x2: {  	[smem:$0x3F93] =	sst lr;
	_ =	strace $0xD0000000  }
0x3: {  	_ = 	snop  }
0x4: {  	_ = 	snop  }
0x5: {  	_ = 	snop  }
0x6: {  	_ = 	snop  }
0x7: {  	_ = 	snop  }
__scs_overlays_trampoline_lowered:
0x8: {  	[smem:$0x3FA2] =	sst s0  }
0x9: {  	[smem:$0x3FA3] =	sst s1  }
0xa: {  	[smem:$0x3FA4] =	sst s2  }
0xb: {  	[smem:$0x3FA5] =	sst s3  }
0xc: {  	[smem:$0x3FA6] =	sst s4  }
0xd: {  	[smem:$0x3FA7] =	sst s5  }
0xe: {  	[smem:$0x3FA8] =	sst s6  }
0xf: {  	[smem:$0x3FA9] =	sst s7  }
0x10: {  	[smem:$0x3FAA] =	sst s8  }
0x11: {  	[smem:$0x3FAB] =	sst s9;
	s0 =	simm.s32 @!p0 $0x0  }
0x12: {  	s1 =	sld [smem:$0x3F91];
	s0 =	simm.s32 @p0 $0x1  }
0x13: {  	[smem:$0x3FAC] =	sst s0;
	s0 =	simm.s32 @!p1 $0x0  }
0x14: {  	s2 =	sld [smem:$0x3F90];
	s0 =	simm.s32 @p1 $0x1  }
0x15: {  	[smem:$0x3FAD] =	sst s0;
	s0 =	simm.s32 @!p2 $0x0  }
0x16: {  	s3 =	sld [smem:$0x3FDB];
	s0 =	simm.s32 @p2 $0x1  }
0x17: {  	s4 =	simm.s32 $0x1BF5;
	[smem:$0x3FAF] =	sst s0  }
0x18: {  	s0 =	sld [smem:$0x3F92];
	_ =	swait.ge [sflag:s4], $0x0  }
0x19: {  	s7 =	sld [smem:$0x3F93]  }
0x1a: {  	s8 =	sadd.s32 $0xFFFFE003, lr  }
0x1b: {  	s9 =	sadd.s32 $0xFFFFFEF7, lr;
	s5 =	simm.s32 $0xFFFFFFFF;
	p2 =	slt.u32 s8, $0xFFFFF086  }
0x1c: {  	p1 =	slt.u32 s9, $0xF7A;
	s5 =	simm.s32 @!p2 $0x0  }
0x1d: {  	s5 =	simm.s32 @p1 $0x1;
	p0 =	seq.s32 s7, s2  }
0x1e: {  	s7 =	smul.u32 @!p0 $0xF7A, s2;
	p2 =	seq.s32 @!p0 s5, $0x0  }
0x1f: {  	s9 =	smul.u32 $0xF7A, s1;
	s8 =	simm.s32 @!p0 $0x1BF5;
	p2 =	por !p2, p0  }
0x20: {  	[sflag:s8] =	ssyncset.s32 @!p0 $0xFFFFF086;
	s6 =	sadd.s32 @!p0 s3, s7;
	s7 =	simm.s32 @!p0 $0x108  }
0x21: {  	s3 =	sadd.s32 s3, s9;
	s6 =	sadd.s32 @!p0 $0x88, s6;
	s7 =	simm.s32 @p2 $0x1082  }
0x22: {  	[simem:s7], [sflag:s8] =	dma.local @!p0 [hbm:s6], $0xF7A  }
0x23: {  	s9 =	sor.u32 $0xD0000000, s2;
	s6 =	simm.s32 $0x108;
	_ =	swait.ge @!p0 [sflag:s8], $0x0  }
0x24: {  	s3 =	sadd.s32 $0x88, s3;
	s6 =	simm.s32 @!p1 $0x1082;
	[sflag:s4] =	ssyncset.s32 $0xFFFFF086  }
0x25: {  	[simem:s6], [sflag:s4] =	dma.local [hbm:s3], $0xF7A  }
0x26: {  	[smem:$0x3F93] =	sst s1;
	(tag) =	ssettag s2;
	_ =	strace s9  }
0x27: {  	s1 =	sld [smem:$0x3FA3]  }
0x28: {  	s2 =	sld [smem:$0x3FA4]  }
0x29: {  	s4 =	sld [smem:$0x3FA6]  }
0x2a: {  	p0 =	seq.s32 s5, $0x0;
	s5 =	sld [smem:$0x3FA7]  }
0x2b: {  	s6 =	sld [smem:$0x3FA8]  }
0x2c: {  	s7 =	sld [smem:$0x3FA9]  }
0x2d: {  	s3 =	simm.s32 $0x108;
	s8 =	sld [smem:$0x3FAA]  }
0x2e: {  	s3 =	simm.s32 @!p0 $0x1082;
	s9 =	sld [smem:$0x3FAB]  }
0x2f: {  	lr =	sadd.s32 s0, s3;
	s0 =	sld [smem:$0x3FA2]  }
0x30: {  	s3 =	sld [smem:$0x3FA5]  }
0x31: {  	[smem:$0x3FAE] =	sst s10  }
0x32: {  	s10 =	sld [smem:$0x3FAC];
	_ =	sdelay $0x3  }
0x33: {  	p0 =	seq.s32 s10, $0x1;
	s10 =	sld [smem:$0x3FAE];
	_ =	sdelay $0x3  }
0x34: {  	[smem:$0x3FAE] =	sst s10  }
0x35: {  	s10 =	sld [smem:$0x3FAD];
	_ =	sdelay $0x3  }
0x36: {  	p1 =	seq.s32 s10, $0x1;
	s10 =	sld [smem:$0x3FAE];
	_ =	sdelay $0x3  }
0x37: {  	[smem:$0x3FAE] =	sst s10  }
0x38: {  	s10 =	sld [smem:$0x3FAF]  }
0x39: {  	_ = 	snop;
	(pc) =	sbr.ind lr, $3  }
0x3a: {  	_ = 	snop  }
0x3b: {  	_ = 	snop  }
0x3c: {  	p2 =	seq.s32 s10, $0x1;
	s10 =	sld [smem:$0x3FAE]  }
0x3d: {  	_ =	shalt  }
0x3e: {  	_ =	shalt  }
0x3f: {  	_ =	shalt  }
0x40: {  	_ =	shalt  }
0x41: {  	_ =	shalt  }
0x42: {  	_ =	shalt  }
0x43: {  	_ =	shalt  }
0x44: {  	_ =	shalt  }
0x45: {  	_ =	shalt  }
0x46: {  	_ =	shalt  }
0x47: {  	_ =	shalt  }
0x48: {  	_ =	shalt  }
0x49: {  	_ =	shalt  }
0x4a: {  	_ =	shalt  }
0x4b: {  	_ =	shalt  }
0x4c: {  	_ =	shalt  }
0x4d: {  	_ =	shalt  }
0x4e: {  	_ =	shalt  }
0x4f: {  	_ =	shalt  }
0x50: {  	_ =	shalt  }
0x51: {  	_ =	shalt  }
0x52: {  	_ =	shalt  }
0x53: {  	_ =	shalt  }
0x54: {  	_ =	shalt  }
0x55: {  	_ =	shalt  }
0x56: {  	_ =	shalt  }
0x57: {  	_ =	shalt  }
0x58: {  	_ =	shalt  }
0x59: {  	_ =	shalt  }
0x5a: {  	_ =	shalt  }
0x5b: {  	_ =	shalt  }
0x5c: {  	_ =	shalt  }
0x5d: {  	_ =	shalt  }
0x5e: {  	_ =	shalt  }
0x5f: {  	_ =	shalt  }
0x60: {  	_ =	shalt  }
0x61: {  	_ =	shalt  }
0x62: {  	_ =	shalt  }
0x63: {  	_ =	shalt  }
0x64: {  	_ =	shalt  }
0x65: {  	_ =	shalt  }
0x66: {  	_ =	shalt  }
0x67: {  	_ =	shalt  }
0x68: {  	_ =	shalt  }
0x69: {  	_ =	shalt  }
0x6a: {  	_ =	shalt  }
0x6b: {  	_ =	shalt  }
0x6c: {  	_ =	shalt  }
0x6d: {  	_ =	shalt  }
0x6e: {  	_ =	shalt  }
0x6f: {  	_ =	shalt  }
0x70: {  	_ =	shalt  }
0x71: {  	_ =	shalt  }
0x72: {  	_ =	shalt  }
0x73: {  	_ =	shalt  }
0x74: {  	_ =	shalt  }
0x75: {  	_ =	shalt  }
0x76: {  	_ =	shalt  }
0x77: {  	_ =	shalt  }
0x78: {  	_ =	shalt  }
0x79: {  	_ =	shalt  }
0x7a: {  	_ =	shalt  }
0x7b: {  	_ =	shalt  }
0x7c: {  	_ =	shalt  }
0x7d: {  	_ =	shalt  }
0x7e: {  	_ =	shalt  }
0x7f: {  	_ =	shalt  }
0x80: {  	_ =	shalt  }
0x81: {  	_ =	shalt  }
0x82: {  	_ =	shalt  }
0x83: {  	_ =	shalt  }
0x84: {  	_ =	shalt  }
0x85: {  	_ =	shalt  }
0x86: {  	_ =	shalt  }
0x87: {  	_ =	shalt  }
.Lfunc_end0:
.L_simem_size_0:
called_computation.4_lowered:
.L_overlay_start_0:
0x88: {  	s2 =	sld [smem:$0x3FD9]  }
0x89: {  	s3 =	sld [smem:$0x3FFE];
	_ =	sdelay $0x1  }
0x8a: {  	s1 =	srdreg.scid  }
0x8b: {  	s0 =	sand.u32 $0x1, s1  }
0x8c: {  	s17 =	sshll.u32 s0, $0xA;
	s2 =	sadd.s32 s3, s2  }
0x8d: {  	s2 =	sadd.s32 s2, s17  }
0x8e: {  	[smem:$0x3FBA] =	sst s2  }
0x8f: {  	_ = 	snop  }
0x90: {  	s2 =	sld [smem:$0x3FD0];
	(tm) =	ssettm $0x1  }
0x91: {  	s18 =	sld [smem:$0x3FFB];
	_ =	sdelay $0x3  }
0x92: {  	_ =	strace s18  }
0x93: {  	s3 =	sld [smem:$0x3FFC];
	_ =	sdelay $0x3  }
0x94: {  	_ =	strace s3  }
0x95: {  	s3 =	sld [smem:$0x3FFD];
	_ =	sdelay $0x3  }
0x96: {  	_ =	strace s3  }
0x97: {  	_ =	strace $0x8FFFFFFF  }
0x98: {  	s19 =	sld [smem:$0x3FDB];
	_ =	sdelay $0x1  }
0x99: {  	s4 =	simm.s32 $_scs_section_size  }
0x9a: {  	s5 =	simm.s32 $_size__tile_overlayer_lowered;
	s6 =	simm.s32 $_tile_overlayer_lowered  }
0x9b: {  	s22 =	simm.s32 $0x1BFF;
	s21 =	sshll.u32 s6, $0x1;
	s3 =	sadd.s32 s4, s19  }
0x9c: {  	s7 =	simm.s32 $0x0;
	s20 =	sshll.u32 s5, $0x1;
	s5 =	sadd.s32 s21, s3  }
0x9d: {  	[timem:s7], [sflag:s22] =	dma.local [hbm:s5], s20  }
0x9e: {  	_ =	swait.ge [sflag:s22], s20  }
0x9f: {  	s4 =	ssub.s32 $0x0, s20;
	[sflag:s22] =	ssyncset.done $0x0  }
0xa0: {  	[sflag:s22] =	ssyncadd.s32 s4;
	_ =	sdelay $0x1  }
0xa1: {  	s23 =	simm.s32 $0x1B8B  }
0xa2: {  	_ =	swait.ge [sflag:s23], $0x1  }
0xa3: {  	[sflag:s23] =	ssyncset.done $0x0  }
0xa4: {  	s25 =	simm.s32 $0x1B8E;
	s24 =	sld [smem:$0x3FFE];
	[sflag:s23] =	ssyncadd.s32 $0xFFFFFFFF  }
0xa5: {  	s26 =	simm.s32 $execute0_lowered;
	[smem:$0x3FD2] =	sst s25  }
0xa6: {  	s5 =	sshll.u32 s26, $0x1;
	_ =	strace $0x80000052;
	[dreg:$0x1] =	wrdreg $0xFFFFFFFF  }
0xa7: {  	s28 =	simm.s32 $_size_execute0_lowered;
	s3 =	sadd.s32 s3, s5;
	[dreg:$0x0] =	wrdreg $0x0  }
0xa8: {  	s5 =	sshll.u32 s28, $0x1;
	[dreg:$0x2] =	wrdreg s3  }
0xa9: {  	[dreg:$0x3] =	wrdreg s5  }
0xaa: {  	[dreg:$0x4] =	wrdreg $0xC0  }
0xab: {  	_ =	task [dreg:s7], $0x5FFFF  }
0xac: {  	[dreg:$0x1] =	wrdreg $0xFFFFFFFF  }
0xad: {  	[dreg:$0x0] =	wrdreg $0x60  }
0xae: {  	[dreg:$0x2] =	wrdreg s24  }
0xaf: {  	[dreg:$0x3] =	wrdreg s2  }
0xb0: {  	[dreg:$0x4] =	wrdreg $0x0  }
0xb1: {  	[dreg:$0x5] =	wrdreg $0x9  }
0xb2: {  	_ =	task.clear_ibuf [dreg:s7], $0x6FFFF;
	_ =	strace $0x90000052  }
0xb3: {  	s29 =	simm.s32 $0x9;
	_ =	strace $0x80000054  }
0xb4: {  	_ =	swait.ge [sflag:s29], $0x1  }
0xb5: {  	[sflag:s29] =	ssyncadd.s32 $0xFFFFFFFF  }
0xb6: {  	_ =	strace $0x90000054  }
0xb7: {  	_ =	sfence  }
0xb8: {  	s30 =	sld [smem:$0x0];
	_ =	sdelay $0x2  }
0xb9: {  	s31 =	sshll.u32 s1, $0xD;
	s1 =	sshrl.u32 s1, $0x2  }
0xba: {  	s3 =	sand.u32 $0x4000, s31;
	s1 =	sadd.s32 s1, s30  }
0xbb: {  	s0 =	sor.u32 s3, s0;
	s1 =	sshll.u32 s1, $0x11  }
0xbc: {  	s0 =	sor.u32 s1, s0  }
0xbd: {  	s0 =	sadd.s32 $0x8F2B, s0  }
0xbe: {  	[sflag:s0] =	ssyncadd.remote.s32 $0x1  }
0xbf: {  	_ =	sfence.sel $0xFFFF  }
0xc0: {  	[dreg:$0x0] =	wrdreg $0xFFFFFFFF;
	(pc) =	sbr.abs _section_cstart, $3  }
0xc1: {  	[dreg:$0x1] =	wrdreg $0xFFFFFFFF  }
0xc2: {  	_ =	task.clear_ibuf [dreg:s7], $0x2FFFF;
	_ =	strace $0x9FFFFFFF  }
0xc3: {  	(tm) =	ssettm $0x7FFFFFFF  }
tec
execute0_lowered:
.L_overlay_start_1:
0x0: {  	(tag) =	ssettag $0x1  }
0x1: {  	s6 =	rddreg [dreg:$0x0]  }
0x2: {  	s7 =	rddreg [dreg:$0x1]  }
0x3: {  	s2 =	rddreg [dreg:$0x2]  }
0x4: {  	s0 =	rddreg [dreg:$0x3];
	s1 =	stileid.u32  }
0x5: {  	s4 =	srdreg.scid;
	s3 =	simm.s32 $0x0;
	s16 =	simm.s32 $0x15000  }
0x6: {  	s17 =	simm.s32 $0x80;
	s18 =	simm.s32 $0x16400;
	s19 =	simm.s32 $0x1A400  }
0x7: {  	s20 =	simm.s32 $0x1;
	s21 =	simm.s32 $0x2;
	s22 =	simm.s32 $0x14F80  }
0x8: {  	s23 =	simm.s32 $0x16300;
	s24 =	simm.s32 $0x16380;
	s8 =	smul.u32 $0x2800, s1  }
0x9: {  	s25 =	simm.s32 $0x0;
	s9 =	sand.u32 $0x1, s4;
	s11 =	smul.u32 $0x13C00, s1  }
0xa: {  	[smem:$0x7FF] =	sst s3;
	s4 =	sadd.s32 $0x8400, s6;
	s14 =	smul.u32 $0x4F000, s1  }
0xb: {  	s30 =	sshll.u32 s1, $0x6;
	s10 =	smul.u32 $0x13C000, s9;
	_ =	strace $0x80000053  }
0xc: {  	s26 =	ssub.s32 $0x2, s9;
	s9 =	smul.u32 $0x28000, s9;
	s5 =	sshrl.u32 s8, $0x3  }
0xd: {  	s13 =	sshrl.u32 s26, $0x1;
	s29 =	sshrl.u32 s14, $0x2;
	s12 =	sadd.s32 s5, s6  }
0xe: {  	s5 =	sadd.s32 $0x57400, s6;
	s10 =	sadd.s32 s11, s10;
	s13 =	ssub.s32 s26, s13  }
0xf: {  	s28 =	sadd.s32 s8, s9;
	s14 =	sadd.s32 s29, s2;
	s10 =	sshrl.u32 s10, $0x3  }
0x10: {  	s31 =	sshrl.u32 s28, $0x3;
	s8 =	sadd.s32 $0x3400, s12;
	s15 =	sadd.s32 s10, s6  }
0x11: {  	s6 =	sor.u32 $0x1C03, s30;
	s7 =	sadd.s32 s7, s31;
	s10 =	sadd.s32 $0x3680, s12  }
0x12: {  	s12 =	smax.u32 s13, $0x1;
	s13 =	sshrl.u32 s14, $0x3;
	s14 =	simm.s32 $0x3  }
0x13: {  	s9 =	sadd.s32 $0x280, s7;
	s11 =	sadd.s32 $0x59C00, s15;
	s15 =	simm.s32 $0x13C00  }
.LBB2_1:
0x14: {  	[spmem:s13], [sflag:s6] =	dma.local [hbm:s5], $0x2780  }
0x15: {  	_ =	swait.ge [sflag:s14], $0x2780  }
0x16: {  	[sflag:s14] =	ssyncset.done $0x0  }
0x17: {  	[sflag:s14] =	ssyncadd.s32 $0xFFFFD880  }
0x18: {  	[bflag:$0x0] =	sbarrier.arrive $0xFFFF  }
0x19: {  	[tilespmem:s15], [sflag:$0x3] =	stream.linear.gather [hbm4b:s7+s3], $0x1400, $0x38;
	[tilespmem:$0x1E400] =	vst v63  }
0x1a: {  	_ =	swait.ge [sflag:s14], $0x1400  }
0x1b: {  	[sflag:s14] =	ssyncset.done $0x0  }
0x1c: {  	[sflag:s14] =	ssyncadd.s32 $0xFFFFEC00  }
0x1d: {  	[tilespmem:s16], [sflag:$0x3] =	stream.linear.gather [hbm4b:s8+s3], $0x1400, $0x38;
	[tilespmem:$0x1E400] =	vst v63  }
0x1e: {  	_ =	swait.ge [sflag:s14], $0x1400  }
0x1f: {  	[sflag:s14] =	ssyncset.done $0x0  }
0x20: {  	[sflag:s14] =	ssyncadd.s32 $0xFFFFEC00  }
0x21: {  	[tilespmem:s18], [sflag:$0x1] =	stream.indirect.gather [hbm4b:s4+s17], $0x80, s15, s17, $0xb8;
	[tilespmem:$0x1E400] =	vst v63  }
0x22: {  	s26 =	simm.s32 $0x13C80  }
0x23: {  	[tilespmem:s19], [sflag:$0x2] =	stream.indirect.gather [hbm4b:s4+s17], $0x80, s26, s17, $0xb8;
	[tilespmem:$0x1E400] =	vst v63  }
0x24: {  	_ =	swait.ge [sflag:s20], $0x4000  }
0x25: {  	[sflag:s20] =	ssyncset.done $0x0  }
0x26: {  	s29 =	simm.s32 $0x15000;
	[sflag:s20] =	ssyncadd.s32 $0xFFFFC000  }
0x27: {  	[spmem:s2] =	stream.indirect.scatter.add.f32 [tilespmem:s18], [sflag:$0x3], $0x80, s29, s17, $0xb8;
	[tilespmem:$0x1E400] =	vst v63  }
0x28: {  	_ =	swait.ge [sflag:s14], $0x4000  }
0x29: {  	[sflag:s14] =	ssyncset.done $0x0  }
0x2a: {  	s30 =	simm.s32 $0x13D00;
	[sflag:s14] =	ssyncadd.s32 $0xFFFFC000  }
0x2b: {  	[tilespmem:s18], [sflag:$0x1] =	stream.indirect.gather [hbm4b:s4+s17], $0x80, s30, s17, $0xb8;
	[tilespmem:$0x1E400] =	vst v63  }
0x2c: {  	_ =	swait.ge [sflag:s21], $0x4000  }
0x2d: {  	[sflag:s21] =	ssyncset.done $0x0  }
0x2e: {  	s31 =	simm.s32 $0x15080;
	[sflag:s21] =	ssyncadd.s32 $0xFFFFC000  }
0x2f: {  	[spmem:s2] =	stream.indirect.scatter.add.f32 [tilespmem:s19], [sflag:$0x3], $0x80, s31, s17, $0xb8;
	[tilespmem:$0x1E400] =	vst v63  }
0x30: {  	_ =	swait.ge [sflag:s14], $0x4000  }
0x31: {  	s28 =	simm.s32 $0x800;
	s26 =	simm.s32 $0x100;
	[sflag:s14] =	ssyncset.done $0x0  }
.LBB2_2:
0x32: {  	s29 =	sadd.s32 $0x13C80, s26  }
0x33: {  	[sflag:s14] =	ssyncadd.s32 $0xFFFFC000;
	s30 =	smov.u32 s28;
	s31 =	sadd.s32 $0x400, s28  }
0x34: {  	[tilespmem:s19], [sflag:$0x2] =	stream.indirect.gather [hbm4b:s4+s17], $0x80, s29, s17, $0xb8;
	[tilespmem:$0x1E400] =	vst v63  }
0x35: {  	p0 =	sne.s32 s28, $0x4800;
	_ =	swait.ge [sflag:s20], $0x4000  }
0x36: {  	[sflag:s20] =	ssyncset.done $0x0  }
0x37: {  	s28 =	sadd.s32 $0x15000, s26;
	[sflag:s20] =	ssyncadd.s32 $0xFFFFC000  }
0x38: {  	[spmem:s2] =	stream.indirect.scatter.add.f32 [tilespmem:s18], [sflag:$0x3], $0x80, s28, s17, $0xb8;
	[tilespmem:$0x1E400] =	vst v63  }
0x39: {  	_ =	swait.ge [sflag:s14], $0x4000  }
0x3a: {  	[sflag:s14] =	ssyncset.done $0x0  }
0x3b: {  	s28 =	sadd.s32 $0x13D00, s26;
	[sflag:s14] =	ssyncadd.s32 $0xFFFFC000  }
0x3c: {  	[tilespmem:s18], [sflag:$0x1] =	stream.indirect.gather [hbm4b:s4+s17], $0x80, s28, s17, $0xb8;
	[tilespmem:$0x1E400] =	vst v63  }
0x3d: {  	_ =	swait.ge [sflag:s21], $0x4000  }
.Ltmp0:
0x3e: {  	[sflag:s21] =	ssyncset.done $0x0;
	(pc) =	sbr.rel @p0 .LBB2_2-.Ltmp0, $4  }
0x3f: {  	s26 =	sadd.s32 $0x15080, s26;
	[sflag:s21] =	ssyncadd.s32 $0xFFFFC000  }
0x40: {  	[spmem:s2] =	stream.indirect.scatter.add.f32 [tilespmem:s19], [sflag:$0x3], $0x80, s26, s17, $0xb8;
	[tilespmem:$0x1E400] =	vst v63  }
0x41: {  	_ =	swait.ge [sflag:s14], $0x4000  }
0x42: {  	s28 =	smov.u32 s31;
	s26 =	sshra.s32 s30, $0x2;
	[sflag:s14] =	ssyncset.done $0x0  }
0x43: {  	s28 =	sadd.s32 $0x13C80, s26;
	[sflag:s14] =	ssyncadd.s32 $0xFFFFC000  }
0x44: {  	[tilespmem:s19], [sflag:$0x2] =	stream.indirect.gather [hbm4b:s4+s17], $0x80, s28, s17, $0xb8;
	[tilespmem:$0x1E400] =	vst v63  }
0x45: {  	_ =	swait.ge [sflag:s20], $0x4000  }
0x46: {  	[sflag:s20] =	ssyncset.done $0x0  }
0x47: {  	s28 =	sadd.s32 $0x15000, s26;
	[sflag:s20] =	ssyncadd.s32 $0xFFFFC000  }
0x48: {  	[spmem:s2] =	stream.indirect.scatter.add.f32 [tilespmem:s18], [sflag:$0x3], $0x80, s28, s17, $0xb8;
	[tilespmem:$0x1E400] =	vst v63  }
0x49: {  	_ =	swait.ge [sflag:s14], $0x4000  }
0x4a: {  	[sflag:s14] =	ssyncset.done $0x0  }
0x4b: {  	s28 =	sadd.s32 $0x13D00, s26;
	[sflag:s14] =	ssyncadd.s32 $0xFFFFC000  }
0x4c: {  	[tilespmem:s18], [sflag:$0x1] =	stream.indirect.gather [hbm4b:s4+s17], $0x80, s28, s17, $0xb8;
	[tilespmem:$0x1E400] =	vst v63  }
0x4d: {  	_ =	swait.ge [sflag:s21], $0x4000  }
0x4e: {  	[sflag:s21] =	ssyncset.done $0x0  }
0x4f: {  	s29 =	sadd.s32 $0x15080, s26;
	[sflag:s21] =	ssyncadd.s32 $0xFFFFC000  }
0x50: {  	[spmem:s2] =	stream.indirect.scatter.add.f32 [tilespmem:s19], [sflag:$0x3], $0x80, s29, s17, $0xb8;
	[tilespmem:$0x1E400] =	vst v63  }
0x51: {  	_ =	swait.ge [sflag:s14], $0x4000  }
0x52: {  	[sflag:s14] =	ssyncset.done $0x0  }
0x53: {  	[sflag:s14] =	ssyncadd.s32 $0xFFFFC000  }
0x54: {  	[tilespmem:s19], [sflag:$0x2] =	stream.indirect.gather [hbm4b:s4+s17], $0x80, s22, s17, $0xb8;
	[tilespmem:$0x1E400] =	vst v63  }
0x55: {  	_ =	swait.ge [sflag:s20], $0x4000  }
0x56: {  	[sflag:s20] =	ssyncset.done $0x0  }
0x57: {  	[sflag:s20] =	ssyncadd.s32 $0xFFFFC000  }
0x58: {  	[spmem:s2] =	stream.indirect.scatter.add.f32 [tilespmem:s18], [sflag:$0x3], $0x80, s23, s17, $0xb8;
	[tilespmem:$0x1E400] =	vst v63  }
0x59: {  	_ =	swait.ge [sflag:s14], $0x4000  }
0x5a: {  	[sflag:s14] =	ssyncset.done $0x0  }
0x5b: {  	[sflag:s14] =	ssyncadd.s32 $0xFFFFC000  }
0x5c: {  	_ =	swait.ge [sflag:s21], $0x4000  }
0x5d: {  	[sflag:s21] =	ssyncset.done $0x0  }
0x5e: {  	[sflag:s21] =	ssyncadd.s32 $0xFFFFC000  }
0x5f: {  	[spmem:s2] =	stream.indirect.scatter.add.f32 [tilespmem:s19], [sflag:$0x3], $0x80, s24, s17, $0xb8;
	[tilespmem:$0x1E400] =	vst v63  }
0x60: {  	_ =	swait.ge [sflag:s14], $0x4000  }
0x61: {  	[sflag:s14] =	ssyncset.done $0x0  }
0x62: {  	s30 =	simm.s32 $0x0;
	[sflag:s14] =	ssyncadd.s32 $0xFFFFC000  }
0x63: {  	[tilespmem:s15], [sflag:$0x3] =	stream.linear.gather [hbm4b:s9+s30], $0x1400, $0x38;
	[tilespmem:$0x1E400] =	vst v63  }
0x64: {  	_ =	swait.ge [sflag:s14], $0x1400  }
0x65: {  	[sflag:s14] =	ssyncset.done $0x0  }
0x66: {  	[sflag:s14] =	ssyncadd.s32 $0xFFFFEC00  }
0x67: {  	[tilespmem:s16], [sflag:$0x3] =	stream.linear.gather [hbm4b:s10+s30], $0x1400, $0x38;
	[tilespmem:$0x1E400] =	vst v63  }
0x68: {  	_ =	swait.ge [sflag:s14], $0x1400  }
0x69: {  	[sflag:s14] =	ssyncset.done $0x0  }
0x6a: {  	[sflag:s14] =	ssyncadd.s32 $0xFFFFEC00  }
0x6b: {  	[tilespmem:s18], [sflag:$0x1] =	stream.indirect.gather [hbm4b:s4+s17], $0x80, s15, s17, $0xb8;
	[tilespmem:$0x1E400] =	vst v63  }
0x6c: {  	s31 =	simm.s32 $0x13C80  }
0x6d: {  	[tilespmem:s19], [sflag:$0x2] =	stream.indirect.gather [hbm4b:s4+s17], $0x80, s31, s17, $0xb8;
	[tilespmem:$0x1E400] =	vst v63  }
0x6e: {  	_ =	swait.ge [sflag:s20], $0x4000  }
0x6f: {  	[sflag:s20] =	ssyncset.done $0x0  }
0x70: {  	s29 =	simm.s32 $0x15000;
	[sflag:s20] =	ssyncadd.s32 $0xFFFFC000  }
0x71: {  	[spmem:s2] =	stream.indirect.scatter.add.f32 [tilespmem:s18], [sflag:$0x3], $0x80, s29, s17, $0xb8;
	[tilespmem:$0x1E400] =	vst v63  }
0x72: {  	_ =	swait.ge [sflag:s14], $0x4000  }
0x73: {  	[sflag:s14] =	ssyncset.done $0x0  }
0x74: {  	s30 =	simm.s32 $0x13D00;
	[sflag:s14] =	ssyncadd.s32 $0xFFFFC000  }
0x75: {  	[tilespmem:s18], [sflag:$0x1] =	stream.indirect.gather [hbm4b:s4+s17], $0x80, s30, s17, $0xb8;
	[tilespmem:$0x1E400] =	vst v63  }
0x76: {  	_ =	swait.ge [sflag:s21], $0x4000  }
0x77: {  	[sflag:s21] =	ssyncset.done $0x0  }
0x78: {  	s31 =	simm.s32 $0x15080;
	[sflag:s21] =	ssyncadd.s32 $0xFFFFC000  }
0x79: {  	[spmem:s2] =	stream.indirect.scatter.add.f32 [tilespmem:s19], [sflag:$0x3], $0x80, s31, s17, $0xb8;
	[tilespmem:$0x1E400] =	vst v63  }
0x7a: {  	_ =	swait.ge [sflag:s14], $0x4000  }
0x7b: {  	s26 =	simm.s32 $0x100;
	s28 =	simm.s32 $0x800;
	[sflag:s14] =	ssyncset.done $0x0  }
.LBB2_4:
0x7c: {  	s29 =	sadd.s32 $0x13C80, s26  }
0x7d: {  	[sflag:s14] =	ssyncadd.s32 $0xFFFFC000;
	s30 =	smov.u32 s28;
	s31 =	sadd.s32 $0x400, s28  }
0x7e: {  	[tilespmem:s19], [sflag:$0x2] =	stream.indirect.gather [hbm4b:s4+s17], $0x80, s29, s17, $0xb8;
	[tilespmem:$0x1E400] =	vst v63  }
0x7f: {  	p0 =	sne.s32 s28, $0x4800;
	_ =	swait.ge [sflag:s20], $0x4000  }
0x80: {  	[sflag:s20] =	ssyncset.done $0x0  }
0x81: {  	s28 =	sadd.s32 $0x15000, s26;
	[sflag:s20] =	ssyncadd.s32 $0xFFFFC000  }
0x82: {  	[spmem:s2] =	stream.indirect.scatter.add.f32 [tilespmem:s18], [sflag:$0x3], $0x80, s28, s17, $0xb8;
	[tilespmem:$0x1E400] =	vst v63  }
0x83: {  	_ =	swait.ge [sflag:s14], $0x4000  }
0x84: {  	[sflag:s14] =	ssyncset.done $0x0  }
0x85: {  	s28 =	sadd.s32 $0x13D00, s26;
	[sflag:s14] =	ssyncadd.s32 $0xFFFFC000  }
0x86: {  	[tilespmem:s18], [sflag:$0x1] =	stream.indirect.gather [hbm4b:s4+s17], $0x80, s28, s17, $0xb8;
	[tilespmem:$0x1E400] =	vst v63  }
0x87: {  	_ =	swait.ge [sflag:s21], $0x4000  }
.Ltmp1:
0x88: {  	[sflag:s21] =	ssyncset.done $0x0;
	(pc) =	sbr.rel @p0 .LBB2_4-.Ltmp1, $4  }
0x89: {  	s26 =	sadd.s32 $0x15080, s26;
	[sflag:s21] =	ssyncadd.s32 $0xFFFFC000  }
0x8a: {  	[spmem:s2] =	stream.indirect.scatter.add.f32 [tilespmem:s19], [sflag:$0x3], $0x80, s26, s17, $0xb8;
	[tilespmem:$0x1E400] =	vst v63  }
0x8b: {  	_ =	swait.ge [sflag:s14], $0x4000  }
0x8c: {  	s28 =	smov.u32 s31;
	s26 =	sshra.s32 s30, $0x2;
	[sflag:s14] =	ssyncset.done $0x0  }
0x8d: {  	s28 =	sadd.s32 $0x13C80, s26;
	[sflag:s14] =	ssyncadd.s32 $0xFFFFC000  }
0x8e: {  	[tilespmem:s19], [sflag:$0x2] =	stream.indirect.gather [hbm4b:s4+s17], $0x80, s28, s17, $0xb8;
	[tilespmem:$0x1E400] =	vst v63  }
0x8f: {  	_ =	swait.ge [sflag:s20], $0x4000  }
0x90: {  	[sflag:s20] =	ssyncset.done $0x0  }
0x91: {  	s29 =	sadd.s32 $0x15000, s26;
	[sflag:s20] =	ssyncadd.s32 $0xFFFFC000  }
0x92: {  	[spmem:s2] =	stream.indirect.scatter.add.f32 [tilespmem:s18], [sflag:$0x3], $0x80, s29, s17, $0xb8;
	[tilespmem:$0x1E400] =	vst v63  }
0x93: {  	_ =	swait.ge [sflag:s14], $0x4000  }
0x94: {  	[sflag:s14] =	ssyncset.done $0x0  }
0x95: {  	s30 =	sadd.s32 $0x13D00, s26;
	[sflag:s14] =	ssyncadd.s32 $0xFFFFC000  }
0x96: {  	[tilespmem:s18], [sflag:$0x1] =	stream.indirect.gather [hbm4b:s4+s17], $0x80, s30, s17, $0xb8;
	[tilespmem:$0x1E400] =	vst v63  }
0x97: {  	_ =	swait.ge [sflag:s21], $0x4000  }
0x98: {  	[sflag:s21] =	ssyncset.done $0x0  }
0x99: {  	s31 =	sadd.s32 $0x15080, s26;
	[sflag:s21] =	ssyncadd.s32 $0xFFFFC000  }
0x9a: {  	[spmem:s2] =	stream.indirect.scatter.add.f32 [tilespmem:s19], [sflag:$0x3], $0x80, s31, s17, $0xb8;
	[tilespmem:$0x1E400] =	vst v63  }
0x9b: {  	_ =	swait.ge [sflag:s14], $0x4000  }
0x9c: {  	[sflag:s14] =	ssyncset.done $0x0  }
0x9d: {  	[sflag:s14] =	ssyncadd.s32 $0xFFFFC000  }
0x9e: {  	[tilespmem:s19], [sflag:$0x2] =	stream.indirect.gather [hbm4b:s4+s17], $0x80, s22, s17, $0xb8;
	[tilespmem:$0x1E400] =	vst v63  }
0x9f: {  	_ =	swait.ge [sflag:s20], $0x4000  }
0xa0: {  	[sflag:s20] =	ssyncset.done $0x0  }
0xa1: {  	[sflag:s20] =	ssyncadd.s32 $0xFFFFC000  }
0xa2: {  	[spmem:s2] =	stream.indirect.scatter.add.f32 [tilespmem:s18], [sflag:$0x3], $0x80, s23, s17, $0xb8;
	[tilespmem:$0x1E400] =	vst v63  }
0xa3: {  	_ =	swait.ge [sflag:s14], $0x4000  }
0xa4: {  	[sflag:s14] =	ssyncset.done $0x0  }
0xa5: {  	[sflag:s14] =	ssyncadd.s32 $0xFFFFC000  }
0xa6: {  	_ =	swait.ge [sflag:s21], $0x4000  }
0xa7: {  	[sflag:s21] =	ssyncset.done $0x0  }
0xa8: {  	[sflag:s21] =	ssyncadd.s32 $0xFFFFC000  }
0xa9: {  	[spmem:s2] =	stream.indirect.scatter.add.f32 [tilespmem:s19], [sflag:$0x3], $0x80, s24, s17, $0xb8;
	[tilespmem:$0x1E400] =	vst v63  }
0xaa: {  	_ =	swait.ge [sflag:s14], $0x4000  }
0xab: {  	s25 =	sadd.s32 $0x1, s25;
	[sflag:s14] =	ssyncset.done $0x0  }
0xac: {  	p0 =	sne.s32 s25, s12;
	[sflag:s14] =	ssyncadd.s32 $0xFFFFC000  }
.Ltmp2:
0xad: {  	[bflag:$0x0] =	sbarrier.arrive $0xFFFF;
	(pc) =	sbr.rel @p0 .LBB2_1-.Ltmp2, $4  }
0xae: {  	[hbm:s11], [sflag:s6] =	dma.local [spmem:s13], $0x2780  }
0xaf: {  	_ =	swait.ge [sflag:s14], $0x2780  }
0xb0: {  	[sflag:s14] =	ssyncset.done $0x0  }
0xb1: {  	[sflag:s14] =	ssyncadd.s32 $0xFFFFD880  }
0xb2: {  	_ =	sfence.sel $0x180000  }
0xb3: {  	[bflag:$0x0] =	sbarrier.arrive $0xFFFF  }
0xb4: {  	p0 =	sne.s32 s1, $0x0;
	_ =	strace $0x90000053  }
0xb5: {  	s0 =	sadd.s32 @!p0 $0x100000, s0;
	[bflag:$0x2] =	sbarrier.arrive $0xFFFF  }
0xb6: {  	[sflag:s0] =	ssyncadd.tile.s32 @!p0 $0x1;
	_ =	shalt  }
.Lfunc_end2:
_tile_overlayer_lowered:
.L_overlay_start_2:
0xb7: {  	(tag) =	ssettag $0x2  }
0xb8: {  	s0 =	rddreg [dreg:$0x0];
	s2 =	stileid.u32  }
0xb9: {  	s1 =	rddreg [dreg:$0x1];
	p0 =	sne.s32 s2, $0x0  }
0xba: {  	s3 =	rddreg [dreg:$0x2];
	[bflag:$0x3] =	sbarrier.arrive $0xFFFF;
	s2 =	simm.s32 @!p0 $0x1C03  }
0xbb: {  	[timem:s3], [sflag:s2] =	dma.local @!p0 [hbm:s0], s1  }
0xbc: {  	s0 =	simm.s32 @!p0 $0x3  }
0xbd: {  	_ =	swait.ge @!p0 [sflag:s0], s1  }
0xbe: {  	s1 =	ssub.s32 @!p0 $0x0, s1;
	[sflag:s0] =	ssyncset.done @!p0 $0x0  }
0xbf: {  	[sflag:s0] =	ssyncadd.s32 @!p0 s1  }
0xc0: {  	[bflag:$0x3] =	sbarrier.arrive $0xFFFF  }
0xc1: {  	_ =	shalt  }

</sc_bundles>
